<compile_context>
chip_gen: v7x
topology: tpu7x:2x2x1
jax: 0.10.2.dev20260603
libtpu: 0.0.44.dev20260713+nightly
codegen_flags: <defaults>
</compile_context>

<pallas_src>
import functools

import jax
import jax.numpy as jnp
from jax import lax
from jax.experimental import pallas as pl
from jax.experimental.pallas import tpu as pltpu
from jax.experimental.pallas import tpu_sc as plsc

B, S, D = 4, 8192, 1024
NC, NS, L = 2, 16, 16
NW = NC * NS
ROWS_W = S // NW
CH = 8
N_CHUNKS = ROWS_W // CH
N_PAIRS = N_CHUNKS // 2

_mesh = plsc.VectorSubcoreMesh(
    core_axis_name="c", subcore_axis_name="s", num_cores=NC, num_subcores=NS
)


def _add_chunk(o_ref, t_ref):

    @plsc.parallel_loop(0, CH * (D // L) // 4, step=1, unroll=1)
    def body(g):
        r = g // 16
        col = (g % 16) * (4 * L)
        for j in range(4):
            sl = pl.ds(col + j * L, L)
            plsc.addupdate(o_ref.at[r, sl], t_ref[r, sl])


@functools.partial(
    pl.kernel,
    out_type=jax.ShapeDtypeStruct((B, S, D), jnp.float32),
    mesh=_mesh,
    scratch_types=[
        [pltpu.VMEM((CH, D), jnp.float32)] * 2,
        [pltpu.VMEM((CH, D), jnp.float32)] * 8,
        [pltpu.SemaphoreType.DMA] * 2,
        [pltpu.SemaphoreType.DMA] * 8,
        [pltpu.SemaphoreType.DMA] * 8,
    ],
    compiler_params=pltpu.CompilerParams(use_tc_tiling_on_sc=True),
)
def _pos_add_sc(x_hbm, pos_hbm, out_hbm, t, o, st, si, so):
    wid = lax.axis_index("s") * NC + lax.axis_index("c")
    base = wid * ROWS_W

    def tin(c, k):
        return pltpu.make_async_copy(pos_hbm.at[pl.ds(base + c * CH, CH)], t[k], st[k])

    def xin(b, c, j):
        return pltpu.make_async_copy(x_hbm.at[b, pl.ds(base + c * CH, CH)], o[j], si[j])

    def xout(b, c, j):
        return pltpu.make_async_copy(o[j], out_hbm.at[b, pl.ds(base + c * CH, CH)], so[j])

    def pair(i, _):
        c0 = 2 * i
        c1 = c0 + 1
        tin(c0, 0).wait()
        for j in range(4):
            xin(j, c0, j).wait()
            _add_chunk(o[j], t[0])
            xout(j, c0, j).start()

            @pl.when(c0 >= 1)
            def _():
                xout(j, c1 - 2, j + 4).wait()

            xin(j, c1, j + 4).start()

        @pl.when(c0 + 2 < N_CHUNKS)
        def _():
            tin(c0 + 2, 0).start()

        tin(c1, 1).wait()
        for j in range(4):
            xin(j, c1, j + 4).wait()
            _add_chunk(o[j + 4], t[1])
            xout(j, c1, j + 4).start()

            @pl.when(c0 + 2 < N_CHUNKS)
            def _():
                xout(j, c0, j).wait()
                xin(j, c0 + 2, j).start()

        @pl.when(c1 + 2 < N_CHUNKS)
        def _():
            tin(c1 + 2, 1).start()

        return 0

    tin(0, 0).start()
    tin(1, 1).start()
    for j in range(4):
        xin(j, 0, j).start()

    lax.fori_loop(0, N_PAIRS, pair, 0, unroll=False)

    for j in range(4):
        xout(j, N_CHUNKS - 2, j).wait()
    for j in range(4):
        xout(j, N_CHUNKS - 1, j + 4).wait()
    sl0 = pl.ds(base + (N_CHUNKS - 2) * CH, CH)
    sl1 = pl.ds(base + (N_CHUNKS - 1) * CH, CH)
    for j in range(4):
        pltpu.sync_copy(out_hbm.at[j, sl0], t[0])
        pltpu.sync_copy(out_hbm.at[j, sl1], t[1])


def kernel(x, pos_table):
    return _pos_add_sc(x, pos_table[:S])

# --- scband reference (transcript-rebuilt; emitter-appended) ---
"""Pipeline reference for scband-positional-encoding-13950053777792 (READ-ONLY COPY).

The authoritative reference and input builder live on the scoring server;
editing this copy changes nothing except your own understanding.
"""

import jax, jax.numpy as jnp
import numpy as np

B, S, D = 4, 8192, 1024
MAX_LEN = 8192

def setup_inputs(seed: int = 0) -> dict:
    key = jax.random.key(seed)
    k1, k2 = jax.random.split(key)
    x = jax.random.normal(k1, (B, S, D), dtype=jnp.float32)
    pos_table = jax.random.normal(k2, (MAX_LEN, D), dtype=jnp.float32) * 0.02
    return {"x": x, "pos_table": pos_table}

def reference(x, pos_table):
    # positions = torch.arange(x.size(1)).unsqueeze(0)
    positions = jnp.arange(x.shape[1])[None, :]
    # embedding lookup -> gather rows from the positional table
    pos_embed = jnp.take(pos_table, positions, axis=0)  # [1, S, D]
    return x + pos_embed

if __name__ == "__main__":
    import jax
    _d = setup_inputs()
    print(jax.jit(kernel)(*tuple(_d.values())))

</pallas_src>

<mosaic_0001>
#map = affine_map<(d0, d1) -> (0, 0, 0)>
#map1 = affine_map<(d0, d1) -> (0, 0)>
module attributes {stable_mosaic.version = 14 : i64} {
  func.func @_pos_add_sc(%arg0: i32, %arg1: i32, %arg2: memref<4x8192x1024xf32, #tpu.memory_space<hbm>>, %arg3: memref<8192x1024xf32, #tpu.memory_space<hbm>>, %arg4: memref<4x8192x1024xf32, #tpu.memory_space<hbm>>, %arg5: memref<8x1024xf32, #tpu.memory_space<vmem>>, %arg6: memref<8x1024xf32, #tpu.memory_space<vmem>>, %arg7: memref<8x1024xf32, #tpu.memory_space<vmem>>, %arg8: memref<8x1024xf32, #tpu.memory_space<vmem>>, %arg9: memref<8x1024xf32, #tpu.memory_space<vmem>>, %arg10: memref<8x1024xf32, #tpu.memory_space<vmem>>, %arg11: memref<8x1024xf32, #tpu.memory_space<vmem>>, %arg12: memref<8x1024xf32, #tpu.memory_space<vmem>>, %arg13: memref<8x1024xf32, #tpu.memory_space<vmem>>, %arg14: memref<8x1024xf32, #tpu.memory_space<vmem>>, %arg15: memref<!tpu.dma_semaphore, #tpu.memory_space<semaphore_mem>>, %arg16: memref<!tpu.dma_semaphore, #tpu.memory_space<semaphore_mem>>, %arg17: memref<!tpu.dma_semaphore, #tpu.memory_space<semaphore_mem>>, %arg18: memref<!tpu.dma_semaphore, #tpu.memory_space<semaphore_mem>>, %arg19: memref<!tpu.dma_semaphore, #tpu.memory_space<semaphore_mem>>, %arg20: memref<!tpu.dma_semaphore, #tpu.memory_space<semaphore_mem>>, %arg21: memref<!tpu.dma_semaphore, #tpu.memory_space<semaphore_mem>>, %arg22: memref<!tpu.dma_semaphore, #tpu.memory_space<semaphore_mem>>, %arg23: memref<!tpu.dma_semaphore, #tpu.memory_space<semaphore_mem>>, %arg24: memref<!tpu.dma_semaphore, #tpu.memory_space<semaphore_mem>>, %arg25: memref<!tpu.dma_semaphore, #tpu.memory_space<semaphore_mem>>, %arg26: memref<!tpu.dma_semaphore, #tpu.memory_space<semaphore_mem>>, %arg27: memref<!tpu.dma_semaphore, #tpu.memory_space<semaphore_mem>>, %arg28: memref<!tpu.dma_semaphore, #tpu.memory_space<semaphore_mem>>, %arg29: memref<!tpu.dma_semaphore, #tpu.memory_space<semaphore_mem>>, %arg30: memref<!tpu.dma_semaphore, #tpu.memory_space<semaphore_mem>>, %arg31: memref<!tpu.dma_semaphore, #tpu.memory_space<semaphore_mem>>, %arg32: memref<!tpu.dma_semaphore, #tpu.memory_space<semaphore_mem>>) attributes {dimension_semantics = [#tpu.dimension_semantics<core_parallel>, #tpu.dimension_semantics<subcore_parallel>], iteration_bounds = array<i64: 2, 16>, scalar_prefetch = 0 : i64, scratch_operands = 28 : i64, tpu.core_type = #tpu.core_type<sc_vector_subcore>, window_params = [{transform_indices = #map}, {transform_indices = #map1}, {transform_indices = #map}]} {
    %mul3A = arith.constant 2 : i32
    %mul3A_0 = arith.muli %arg1, %mul3A : i32
    %add3A = arith.addi %mul3A_0, %arg0 : i32
    %mul3A_1 = arith.constant 256 : i32
    %mul3A_2 = arith.muli %add3A, %mul3A_1 : i32
    %add3A_3 = arith.constant 0 : i32
    %add3A_4 = arith.addi %mul3A_2, %add3A_3 : i32
    %dma_start3A = arith.constant 0 : i32
    %dma_start3A_5 = tpu.memref_slice %arg3[%add3A_4, %dma_start3A] : memref<8192x1024xf32, #tpu.memory_space<hbm>> -> memref<8x1024xf32, #tpu.memory_space<hbm>>
    %dma_start3A_6 = arith.constant 0 : i32
    %dma_start3A_7 = tpu.memref_slice %arg3[%add3A_4, %dma_start3A_6] : memref<8192x1024xf32, #tpu.memory_space<hbm>> -> memref<8x1024xf32, #tpu.memory_space<hbm>>
    tpu.enqueue_dma source(%dma_start3A_7 : memref<8x1024xf32, #tpu.memory_space<hbm>>) target(%arg5 : memref<8x1024xf32, #tpu.memory_space<vmem>>) target_semaphore(%arg15 : memref<!tpu.dma_semaphore, #tpu.memory_space<semaphore_mem>>)
    %add3A_8 = arith.constant 8 : i32
    %add3A_9 = arith.addi %mul3A_2, %add3A_8 : i32
    %dma_start3A_10 = arith.constant 0 : i32
    %dma_start3A_11 = tpu.memref_slice %arg3[%add3A_9, %dma_start3A_10] : memref<8192x1024xf32, #tpu.memory_space<hbm>> -> memref<8x1024xf32, #tpu.memory_space<hbm>>
    %dma_start3A_12 = arith.constant 0 : i32
    %dma_start3A_13 = tpu.memref_slice %arg3[%add3A_9, %dma_start3A_12] : memref<8192x1024xf32, #tpu.memory_space<hbm>> -> memref<8x1024xf32, #tpu.memory_space<hbm>>
    tpu.enqueue_dma source(%dma_start3A_13 : memref<8x1024xf32, #tpu.memory_space<hbm>>) target(%arg6 : memref<8x1024xf32, #tpu.memory_space<vmem>>) target_semaphore(%arg16 : memref<!tpu.dma_semaphore, #tpu.memory_space<semaphore_mem>>)
    %add3A_14 = arith.constant 0 : i32
    %add3A_15 = arith.addi %mul3A_2, %add3A_14 : i32
    %dma_start3A_16 = arith.constant 0 : i32
    %dma_start3A_17 = arith.constant 0 : i32
    %dma_start3A_18 = tpu.memref_slice %arg2[%dma_start3A_16, %add3A_15, %dma_start3A_17] : memref<4x8192x1024xf32, #tpu.memory_space<hbm>> -> memref<1x8x1024xf32, #tpu.memory_space<hbm>>
    %dma_start3A_19 = tpu.memref_squeeze %dma_start3A_18 : memref<1x8x1024xf32, #tpu.memory_space<hbm>> -> memref<8x1024xf32, #tpu.memory_space<hbm>>
    %dma_start3A_20 = arith.constant 0 : i32
    %dma_start3A_21 = tpu.memref_slice %arg2[%dma_start3A_16, %add3A_15, %dma_start3A_20] : memref<4x8192x1024xf32, #tpu.memory_space<hbm>> -> memref<1x8x1024xf32, #tpu.memory_space<hbm>>
    %dma_start3A_22 = tpu.memref_squeeze %dma_start3A_21 : memref<1x8x1024xf32, #tpu.memory_space<hbm>> -> memref<8x1024xf32, #tpu.memory_space<hbm>>
    tpu.enqueue_dma source(%dma_start3A_22 : memref<8x1024xf32, #tpu.memory_space<hbm>>) target(%arg7 : memref<8x1024xf32, #tpu.memory_space<vmem>>) target_semaphore(%arg17 : memref<!tpu.dma_semaphore, #tpu.memory_space<semaphore_mem>>)
    %add3A_23 = arith.constant 0 : i32
    %add3A_24 = arith.addi %mul3A_2, %add3A_23 : i32
    %dma_start3A_25 = arith.constant 1 : i32
    %dma_start3A_26 = arith.constant 0 : i32
    %dma_start3A_27 = tpu.memref_slice %arg2[%dma_start3A_25, %add3A_24, %dma_start3A_26] : memref<4x8192x1024xf32, #tpu.memory_space<hbm>> -> memref<1x8x1024xf32, #tpu.memory_space<hbm>>
    %dma_start3A_28 = tpu.memref_squeeze %dma_start3A_27 : memref<1x8x1024xf32, #tpu.memory_space<hbm>> -> memref<8x1024xf32, #tpu.memory_space<hbm>>
    %dma_start3A_29 = arith.constant 0 : i32
    %dma_start3A_30 = tpu.memref_slice %arg2[%dma_start3A_25, %add3A_24, %dma_start3A_29] : memref<4x8192x1024xf32, #tpu.memory_space<hbm>> -> memref<1x8x1024xf32, #tpu.memory_space<hbm>>
    %dma_start3A_31 = tpu.memref_squeeze %dma_start3A_30 : memref<1x8x1024xf32, #tpu.memory_space<hbm>> -> memref<8x1024xf32, #tpu.memory_space<hbm>>
    tpu.enqueue_dma source(%dma_start3A_31 : memref<8x1024xf32, #tpu.memory_space<hbm>>) target(%arg8 : memref<8x1024xf32, #tpu.memory_space<vmem>>) target_semaphore(%arg18 : memref<!tpu.dma_semaphore, #tpu.memory_space<semaphore_mem>>)
    %add3A_32 = arith.constant 0 : i32
    %add3A_33 = arith.addi %mul3A_2, %add3A_32 : i32
    %dma_start3A_34 = arith.constant 2 : i32
    %dma_start3A_35 = arith.constant 0 : i32
    %dma_start3A_36 = tpu.memref_slice %arg2[%dma_start3A_34, %add3A_33, %dma_start3A_35] : memref<4x8192x1024xf32, #tpu.memory_space<hbm>> -> memref<1x8x1024xf32, #tpu.memory_space<hbm>>
    %dma_start3A_37 = tpu.memref_squeeze %dma_start3A_36 : memref<1x8x1024xf32, #tpu.memory_space<hbm>> -> memref<8x1024xf32, #tpu.memory_space<hbm>>
    %dma_start3A_38 = arith.constant 0 : i32
    %dma_start3A_39 = tpu.memref_slice %arg2[%dma_start3A_34, %add3A_33, %dma_start3A_38] : memref<4x8192x1024xf32, #tpu.memory_space<hbm>> -> memref<1x8x1024xf32, #tpu.memory_space<hbm>>
    %dma_start3A_40 = tpu.memref_squeeze %dma_start3A_39 : memref<1x8x1024xf32, #tpu.memory_space<hbm>> -> memref<8x1024xf32, #tpu.memory_space<hbm>>
    tpu.enqueue_dma source(%dma_start3A_40 : memref<8x1024xf32, #tpu.memory_space<hbm>>) target(%arg9 : memref<8x1024xf32, #tpu.memory_space<vmem>>) target_semaphore(%arg19 : memref<!tpu.dma_semaphore, #tpu.memory_space<semaphore_mem>>)
    %add3A_41 = arith.constant 0 : i32
    %add3A_42 = arith.addi %mul3A_2, %add3A_41 : i32
    %dma_start3A_43 = arith.constant 3 : i32
    %dma_start3A_44 = arith.constant 0 : i32
    %dma_start3A_45 = tpu.memref_slice %arg2[%dma_start3A_43, %add3A_42, %dma_start3A_44] : memref<4x8192x1024xf32, #tpu.memory_space<hbm>> -> memref<1x8x1024xf32, #tpu.memory_space<hbm>>
    %dma_start3A_46 = tpu.memref_squeeze %dma_start3A_45 : memref<1x8x1024xf32, #tpu.memory_space<hbm>> -> memref<8x1024xf32, #tpu.memory_space<hbm>>
    %dma_start3A_47 = arith.constant 0 : i32
    %dma_start3A_48 = tpu.memref_slice %arg2[%dma_start3A_43, %add3A_42, %dma_start3A_47] : memref<4x8192x1024xf32, #tpu.memory_space<hbm>> -> memref<1x8x1024xf32, #tpu.memory_space<hbm>>
    %dma_start3A_49 = tpu.memref_squeeze %dma_start3A_48 : memref<1x8x1024xf32, #tpu.memory_space<hbm>> -> memref<8x1024xf32, #tpu.memory_space<hbm>>
    tpu.enqueue_dma source(%dma_start3A_49 : memref<8x1024xf32, #tpu.memory_space<hbm>>) target(%arg10 : memref<8x1024xf32, #tpu.memory_space<vmem>>) target_semaphore(%arg20 : memref<!tpu.dma_semaphore, #tpu.memory_space<semaphore_mem>>)
    %scan3A = arith.constant 0 : i32
    %scan3A_50 = arith.constant 0 : i32
    %scan3A_51 = arith.constant 16 : i32
    %scan3A_52 = arith.addi %scan3A_50, %scan3A_51 : i32
    %scan3A_53 = arith.constant 1 : i32
    %scan3A_54 = scf.for %scan3A_138 = %scan3A_50 to %scan3A_52 step %scan3A_53 iter_args(%scan3A_139 = %scan3A) -> (i32)  : i32 {
      %mul3A_140 = arith.constant 2 : i32
      %mul3A_141 = arith.muli %mul3A_140, %scan3A_138 : i32
      %add3A_142 = arith.constant 1 : i32
      %add3A_143 = arith.addi %mul3A_141, %add3A_142 : i32
      %mul3A_144 = arith.constant 8 : i32
      %mul3A_145 = arith.muli %mul3A_141, %mul3A_144 : i32
      %add3A_146 = arith.addi %mul3A_2, %mul3A_145 : i32
      %dma_wait3A_147 = arith.constant 0 : i32
      %dma_wait3A_148 = tpu.memref_slice %arg3[%add3A_146, %dma_wait3A_147] : memref<8192x1024xf32, #tpu.memory_space<hbm>> -> memref<8x1024xf32, #tpu.memory_space<hbm>>
      %dma_wait3A_149 = arith.constant 0 : i32
      %dma_wait3A_150 = tpu.memref_slice %arg3[%add3A_146, %dma_wait3A_149] : memref<8192x1024xf32, #tpu.memory_space<hbm>> -> memref<8x1024xf32, #tpu.memory_space<hbm>>
      tpu.wait_dma2 semaphore(%arg15 : memref<!tpu.dma_semaphore, #tpu.memory_space<semaphore_mem>>) src(%dma_wait3A_150 : memref<8x1024xf32, #tpu.memory_space<hbm>>) dst(%arg5 : memref<8x1024xf32, #tpu.memory_space<vmem>>)
      %mul3A_151 = arith.constant 8 : i32
      %mul3A_152 = arith.muli %mul3A_141, %mul3A_151 : i32
      %add3A_153 = arith.addi %mul3A_2, %mul3A_152 : i32
      %dma_wait3A_154 = arith.constant 0 : i32
      %dma_wait3A_155 = arith.constant 0 : i32
      %dma_wait3A_156 = tpu.memref_slice %arg2[%dma_wait3A_154, %add3A_153, %dma_wait3A_155] : memref<4x8192x1024xf32, #tpu.memory_space<hbm>> -> memref<1x8x1024xf32, #tpu.memory_space<hbm>>
      %dma_wait3A_157 = tpu.memref_squeeze %dma_wait3A_156 : memref<1x8x1024xf32, #tpu.memory_space<hbm>> -> memref<8x1024xf32, #tpu.memory_space<hbm>>
      %dma_wait3A_158 = arith.constant 0 : i32
      %dma_wait3A_159 = tpu.memref_slice %arg2[%dma_wait3A_154, %add3A_153, %dma_wait3A_158] : memref<4x8192x1024xf32, #tpu.memory_space<hbm>> -> memref<1x8x1024xf32, #tpu.memory_space<hbm>>
      %dma_wait3A_160 = tpu.memref_squeeze %dma_wait3A_159 : memref<1x8x1024xf32, #tpu.memory_space<hbm>> -> memref<8x1024xf32, #tpu.memory_space<hbm>>
      tpu.wait_dma2 semaphore(%arg17 : memref<!tpu.dma_semaphore, #tpu.memory_space<semaphore_mem>>) src(%dma_wait3A_160 : memref<8x1024xf32, #tpu.memory_space<hbm>>) dst(%arg7 : memref<8x1024xf32, #tpu.memory_space<vmem>>)
      %parallel_loop3A = arith.constant 0 : i32
      %parallel_loop3A_161 = arith.constant 128 : i32
      %parallel_loop3A_162 = arith.constant 1 : i32
      scf.for %parallel_loop3A_440 = %parallel_loop3A to %parallel_loop3A_161 step %parallel_loop3A_162  : i32 {
        %parallel_loop3A_441 = arith.constant 16 : i32
        %parallel_loop3A_442 = arith.divsi %parallel_loop3A_440, %parallel_loop3A_441 : i32
        %parallel_loop3A_443 = arith.constant 0 : i32
        %parallel_loop3A_444 = arith.cmpi sgt, %parallel_loop3A_440, %parallel_loop3A_443 : i32
        %parallel_loop3A_445 = arith.extui %parallel_loop3A_444 : i1 to i32
        %parallel_loop3A_446 = arith.constant 0 : i32
        %parallel_loop3A_447 = arith.cmpi slt, %parallel_loop3A_440, %parallel_loop3A_446 : i32
        %parallel_loop3A_448 = arith.extui %parallel_loop3A_447 : i1 to i32
        %parallel_loop3A_449 = arith.subi %parallel_loop3A_445, %parallel_loop3A_448 : i32
        %parallel_loop3A_450 = arith.constant 0 : i32
        %parallel_loop3A_451 = arith.cmpi sgt, %parallel_loop3A_441, %parallel_loop3A_450 : i32
        %parallel_loop3A_452 = arith.extui %parallel_loop3A_451 : i1 to i32
        %parallel_loop3A_453 = arith.constant 0 : i32
        %parallel_loop3A_454 = arith.cmpi slt, %parallel_loop3A_441, %parallel_loop3A_453 : i32
        %parallel_loop3A_455 = arith.extui %parallel_loop3A_454 : i1 to i32
        %parallel_loop3A_456 = arith.subi %parallel_loop3A_452, %parallel_loop3A_455 : i32
        %parallel_loop3A_457 = arith.cmpi ne, %parallel_loop3A_449, %parallel_loop3A_456 : i32
        %parallel_loop3A_458 = arith.remsi %parallel_loop3A_440, %parallel_loop3A_441 : i32
        %parallel_loop3A_459 = arith.constant 0 : i32
        %parallel_loop3A_460 = arith.cmpi ne, %parallel_loop3A_458, %parallel_loop3A_459 : i32
        %parallel_loop3A_461 = arith.andi %parallel_loop3A_457, %parallel_loop3A_460 : i1
        %parallel_loop3A_462 = arith.constant 1 : i32
        %parallel_loop3A_463 = arith.subi %parallel_loop3A_442, %parallel_loop3A_462 : i32
        %parallel_loop3A_464 = arith.select %parallel_loop3A_461, %parallel_loop3A_463, %parallel_loop3A_442 : i32
        %parallel_loop3A_465 = arith.constant 16 : i32
        %parallel_loop3A_466 = arith.constant 0 : i32
        %parallel_loop3A_467 = arith.cmpi eq, %parallel_loop3A_465, %parallel_loop3A_466 : i32
        %parallel_loop3A_468 = arith.constant 1 : i32
        %parallel_loop3A_469 = arith.select %parallel_loop3A_467, %parallel_loop3A_468, %parallel_loop3A_465 : i32
        %parallel_loop3A_470 = arith.remsi %parallel_loop3A_440, %parallel_loop3A_469 : i32
        %parallel_loop3A_471 = arith.constant 0 : i32
        %parallel_loop3A_472 = arith.cmpi ne, %parallel_loop3A_470, %parallel_loop3A_471 : i32
        %parallel_loop3A_473 = arith.constant 0 : i32
        %parallel_loop3A_474 = arith.cmpi slt, %parallel_loop3A_470, %parallel_loop3A_473 : i32
        %parallel_loop3A_475 = arith.constant 0 : i32
        %parallel_loop3A_476 = arith.cmpi slt, %parallel_loop3A_469, %parallel_loop3A_475 : i32
        %parallel_loop3A_477 = arith.xori %parallel_loop3A_474, %parallel_loop3A_476 : i1
        %parallel_loop3A_478 = arith.andi %parallel_loop3A_477, %parallel_loop3A_472 : i1
        %parallel_loop3A_479 = arith.addi %parallel_loop3A_470, %parallel_loop3A_469 : i32
        %parallel_loop3A_480 = arith.select %parallel_loop3A_478, %parallel_loop3A_479, %parallel_loop3A_470 : i32
        %parallel_loop3A_481 = arith.constant 64 : i32
        %parallel_loop3A_482 = arith.muli %parallel_loop3A_480, %parallel_loop3A_481 : i32
        %parallel_loop3A_483 = arith.constant 0 : i32
        %parallel_loop3A_484 = arith.addi %parallel_loop3A_482, %parallel_loop3A_483 : i32
        %parallel_loop3A_485 = arith.index_cast %parallel_loop3A_464 : i32 to index
        %parallel_loop3A_486 = arith.index_cast %parallel_loop3A_484 : i32 to index
        %parallel_loop3A_487 = tpu.vector_load %arg5[%parallel_loop3A_485, %parallel_loop3A_486] {strides = array<i32>} : memref<8x1024xf32, #tpu.memory_space<vmem>>, vector<1x16xf32>,
        %parallel_loop3A_488 = vector.shape_cast %parallel_loop3A_487 : vector<1x16xf32> to vector<16xf32>
        %parallel_loop3A_489 = arith.index_cast %parallel_loop3A_464 : i32 to index
        %parallel_loop3A_490 = arith.index_cast %parallel_loop3A_484 : i32 to index
        %parallel_loop3A_491 = tpu.vector_load %arg7[%parallel_loop3A_489, %parallel_loop3A_490] {strides = array<i32>} : memref<8x1024xf32, #tpu.memory_space<vmem>>, vector<1x16xf32>,
        %parallel_loop3A_492 = vector.shape_cast %parallel_loop3A_491 : vector<1x16xf32> to vector<16xf32>
        %parallel_loop3A_493 = vector.shape_cast %parallel_loop3A_488 : vector<16xf32> to vector<1x16xf32>
        tpu.vector_store %arg7[%parallel_loop3A_489, %parallel_loop3A_490], %parallel_loop3A_493 {add = true, strides = array<i32>} : memref<8x1024xf32, #tpu.memory_space<vmem>>, vector<1x16xf32>,
        %parallel_loop3A_494 = arith.constant 16 : i32
        %parallel_loop3A_495 = arith.addi %parallel_loop3A_482, %parallel_loop3A_494 : i32
        %parallel_loop3A_496 = arith.index_cast %parallel_loop3A_464 : i32 to index
        %parallel_loop3A_497 = arith.index_cast %parallel_loop3A_495 : i32 to index
        %parallel_loop3A_498 = tpu.vector_load %arg5[%parallel_loop3A_496, %parallel_loop3A_497] {strides = array<i32>} : memref<8x1024xf32, #tpu.memory_space<vmem>>, vector<1x16xf32>,
        %parallel_loop3A_499 = vector.shape_cast %parallel_loop3A_498 : vector<1x16xf32> to vector<16xf32>
        %parallel_loop3A_500 = arith.index_cast %parallel_loop3A_464 : i32 to index
        %parallel_loop3A_501 = arith.index_cast %parallel_loop3A_495 : i32 to index
        %parallel_loop3A_502 = tpu.vector_load %arg7[%parallel_loop3A_500, %parallel_loop3A_501] {strides = array<i32>} : memref<8x1024xf32, #tpu.memory_space<vmem>>, vector<1x16xf32>,
        %parallel_loop3A_503 = vector.shape_cast %parallel_loop3A_502 : vector<1x16xf32> to vector<16xf32>
        %parallel_loop3A_504 = vector.shape_cast %parallel_loop3A_499 : vector<16xf32> to vector<1x16xf32>
        tpu.vector_store %arg7[%parallel_loop3A_500, %parallel_loop3A_501], %parallel_loop3A_504 {add = true, strides = array<i32>} : memref<8x1024xf32, #tpu.memory_space<vmem>>, vector<1x16xf32>,
        %parallel_loop3A_505 = arith.constant 32 : i32
        %parallel_loop3A_506 = arith.addi %parallel_loop3A_482, %parallel_loop3A_505 : i32
        %parallel_loop3A_507 = arith.index_cast %parallel_loop3A_464 : i32 to index
        %parallel_loop3A_508 = arith.index_cast %parallel_loop3A_506 : i32 to index
        %parallel_loop3A_509 = tpu.vector_load %arg5[%parallel_loop3A_507, %parallel_loop3A_508] {strides = array<i32>} : memref<8x1024xf32, #tpu.memory_space<vmem>>, vector<1x16xf32>,
        %parallel_loop3A_510 = vector.shape_cast %parallel_loop3A_509 : vector<1x16xf32> to vector<16xf32>
        %parallel_loop3A_511 = arith.index_cast %parallel_loop3A_464 : i32 to index
        %parallel_loop3A_512 = arith.index_cast %parallel_loop3A_506 : i32 to index
        %parallel_loop3A_513 = tpu.vector_load %arg7[%parallel_loop3A_511, %parallel_loop3A_512] {strides = array<i32>} : memref<8x1024xf32, #tpu.memory_space<vmem>>, vector<1x16xf32>,
        %parallel_loop3A_514 = vector.shape_cast %parallel_loop3A_513 : vector<1x16xf32> to vector<16xf32>
        %parallel_loop3A_515 = vector.shape_cast %parallel_loop3A_510 : vector<16xf32> to vector<1x16xf32>
        tpu.vector_store %arg7[%parallel_loop3A_511, %parallel_loop3A_512], %parallel_loop3A_515 {add = true, strides = array<i32>} : memref<8x1024xf32, #tpu.memory_space<vmem>>, vector<1x16xf32>,
        %parallel_loop3A_516 = arith.constant 48 : i32
        %parallel_loop3A_517 = arith.addi %parallel_loop3A_482, %parallel_loop3A_516 : i32
        %parallel_loop3A_518 = arith.index_cast %parallel_loop3A_464 : i32 to index
        %parallel_loop3A_519 = arith.index_cast %parallel_loop3A_517 : i32 to index
        %parallel_loop3A_520 = tpu.vector_load %arg5[%parallel_loop3A_518, %parallel_loop3A_519] {strides = array<i32>} : memref<8x1024xf32, #tpu.memory_space<vmem>>, vector<1x16xf32>,
        %parallel_loop3A_521 = vector.shape_cast %parallel_loop3A_520 : vector<1x16xf32> to vector<16xf32>
        %parallel_loop3A_522 = arith.index_cast %parallel_loop3A_464 : i32 to index
        %parallel_loop3A_523 = arith.index_cast %parallel_loop3A_517 : i32 to index
        %parallel_loop3A_524 = tpu.vector_load %arg7[%parallel_loop3A_522, %parallel_loop3A_523] {strides = array<i32>} : memref<8x1024xf32, #tpu.memory_space<vmem>>, vector<1x16xf32>,
        %parallel_loop3A_525 = vector.shape_cast %parallel_loop3A_524 : vector<1x16xf32> to vector<16xf32>
        %parallel_loop3A_526 = vector.shape_cast %parallel_loop3A_521 : vector<16xf32> to vector<1x16xf32>
        tpu.vector_store %arg7[%parallel_loop3A_522, %parallel_loop3A_523], %parallel_loop3A_526 {add = true, strides = array<i32>} : memref<8x1024xf32, #tpu.memory_space<vmem>>, vector<1x16xf32>,
      } {sc.loop_unroll_factor = 1 : i64, sc.parallel_access}
      %mul3A_163 = arith.constant 8 : i32
      %mul3A_164 = arith.muli %mul3A_141, %mul3A_163 : i32
      %add3A_165 = arith.addi %mul3A_2, %mul3A_164 : i32
      %dma_start3A_166 = arith.constant 0 : i32
      %dma_start3A_167 = arith.constant 0 : i32
      %dma_start3A_168 = tpu.memref_slice %arg4[%dma_start3A_166, %add3A_165, %dma_start3A_167] : memref<4x8192x1024xf32, #tpu.memory_space<hbm>> -> memref<1x8x1024xf32, #tpu.memory_space<hbm>>
      %dma_start3A_169 = tpu.memref_squeeze %dma_start3A_168 : memref<1x8x1024xf32, #tpu.memory_space<hbm>> -> memref<8x1024xf32, #tpu.memory_space<hbm>>
      %dma_start3A_170 = arith.constant 0 : i32
      %dma_start3A_171 = tpu.memref_slice %arg4[%dma_start3A_166, %add3A_165, %dma_start3A_170] : memref<4x8192x1024xf32, #tpu.memory_space<hbm>> -> memref<1x8x1024xf32, #tpu.memory_space<hbm>>
      %dma_start3A_172 = tpu.memref_squeeze %dma_start3A_171 : memref<1x8x1024xf32, #tpu.memory_space<hbm>> -> memref<8x1024xf32, #tpu.memory_space<hbm>>
      tpu.enqueue_dma source(%arg7 : memref<8x1024xf32, #tpu.memory_space<vmem>>) target(%dma_start3A_172 : memref<8x1024xf32, #tpu.memory_space<hbm>>) target_semaphore(%arg25 : memref<!tpu.dma_semaphore, #tpu.memory_space<semaphore_mem>>)
      %ge3A = arith.constant 1 : i32
      %ge3A_173 = arith.cmpi sge, %mul3A_141, %ge3A : i32
      %convert_element_type3A = arith.extui %ge3A_173 : i1 to i32
      %cond3A = arith.constant 0 : i32
      %cond3A_174 = arith.cmpi ne, %convert_element_type3A, %cond3A : i32
      scf.if %cond3A_174 {
        %sub3A = arith.constant 2 : i32
        %sub3A_440 = arith.subi %add3A_143, %sub3A : i32
        %mul3A_441 = arith.constant 8 : i32
        %mul3A_442 = arith.muli %sub3A_440, %mul3A_441 : i32
        %add3A_443 = arith.addi %mul3A_2, %mul3A_442 : i32
        %dma_wait3A_444 = arith.constant 0 : i32
        %dma_wait3A_445 = arith.constant 0 : i32
        %dma_wait3A_446 = tpu.memref_slice %arg4[%dma_wait3A_444, %add3A_443, %dma_wait3A_445] : memref<4x8192x1024xf32, #tpu.memory_space<hbm>> -> memref<1x8x1024xf32, #tpu.memory_space<hbm>>
        %dma_wait3A_447 = tpu.memref_squeeze %dma_wait3A_446 : memref<1x8x1024xf32, #tpu.memory_space<hbm>> -> memref<8x1024xf32, #tpu.memory_space<hbm>>
        %dma_wait3A_448 = arith.constant 0 : i32
        %dma_wait3A_449 = tpu.memref_slice %arg4[%dma_wait3A_444, %add3A_443, %dma_wait3A_448] : memref<4x8192x1024xf32, #tpu.memory_space<hbm>> -> memref<1x8x1024xf32, #tpu.memory_space<hbm>>
        %dma_wait3A_450 = tpu.memref_squeeze %dma_wait3A_449 : memref<1x8x1024xf32, #tpu.memory_space<hbm>> -> memref<8x1024xf32, #tpu.memory_space<hbm>>
        tpu.wait_dma2 semaphore(%arg29 : memref<!tpu.dma_semaphore, #tpu.memory_space<semaphore_mem>>) src(%arg11 : memref<8x1024xf32, #tpu.memory_space<vmem>>) dst(%dma_wait3A_450 : memref<8x1024xf32, #tpu.memory_space<hbm>>)
      } else {
      }
      %mul3A_175 = arith.constant 8 : i32
      %mul3A_176 = arith.muli %add3A_143, %mul3A_175 : i32
      %add3A_177 = arith.addi %mul3A_2, %mul3A_176 : i32
      %dma_start3A_178 = arith.constant 0 : i32
      %dma_start3A_179 = arith.constant 0 : i32
      %dma_start3A_180 = tpu.memref_slice %arg2[%dma_start3A_178, %add3A_177, %dma_start3A_179] : memref<4x8192x1024xf32, #tpu.memory_space<hbm>> -> memref<1x8x1024xf32, #tpu.memory_space<hbm>>
      %dma_start3A_181 = tpu.memref_squeeze %dma_start3A_180 : memref<1x8x1024xf32, #tpu.memory_space<hbm>> -> memref<8x1024xf32, #tpu.memory_space<hbm>>
      %dma_start3A_182 = arith.constant 0 : i32
      %dma_start3A_183 = tpu.memref_slice %arg2[%dma_start3A_178, %add3A_177, %dma_start3A_182] : memref<4x8192x1024xf32, #tpu.memory_space<hbm>> -> memref<1x8x1024xf32, #tpu.memory_space<hbm>>
      %dma_start3A_184 = tpu.memref_squeeze %dma_start3A_183 : memref<1x8x1024xf32, #tpu.memory_space<hbm>> -> memref<8x1024xf32, #tpu.memory_space<hbm>>
      tpu.enqueue_dma source(%dma_start3A_184 : memref<8x1024xf32, #tpu.memory_space<hbm>>) target(%arg11 : memref<8x1024xf32, #tpu.memory_space<vmem>>) target_semaphore(%arg21 : memref<!tpu.dma_semaphore, #tpu.memory_space<semaphore_mem>>)
      %mul3A_185 = arith.constant 8 : i32
      %mul3A_186 = arith.muli %mul3A_141, %mul3A_185 : i32
      %add3A_187 = arith.addi %mul3A_2, %mul3A_186 : i32
      %dma_wait3A_188 = arith.constant 1 : i32
      %dma_wait3A_189 = arith.constant 0 : i32
      %dma_wait3A_190 = tpu.memref_slice %arg2[%dma_wait3A_188, %add3A_187, %dma_wait3A_189] : memref<4x8192x1024xf32, #tpu.memory_space<hbm>> -> memref<1x8x1024xf32, #tpu.memory_space<hbm>>
      %dma_wait3A_191 = tpu.memref_squeeze %dma_wait3A_190 : memref<1x8x1024xf32, #tpu.memory_space<hbm>> -> memref<8x1024xf32, #tpu.memory_space<hbm>>
      %dma_wait3A_192 = arith.constant 0 : i32
      %dma_wait3A_193 = tpu.memref_slice %arg2[%dma_wait3A_188, %add3A_187, %dma_wait3A_192] : memref<4x8192x1024xf32, #tpu.memory_space<hbm>> -> memref<1x8x1024xf32, #tpu.memory_space<hbm>>
      %dma_wait3A_194 = tpu.memref_squeeze %dma_wait3A_193 : memref<1x8x1024xf32, #tpu.memory_space<hbm>> -> memref<8x1024xf32, #tpu.memory_space<hbm>>
      tpu.wait_dma2 semaphore(%arg18 : memref<!tpu.dma_semaphore, #tpu.memory_space<semaphore_mem>>) src(%dma_wait3A_194 : memref<8x1024xf32, #tpu.memory_space<hbm>>) dst(%arg8 : memref<8x1024xf32, #tpu.memory_space<vmem>>)
      %parallel_loop3A_195 = arith.constant 0 : i32
      %parallel_loop3A_196 = arith.constant 128 : i32
      %parallel_loop3A_197 = arith.constant 1 : i32
      scf.for %parallel_loop3A_440 = %parallel_loop3A_195 to %parallel_loop3A_196 step %parallel_loop3A_197  : i32 {
        %parallel_loop3A_441 = arith.constant 16 : i32
        %parallel_loop3A_442 = arith.divsi %parallel_loop3A_440, %parallel_loop3A_441 : i32
        %parallel_loop3A_443 = arith.constant 0 : i32
        %parallel_loop3A_444 = arith.cmpi sgt, %parallel_loop3A_440, %parallel_loop3A_443 : i32
        %parallel_loop3A_445 = arith.extui %parallel_loop3A_444 : i1 to i32
        %parallel_loop3A_446 = arith.constant 0 : i32
        %parallel_loop3A_447 = arith.cmpi slt, %parallel_loop3A_440, %parallel_loop3A_446 : i32
        %parallel_loop3A_448 = arith.extui %parallel_loop3A_447 : i1 to i32
        %parallel_loop3A_449 = arith.subi %parallel_loop3A_445, %parallel_loop3A_448 : i32
        %parallel_loop3A_450 = arith.constant 0 : i32
        %parallel_loop3A_451 = arith.cmpi sgt, %parallel_loop3A_441, %parallel_loop3A_450 : i32
        %parallel_loop3A_452 = arith.extui %parallel_loop3A_451 : i1 to i32
        %parallel_loop3A_453 = arith.constant 0 : i32
        %parallel_loop3A_454 = arith.cmpi slt, %parallel_loop3A_441, %parallel_loop3A_453 : i32
        %parallel_loop3A_455 = arith.extui %parallel_loop3A_454 : i1 to i32
        %parallel_loop3A_456 = arith.subi %parallel_loop3A_452, %parallel_loop3A_455 : i32
        %parallel_loop3A_457 = arith.cmpi ne, %parallel_loop3A_449, %parallel_loop3A_456 : i32
        %parallel_loop3A_458 = arith.remsi %parallel_loop3A_440, %parallel_loop3A_441 : i32
        %parallel_loop3A_459 = arith.constant 0 : i32
        %parallel_loop3A_460 = arith.cmpi ne, %parallel_loop3A_458, %parallel_loop3A_459 : i32
        %parallel_loop3A_461 = arith.andi %parallel_loop3A_457, %parallel_loop3A_460 : i1
        %parallel_loop3A_462 = arith.constant 1 : i32
        %parallel_loop3A_463 = arith.subi %parallel_loop3A_442, %parallel_loop3A_462 : i32
        %parallel_loop3A_464 = arith.select %parallel_loop3A_461, %parallel_loop3A_463, %parallel_loop3A_442 : i32
        %parallel_loop3A_465 = arith.constant 16 : i32
        %parallel_loop3A_466 = arith.constant 0 : i32
        %parallel_loop3A_467 = arith.cmpi eq, %parallel_loop3A_465, %parallel_loop3A_466 : i32
        %parallel_loop3A_468 = arith.constant 1 : i32
        %parallel_loop3A_469 = arith.select %parallel_loop3A_467, %parallel_loop3A_468, %parallel_loop3A_465 : i32
        %parallel_loop3A_470 = arith.remsi %parallel_loop3A_440, %parallel_loop3A_469 : i32
        %parallel_loop3A_471 = arith.constant 0 : i32
        %parallel_loop3A_472 = arith.cmpi ne, %parallel_loop3A_470, %parallel_loop3A_471 : i32
        %parallel_loop3A_473 = arith.constant 0 : i32
        %parallel_loop3A_474 = arith.cmpi slt, %parallel_loop3A_470, %parallel_loop3A_473 : i32
        %parallel_loop3A_475 = arith.constant 0 : i32
        %parallel_loop3A_476 = arith.cmpi slt, %parallel_loop3A_469, %parallel_loop3A_475 : i32
        %parallel_loop3A_477 = arith.xori %parallel_loop3A_474, %parallel_loop3A_476 : i1
        %parallel_loop3A_478 = arith.andi %parallel_loop3A_477, %parallel_loop3A_472 : i1
        %parallel_loop3A_479 = arith.addi %parallel_loop3A_470, %parallel_loop3A_469 : i32
        %parallel_loop3A_480 = arith.select %parallel_loop3A_478, %parallel_loop3A_479, %parallel_loop3A_470 : i32
        %parallel_loop3A_481 = arith.constant 64 : i32
        %parallel_loop3A_482 = arith.muli %parallel_loop3A_480, %parallel_loop3A_481 : i32
        %parallel_loop3A_483 = arith.constant 0 : i32
        %parallel_loop3A_484 = arith.addi %parallel_loop3A_482, %parallel_loop3A_483 : i32
        %parallel_loop3A_485 = arith.index_cast %parallel_loop3A_464 : i32 to index
        %parallel_loop3A_486 = arith.index_cast %parallel_loop3A_484 : i32 to index
        %parallel_loop3A_487 = tpu.vector_load %arg5[%parallel_loop3A_485, %parallel_loop3A_486] {strides = array<i32>} : memref<8x1024xf32, #tpu.memory_space<vmem>>, vector<1x16xf32>,
        %parallel_loop3A_488 = vector.shape_cast %parallel_loop3A_487 : vector<1x16xf32> to vector<16xf32>
        %parallel_loop3A_489 = arith.index_cast %parallel_loop3A_464 : i32 to index
        %parallel_loop3A_490 = arith.index_cast %parallel_loop3A_484 : i32 to index
        %parallel_loop3A_491 = tpu.vector_load %arg8[%parallel_loop3A_489, %parallel_loop3A_490] {strides = array<i32>} : memref<8x1024xf32, #tpu.memory_space<vmem>>, vector<1x16xf32>,
        %parallel_loop3A_492 = vector.shape_cast %parallel_loop3A_491 : vector<1x16xf32> to vector<16xf32>
        %parallel_loop3A_493 = vector.shape_cast %parallel_loop3A_488 : vector<16xf32> to vector<1x16xf32>
        tpu.vector_store %arg8[%parallel_loop3A_489, %parallel_loop3A_490], %parallel_loop3A_493 {add = true, strides = array<i32>} : memref<8x1024xf32, #tpu.memory_space<vmem>>, vector<1x16xf32>,
        %parallel_loop3A_494 = arith.constant 16 : i32
        %parallel_loop3A_495 = arith.addi %parallel_loop3A_482, %parallel_loop3A_494 : i32
        %parallel_loop3A_496 = arith.index_cast %parallel_loop3A_464 : i32 to index
        %parallel_loop3A_497 = arith.index_cast %parallel_loop3A_495 : i32 to index
        %parallel_loop3A_498 = tpu.vector_load %arg5[%parallel_loop3A_496, %parallel_loop3A_497] {strides = array<i32>} : memref<8x1024xf32, #tpu.memory_space<vmem>>, vector<1x16xf32>,
        %parallel_loop3A_499 = vector.shape_cast %parallel_loop3A_498 : vector<1x16xf32> to vector<16xf32>
        %parallel_loop3A_500 = arith.index_cast %parallel_loop3A_464 : i32 to index
        %parallel_loop3A_501 = arith.index_cast %parallel_loop3A_495 : i32 to index
        %parallel_loop3A_502 = tpu.vector_load %arg8[%parallel_loop3A_500, %parallel_loop3A_501] {strides = array<i32>} : memref<8x1024xf32, #tpu.memory_space<vmem>>, vector<1x16xf32>,
        %parallel_loop3A_503 = vector.shape_cast %parallel_loop3A_502 : vector<1x16xf32> to vector<16xf32>
        %parallel_loop3A_504 = vector.shape_cast %parallel_loop3A_499 : vector<16xf32> to vector<1x16xf32>
        tpu.vector_store %arg8[%parallel_loop3A_500, %parallel_loop3A_501], %parallel_loop3A_504 {add = true, strides = array<i32>} : memref<8x1024xf32, #tpu.memory_space<vmem>>, vector<1x16xf32>,
        %parallel_loop3A_505 = arith.constant 32 : i32
        %parallel_loop3A_506 = arith.addi %parallel_loop3A_482, %parallel_loop3A_505 : i32
        %parallel_loop3A_507 = arith.index_cast %parallel_loop3A_464 : i32 to index
        %parallel_loop3A_508 = arith.index_cast %parallel_loop3A_506 : i32 to index
        %parallel_loop3A_509 = tpu.vector_load %arg5[%parallel_loop3A_507, %parallel_loop3A_508] {strides = array<i32>} : memref<8x1024xf32, #tpu.memory_space<vmem>>, vector<1x16xf32>,
        %parallel_loop3A_510 = vector.shape_cast %parallel_loop3A_509 : vector<1x16xf32> to vector<16xf32>
        %parallel_loop3A_511 = arith.index_cast %parallel_loop3A_464 : i32 to index
        %parallel_loop3A_512 = arith.index_cast %parallel_loop3A_506 : i32 to index
        %parallel_loop3A_513 = tpu.vector_load %arg8[%parallel_loop3A_511, %parallel_loop3A_512] {strides = array<i32>} : memref<8x1024xf32, #tpu.memory_space<vmem>>, vector<1x16xf32>,
        %parallel_loop3A_514 = vector.shape_cast %parallel_loop3A_513 : vector<1x16xf32> to vector<16xf32>
        %parallel_loop3A_515 = vector.shape_cast %parallel_loop3A_510 : vector<16xf32> to vector<1x16xf32>
        tpu.vector_store %arg8[%parallel_loop3A_511, %parallel_loop3A_512], %parallel_loop3A_515 {add = true, strides = array<i32>} : memref<8x1024xf32, #tpu.memory_space<vmem>>, vector<1x16xf32>,
        %parallel_loop3A_516 = arith.constant 48 : i32
        %parallel_loop3A_517 = arith.addi %parallel_loop3A_482, %parallel_loop3A_516 : i32
        %parallel_loop3A_518 = arith.index_cast %parallel_loop3A_464 : i32 to index
        %parallel_loop3A_519 = arith.index_cast %parallel_loop3A_517 : i32 to index
        %parallel_loop3A_520 = tpu.vector_load %arg5[%parallel_loop3A_518, %parallel_loop3A_519] {strides = array<i32>} : memref<8x1024xf32, #tpu.memory_space<vmem>>, vector<1x16xf32>,
        %parallel_loop3A_521 = vector.shape_cast %parallel_loop3A_520 : vector<1x16xf32> to vector<16xf32>
        %parallel_loop3A_522 = arith.index_cast %parallel_loop3A_464 : i32 to index
        %parallel_loop3A_523 = arith.index_cast %parallel_loop3A_517 : i32 to index
        %parallel_loop3A_524 = tpu.vector_load %arg8[%parallel_loop3A_522, %parallel_loop3A_523] {strides = array<i32>} : memref<8x1024xf32, #tpu.memory_space<vmem>>, vector<1x16xf32>,
        %parallel_loop3A_525 = vector.shape_cast %parallel_loop3A_524 : vector<1x16xf32> to vector<16xf32>
        %parallel_loop3A_526 = vector.shape_cast %parallel_loop3A_521 : vector<16xf32> to vector<1x16xf32>
        tpu.vector_store %arg8[%parallel_loop3A_522, %parallel_loop3A_523], %parallel_loop3A_526 {add = true, strides = array<i32>} : memref<8x1024xf32, #tpu.memory_space<vmem>>, vector<1x16xf32>,
      } {sc.loop_unroll_factor = 1 : i64, sc.parallel_access}
      %mul3A_198 = arith.constant 8 : i32
      %mul3A_199 = arith.muli %mul3A_141, %mul3A_198 : i32
      %add3A_200 = arith.addi %mul3A_2, %mul3A_199 : i32
      %dma_start3A_201 = arith.constant 1 : i32
      %dma_start3A_202 = arith.constant 0 : i32
      %dma_start3A_203 = tpu.memref_slice %arg4[%dma_start3A_201, %add3A_200, %dma_start3A_202] : memref<4x8192x1024xf32, #tpu.memory_space<hbm>> -> memref<1x8x1024xf32, #tpu.memory_space<hbm>>
      %dma_start3A_204 = tpu.memref_squeeze %dma_start3A_203 : memref<1x8x1024xf32, #tpu.memory_space<hbm>> -> memref<8x1024xf32, #tpu.memory_space<hbm>>
      %dma_start3A_205 = arith.constant 0 : i32
      %dma_start3A_206 = tpu.memref_slice %arg4[%dma_start3A_201, %add3A_200, %dma_start3A_205] : memref<4x8192x1024xf32, #tpu.memory_space<hbm>> -> memref<1x8x1024xf32, #tpu.memory_space<hbm>>
      %dma_start3A_207 = tpu.memref_squeeze %dma_start3A_206 : memref<1x8x1024xf32, #tpu.memory_space<hbm>> -> memref<8x1024xf32, #tpu.memory_space<hbm>>
      tpu.enqueue_dma source(%arg8 : memref<8x1024xf32, #tpu.memory_space<vmem>>) target(%dma_start3A_207 : memref<8x1024xf32, #tpu.memory_space<hbm>>) target_semaphore(%arg26 : memref<!tpu.dma_semaphore, #tpu.memory_space<semaphore_mem>>)
      %ge3A_208 = arith.constant 1 : i32
      %ge3A_209 = arith.cmpi sge, %mul3A_141, %ge3A_208 : i32
      %convert_element_type3A_210 = arith.extui %ge3A_209 : i1 to i32
      %cond3A_211 = arith.constant 0 : i32
      %cond3A_212 = arith.cmpi ne, %convert_element_type3A_210, %cond3A_211 : i32
      scf.if %cond3A_212 {
        %sub3A = arith.constant 2 : i32
        %sub3A_440 = arith.subi %add3A_143, %sub3A : i32
        %mul3A_441 = arith.constant 8 : i32
        %mul3A_442 = arith.muli %sub3A_440, %mul3A_441 : i32
        %add3A_443 = arith.addi %mul3A_2, %mul3A_442 : i32
        %dma_wait3A_444 = arith.constant 1 : i32
        %dma_wait3A_445 = arith.constant 0 : i32
        %dma_wait3A_446 = tpu.memref_slice %arg4[%dma_wait3A_444, %add3A_443, %dma_wait3A_445] : memref<4x8192x1024xf32, #tpu.memory_space<hbm>> -> memref<1x8x1024xf32, #tpu.memory_space<hbm>>
        %dma_wait3A_447 = tpu.memref_squeeze %dma_wait3A_446 : memref<1x8x1024xf32, #tpu.memory_space<hbm>> -> memref<8x1024xf32, #tpu.memory_space<hbm>>
        %dma_wait3A_448 = arith.constant 0 : i32
        %dma_wait3A_449 = tpu.memref_slice %arg4[%dma_wait3A_444, %add3A_443, %dma_wait3A_448] : memref<4x8192x1024xf32, #tpu.memory_space<hbm>> -> memref<1x8x1024xf32, #tpu.memory_space<hbm>>
        %dma_wait3A_450 = tpu.memref_squeeze %dma_wait3A_449 : memref<1x8x1024xf32, #tpu.memory_space<hbm>> -> memref<8x1024xf32, #tpu.memory_space<hbm>>
        tpu.wait_dma2 semaphore(%arg30 : memref<!tpu.dma_semaphore, #tpu.memory_space<semaphore_mem>>) src(%arg12 : memref<8x1024xf32, #tpu.memory_space<vmem>>) dst(%dma_wait3A_450 : memref<8x1024xf32, #tpu.memory_space<hbm>>)
      } else {
      }
      %mul3A_213 = arith.constant 8 : i32
      %mul3A_214 = arith.muli %add3A_143, %mul3A_213 : i32
      %add3A_215 = arith.addi %mul3A_2, %mul3A_214 : i32
      %dma_start3A_216 = arith.constant 1 : i32
      %dma_start3A_217 = arith.constant 0 : i32
      %dma_start3A_218 = tpu.memref_slice %arg2[%dma_start3A_216, %add3A_215, %dma_start3A_217] : memref<4x8192x1024xf32, #tpu.memory_space<hbm>> -> memref<1x8x1024xf32, #tpu.memory_space<hbm>>
      %dma_start3A_219 = tpu.memref_squeeze %dma_start3A_218 : memref<1x8x1024xf32, #tpu.memory_space<hbm>> -> memref<8x1024xf32, #tpu.memory_space<hbm>>
      %dma_start3A_220 = arith.constant 0 : i32
      %dma_start3A_221 = tpu.memref_slice %arg2[%dma_start3A_216, %add3A_215, %dma_start3A_220] : memref<4x8192x1024xf32, #tpu.memory_space<hbm>> -> memref<1x8x1024xf32, #tpu.memory_space<hbm>>
      %dma_start3A_222 = tpu.memref_squeeze %dma_start3A_221 : memref<1x8x1024xf32, #tpu.memory_space<hbm>> -> memref<8x1024xf32, #tpu.memory_space<hbm>>
      tpu.enqueue_dma source(%dma_start3A_222 : memref<8x1024xf32, #tpu.memory_space<hbm>>) target(%arg12 : memref<8x1024xf32, #tpu.memory_space<vmem>>) target_semaphore(%arg22 : memref<!tpu.dma_semaphore, #tpu.memory_space<semaphore_mem>>)
      %mul3A_223 = arith.constant 8 : i32
      %mul3A_224 = arith.muli %mul3A_141, %mul3A_223 : i32
      %add3A_225 = arith.addi %mul3A_2, %mul3A_224 : i32
      %dma_wait3A_226 = arith.constant 2 : i32
      %dma_wait3A_227 = arith.constant 0 : i32
      %dma_wait3A_228 = tpu.memref_slice %arg2[%dma_wait3A_226, %add3A_225, %dma_wait3A_227] : memref<4x8192x1024xf32, #tpu.memory_space<hbm>> -> memref<1x8x1024xf32, #tpu.memory_space<hbm>>
      %dma_wait3A_229 = tpu.memref_squeeze %dma_wait3A_228 : memref<1x8x1024xf32, #tpu.memory_space<hbm>> -> memref<8x1024xf32, #tpu.memory_space<hbm>>
      %dma_wait3A_230 = arith.constant 0 : i32
      %dma_wait3A_231 = tpu.memref_slice %arg2[%dma_wait3A_226, %add3A_225, %dma_wait3A_230] : memref<4x8192x1024xf32, #tpu.memory_space<hbm>> -> memref<1x8x1024xf32, #tpu.memory_space<hbm>>
      %dma_wait3A_232 = tpu.memref_squeeze %dma_wait3A_231 : memref<1x8x1024xf32, #tpu.memory_space<hbm>> -> memref<8x1024xf32, #tpu.memory_space<hbm>>
      tpu.wait_dma2 semaphore(%arg19 : memref<!tpu.dma_semaphore, #tpu.memory_space<semaphore_mem>>) src(%dma_wait3A_232 : memref<8x1024xf32, #tpu.memory_space<hbm>>) dst(%arg9 : memref<8x1024xf32, #tpu.memory_space<vmem>>)
      %parallel_loop3A_233 = arith.constant 0 : i32
      %parallel_loop3A_234 = arith.constant 128 : i32
      %parallel_loop3A_235 = arith.constant 1 : i32
      scf.for %parallel_loop3A_440 = %parallel_loop3A_233 to %parallel_loop3A_234 step %parallel_loop3A_235  : i32 {
        %parallel_loop3A_441 = arith.constant 16 : i32
        %parallel_loop3A_442 = arith.divsi %parallel_loop3A_440, %parallel_loop3A_441 : i32
        %parallel_loop3A_443 = arith.constant 0 : i32
        %parallel_loop3A_444 = arith.cmpi sgt, %parallel_loop3A_440, %parallel_loop3A_443 : i32
        %parallel_loop3A_445 = arith.extui %parallel_loop3A_444 : i1 to i32
        %parallel_loop3A_446 = arith.constant 0 : i32
        %parallel_loop3A_447 = arith.cmpi slt, %parallel_loop3A_440, %parallel_loop3A_446 : i32
        %parallel_loop3A_448 = arith.extui %parallel_loop3A_447 : i1 to i32
        %parallel_loop3A_449 = arith.subi %parallel_loop3A_445, %parallel_loop3A_448 : i32
        %parallel_loop3A_450 = arith.constant 0 : i32
        %parallel_loop3A_451 = arith.cmpi sgt, %parallel_loop3A_441, %parallel_loop3A_450 : i32
        %parallel_loop3A_452 = arith.extui %parallel_loop3A_451 : i1 to i32
        %parallel_loop3A_453 = arith.constant 0 : i32
        %parallel_loop3A_454 = arith.cmpi slt, %parallel_loop3A_441, %parallel_loop3A_453 : i32
        %parallel_loop3A_455 = arith.extui %parallel_loop3A_454 : i1 to i32
        %parallel_loop3A_456 = arith.subi %parallel_loop3A_452, %parallel_loop3A_455 : i32
        %parallel_loop3A_457 = arith.cmpi ne, %parallel_loop3A_449, %parallel_loop3A_456 : i32
        %parallel_loop3A_458 = arith.remsi %parallel_loop3A_440, %parallel_loop3A_441 : i32
        %parallel_loop3A_459 = arith.constant 0 : i32
        %parallel_loop3A_460 = arith.cmpi ne, %parallel_loop3A_458, %parallel_loop3A_459 : i32
        %parallel_loop3A_461 = arith.andi %parallel_loop3A_457, %parallel_loop3A_460 : i1
        %parallel_loop3A_462 = arith.constant 1 : i32
        %parallel_loop3A_463 = arith.subi %parallel_loop3A_442, %parallel_loop3A_462 : i32
        %parallel_loop3A_464 = arith.select %parallel_loop3A_461, %parallel_loop3A_463, %parallel_loop3A_442 : i32
        %parallel_loop3A_465 = arith.constant 16 : i32
        %parallel_loop3A_466 = arith.constant 0 : i32
        %parallel_loop3A_467 = arith.cmpi eq, %parallel_loop3A_465, %parallel_loop3A_466 : i32
        %parallel_loop3A_468 = arith.constant 1 : i32
        %parallel_loop3A_469 = arith.select %parallel_loop3A_467, %parallel_loop3A_468, %parallel_loop3A_465 : i32
        %parallel_loop3A_470 = arith.remsi %parallel_loop3A_440, %parallel_loop3A_469 : i32
        %parallel_loop3A_471 = arith.constant 0 : i32
        %parallel_loop3A_472 = arith.cmpi ne, %parallel_loop3A_470, %parallel_loop3A_471 : i32
        %parallel_loop3A_473 = arith.constant 0 : i32
        %parallel_loop3A_474 = arith.cmpi slt, %parallel_loop3A_470, %parallel_loop3A_473 : i32
        %parallel_loop3A_475 = arith.constant 0 : i32
        %parallel_loop3A_476 = arith.cmpi slt, %parallel_loop3A_469, %parallel_loop3A_475 : i32
        %parallel_loop3A_477 = arith.xori %parallel_loop3A_474, %parallel_loop3A_476 : i1
        %parallel_loop3A_478 = arith.andi %parallel_loop3A_477, %parallel_loop3A_472 : i1
        %parallel_loop3A_479 = arith.addi %parallel_loop3A_470, %parallel_loop3A_469 : i32
        %parallel_loop3A_480 = arith.select %parallel_loop3A_478, %parallel_loop3A_479, %parallel_loop3A_470 : i32
        %parallel_loop3A_481 = arith.constant 64 : i32
        %parallel_loop3A_482 = arith.muli %parallel_loop3A_480, %parallel_loop3A_481 : i32
        %parallel_loop3A_483 = arith.constant 0 : i32
        %parallel_loop3A_484 = arith.addi %parallel_loop3A_482, %parallel_loop3A_483 : i32
        %parallel_loop3A_485 = arith.index_cast %parallel_loop3A_464 : i32 to index
        %parallel_loop3A_486 = arith.index_cast %parallel_loop3A_484 : i32 to index
        %parallel_loop3A_487 = tpu.vector_load %arg5[%parallel_loop3A_485, %parallel_loop3A_486] {strides = array<i32>} : memref<8x1024xf32, #tpu.memory_space<vmem>>, vector<1x16xf32>,
        %parallel_loop3A_488 = vector.shape_cast %parallel_loop3A_487 : vector<1x16xf32> to vector<16xf32>
        %parallel_loop3A_489 = arith.index_cast %parallel_loop3A_464 : i32 to index
        %parallel_loop3A_490 = arith.index_cast %parallel_loop3A_484 : i32 to index
        %parallel_loop3A_491 = tpu.vector_load %arg9[%parallel_loop3A_489, %parallel_loop3A_490] {strides = array<i32>} : memref<8x1024xf32, #tpu.memory_space<vmem>>, vector<1x16xf32>,
        %parallel_loop3A_492 = vector.shape_cast %parallel_loop3A_491 : vector<1x16xf32> to vector<16xf32>
        %parallel_loop3A_493 = vector.shape_cast %parallel_loop3A_488 : vector<16xf32> to vector<1x16xf32>
        tpu.vector_store %arg9[%parallel_loop3A_489, %parallel_loop3A_490], %parallel_loop3A_493 {add = true, strides = array<i32>} : memref<8x1024xf32, #tpu.memory_space<vmem>>, vector<1x16xf32>,
        %parallel_loop3A_494 = arith.constant 16 : i32
        %parallel_loop3A_495 = arith.addi %parallel_loop3A_482, %parallel_loop3A_494 : i32
        %parallel_loop3A_496 = arith.index_cast %parallel_loop3A_464 : i32 to index
        %parallel_loop3A_497 = arith.index_cast %parallel_loop3A_495 : i32 to index
        %parallel_loop3A_498 = tpu.vector_load %arg5[%parallel_loop3A_496, %parallel_loop3A_497] {strides = array<i32>} : memref<8x1024xf32, #tpu.memory_space<vmem>>, vector<1x16xf32>,
        %parallel_loop3A_499 = vector.shape_cast %parallel_loop3A_498 : vector<1x16xf32> to vector<16xf32>
        %parallel_loop3A_500 = arith.index_cast %parallel_loop3A_464 : i32 to index
        %parallel_loop3A_501 = arith.index_cast %parallel_loop3A_495 : i32 to index
        %parallel_loop3A_502 = tpu.vector_load %arg9[%parallel_loop3A_500, %parallel_loop3A_501] {strides = array<i32>} : memref<8x1024xf32, #tpu.memory_space<vmem>>, vector<1x16xf32>,
        %parallel_loop3A_503 = vector.shape_cast %parallel_loop3A_502 : vector<1x16xf32> to vector<16xf32>
        %parallel_loop3A_504 = vector.shape_cast %parallel_loop3A_499 : vector<16xf32> to vector<1x16xf32>
        tpu.vector_store %arg9[%parallel_loop3A_500, %parallel_loop3A_501], %parallel_loop3A_504 {add = true, strides = array<i32>} : memref<8x1024xf32, #tpu.memory_space<vmem>>, vector<1x16xf32>,
        %parallel_loop3A_505 = arith.constant 32 : i32
        %parallel_loop3A_506 = arith.addi %parallel_loop3A_482, %parallel_loop3A_505 : i32
        %parallel_loop3A_507 = arith.index_cast %parallel_loop3A_464 : i32 to index
        %parallel_loop3A_508 = arith.index_cast %parallel_loop3A_506 : i32 to index
        %parallel_loop3A_509 = tpu.vector_load %arg5[%parallel_loop3A_507, %parallel_loop3A_508] {strides = array<i32>} : memref<8x1024xf32, #tpu.memory_space<vmem>>, vector<1x16xf32>,
        %parallel_loop3A_510 = vector.shape_cast %parallel_loop3A_509 : vector<1x16xf32> to vector<16xf32>
        %parallel_loop3A_511 = arith.index_cast %parallel_loop3A_464 : i32 to index
        %parallel_loop3A_512 = arith.index_cast %parallel_loop3A_506 : i32 to index
        %parallel_loop3A_513 = tpu.vector_load %arg9[%parallel_loop3A_511, %parallel_loop3A_512] {strides = array<i32>} : memref<8x1024xf32, #tpu.memory_space<vmem>>, vector<1x16xf32>,
        %parallel_loop3A_514 = vector.shape_cast %parallel_loop3A_513 : vector<1x16xf32> to vector<16xf32>
        %parallel_loop3A_515 = vector.shape_cast %parallel_loop3A_510 : vector<16xf32> to vector<1x16xf32>
        tpu.vector_store %arg9[%parallel_loop3A_511, %parallel_loop3A_512], %parallel_loop3A_515 {add = true, strides = array<i32>} : memref<8x1024xf32, #tpu.memory_space<vmem>>, vector<1x16xf32>,
        %parallel_loop3A_516 = arith.constant 48 : i32
        %parallel_loop3A_517 = arith.addi %parallel_loop3A_482, %parallel_loop3A_516 : i32
        %parallel_loop3A_518 = arith.index_cast %parallel_loop3A_464 : i32 to index
        %parallel_loop3A_519 = arith.index_cast %parallel_loop3A_517 : i32 to index
        %parallel_loop3A_520 = tpu.vector_load %arg5[%parallel_loop3A_518, %parallel_loop3A_519] {strides = array<i32>} : memref<8x1024xf32, #tpu.memory_space<vmem>>, vector<1x16xf32>,
        %parallel_loop3A_521 = vector.shape_cast %parallel_loop3A_520 : vector<1x16xf32> to vector<16xf32>
        %parallel_loop3A_522 = arith.index_cast %parallel_loop3A_464 : i32 to index
        %parallel_loop3A_523 = arith.index_cast %parallel_loop3A_517 : i32 to index
        %parallel_loop3A_524 = tpu.vector_load %arg9[%parallel_loop3A_522, %parallel_loop3A_523] {strides = array<i32>} : memref<8x1024xf32, #tpu.memory_space<vmem>>, vector<1x16xf32>,
        %parallel_loop3A_525 = vector.shape_cast %parallel_loop3A_524 : vector<1x16xf32> to vector<16xf32>
        %parallel_loop3A_526 = vector.shape_cast %parallel_loop3A_521 : vector<16xf32> to vector<1x16xf32>
        tpu.vector_store %arg9[%parallel_loop3A_522, %parallel_loop3A_523], %parallel_loop3A_526 {add = true, strides = array<i32>} : memref<8x1024xf32, #tpu.memory_space<vmem>>, vector<1x16xf32>,
      } {sc.loop_unroll_factor = 1 : i64, sc.parallel_access}
      %mul3A_236 = arith.constant 8 : i32
      %mul3A_237 = arith.muli %mul3A_141, %mul3A_236 : i32
      %add3A_238 = arith.addi %mul3A_2, %mul3A_237 : i32
      %dma_start3A_239 = arith.constant 2 : i32
      %dma_start3A_240 = arith.constant 0 : i32
      %dma_start3A_241 = tpu.memref_slice %arg4[%dma_start3A_239, %add3A_238, %dma_start3A_240] : memref<4x8192x1024xf32, #tpu.memory_space<hbm>> -> memref<1x8x1024xf32, #tpu.memory_space<hbm>>
      %dma_start3A_242 = tpu.memref_squeeze %dma_start3A_241 : memref<1x8x1024xf32, #tpu.memory_space<hbm>> -> memref<8x1024xf32, #tpu.memory_space<hbm>>
      %dma_start3A_243 = arith.constant 0 : i32
      %dma_start3A_244 = tpu.memref_slice %arg4[%dma_start3A_239, %add3A_238, %dma_start3A_243] : memref<4x8192x1024xf32, #tpu.memory_space<hbm>> -> memref<1x8x1024xf32, #tpu.memory_space<hbm>>
      %dma_start3A_245 = tpu.memref_squeeze %dma_start3A_244 : memref<1x8x1024xf32, #tpu.memory_space<hbm>> -> memref<8x1024xf32, #tpu.memory_space<hbm>>
      tpu.enqueue_dma source(%arg9 : memref<8x1024xf32, #tpu.memory_space<vmem>>) target(%dma_start3A_245 : memref<8x1024xf32, #tpu.memory_space<hbm>>) target_semaphore(%arg27 : memref<!tpu.dma_semaphore, #tpu.memory_space<semaphore_mem>>)
      %ge3A_246 = arith.constant 1 : i32
      %ge3A_247 = arith.cmpi sge, %mul3A_141, %ge3A_246 : i32
      %convert_element_type3A_248 = arith.extui %ge3A_247 : i1 to i32
      %cond3A_249 = arith.constant 0 : i32
      %cond3A_250 = arith.cmpi ne, %convert_element_type3A_248, %cond3A_249 : i32
      scf.if %cond3A_250 {
        %sub3A = arith.constant 2 : i32
        %sub3A_440 = arith.subi %add3A_143, %sub3A : i32
        %mul3A_441 = arith.constant 8 : i32
        %mul3A_442 = arith.muli %sub3A_440, %mul3A_441 : i32
        %add3A_443 = arith.addi %mul3A_2, %mul3A_442 : i32
        %dma_wait3A_444 = arith.constant 2 : i32
        %dma_wait3A_445 = arith.constant 0 : i32
        %dma_wait3A_446 = tpu.memref_slice %arg4[%dma_wait3A_444, %add3A_443, %dma_wait3A_445] : memref<4x8192x1024xf32, #tpu.memory_space<hbm>> -> memref<1x8x1024xf32, #tpu.memory_space<hbm>>
        %dma_wait3A_447 = tpu.memref_squeeze %dma_wait3A_446 : memref<1x8x1024xf32, #tpu.memory_space<hbm>> -> memref<8x1024xf32, #tpu.memory_space<hbm>>
        %dma_wait3A_448 = arith.constant 0 : i32
        %dma_wait3A_449 = tpu.memref_slice %arg4[%dma_wait3A_444, %add3A_443, %dma_wait3A_448] : memref<4x8192x1024xf32, #tpu.memory_space<hbm>> -> memref<1x8x1024xf32, #tpu.memory_space<hbm>>
        %dma_wait3A_450 = tpu.memref_squeeze %dma_wait3A_449 : memref<1x8x1024xf32, #tpu.memory_space<hbm>> -> memref<8x1024xf32, #tpu.memory_space<hbm>>
        tpu.wait_dma2 semaphore(%arg31 : memref<!tpu.dma_semaphore, #tpu.memory_space<semaphore_mem>>) src(%arg13 : memref<8x1024xf32, #tpu.memory_space<vmem>>) dst(%dma_wait3A_450 : memref<8x1024xf32, #tpu.memory_space<hbm>>)
      } else {
      }
      %mul3A_251 = arith.constant 8 : i32
      %mul3A_252 = arith.muli %add3A_143, %mul3A_251 : i32
      %add3A_253 = arith.addi %mul3A_2, %mul3A_252 : i32
      %dma_start3A_254 = arith.constant 2 : i32
      %dma_start3A_255 = arith.constant 0 : i32
      %dma_start3A_256 = tpu.memref_slice %arg2[%dma_start3A_254, %add3A_253, %dma_start3A_255] : memref<4x8192x1024xf32, #tpu.memory_space<hbm>> -> memref<1x8x1024xf32, #tpu.memory_space<hbm>>
      %dma_start3A_257 = tpu.memref_squeeze %dma_start3A_256 : memref<1x8x1024xf32, #tpu.memory_space<hbm>> -> memref<8x1024xf32, #tpu.memory_space<hbm>>
      %dma_start3A_258 = arith.constant 0 : i32
      %dma_start3A_259 = tpu.memref_slice %arg2[%dma_start3A_254, %add3A_253, %dma_start3A_258] : memref<4x8192x1024xf32, #tpu.memory_space<hbm>> -> memref<1x8x1024xf32, #tpu.memory_space<hbm>>
      %dma_start3A_260 = tpu.memref_squeeze %dma_start3A_259 : memref<1x8x1024xf32, #tpu.memory_space<hbm>> -> memref<8x1024xf32, #tpu.memory_space<hbm>>
      tpu.enqueue_dma source(%dma_start3A_260 : memref<8x1024xf32, #tpu.memory_space<hbm>>) target(%arg13 : memref<8x1024xf32, #tpu.memory_space<vmem>>) target_semaphore(%arg23 : memref<!tpu.dma_semaphore, #tpu.memory_space<semaphore_mem>>)
      %mul3A_261 = arith.constant 8 : i32
      %mul3A_262 = arith.muli %mul3A_141, %mul3A_261 : i32
      %add3A_263 = arith.addi %mul3A_2, %mul3A_262 : i32
      %dma_wait3A_264 = arith.constant 3 : i32
      %dma_wait3A_265 = arith.constant 0 : i32
      %dma_wait3A_266 = tpu.memref_slice %arg2[%dma_wait3A_264, %add3A_263, %dma_wait3A_265] : memref<4x8192x1024xf32, #tpu.memory_space<hbm>> -> memref<1x8x1024xf32, #tpu.memory_space<hbm>>
      %dma_wait3A_267 = tpu.memref_squeeze %dma_wait3A_266 : memref<1x8x1024xf32, #tpu.memory_space<hbm>> -> memref<8x1024xf32, #tpu.memory_space<hbm>>
      %dma_wait3A_268 = arith.constant 0 : i32
      %dma_wait3A_269 = tpu.memref_slice %arg2[%dma_wait3A_264, %add3A_263, %dma_wait3A_268] : memref<4x8192x1024xf32, #tpu.memory_space<hbm>> -> memref<1x8x1024xf32, #tpu.memory_space<hbm>>
      %dma_wait3A_270 = tpu.memref_squeeze %dma_wait3A_269 : memref<1x8x1024xf32, #tpu.memory_space<hbm>> -> memref<8x1024xf32, #tpu.memory_space<hbm>>
      tpu.wait_dma2 semaphore(%arg20 : memref<!tpu.dma_semaphore, #tpu.memory_space<semaphore_mem>>) src(%dma_wait3A_270 : memref<8x1024xf32, #tpu.memory_space<hbm>>) dst(%arg10 : memref<8x1024xf32, #tpu.memory_space<vmem>>)
      %parallel_loop3A_271 = arith.constant 0 : i32
      %parallel_loop3A_272 = arith.constant 128 : i32
      %parallel_loop3A_273 = arith.constant 1 : i32
      scf.for %parallel_loop3A_440 = %parallel_loop3A_271 to %parallel_loop3A_272 step %parallel_loop3A_273  : i32 {
        %parallel_loop3A_441 = arith.constant 16 : i32
        %parallel_loop3A_442 = arith.divsi %parallel_loop3A_440, %parallel_loop3A_441 : i32
        %parallel_loop3A_443 = arith.constant 0 : i32
        %parallel_loop3A_444 = arith.cmpi sgt, %parallel_loop3A_440, %parallel_loop3A_443 : i32
        %parallel_loop3A_445 = arith.extui %parallel_loop3A_444 : i1 to i32
        %parallel_loop3A_446 = arith.constant 0 : i32
        %parallel_loop3A_447 = arith.cmpi slt, %parallel_loop3A_440, %parallel_loop3A_446 : i32
        %parallel_loop3A_448 = arith.extui %parallel_loop3A_447 : i1 to i32
        %parallel_loop3A_449 = arith.subi %parallel_loop3A_445, %parallel_loop3A_448 : i32
        %parallel_loop3A_450 = arith.constant 0 : i32
        %parallel_loop3A_451 = arith.cmpi sgt, %parallel_loop3A_441, %parallel_loop3A_450 : i32
        %parallel_loop3A_452 = arith.extui %parallel_loop3A_451 : i1 to i32
        %parallel_loop3A_453 = arith.constant 0 : i32
        %parallel_loop3A_454 = arith.cmpi slt, %parallel_loop3A_441, %parallel_loop3A_453 : i32
        %parallel_loop3A_455 = arith.extui %parallel_loop3A_454 : i1 to i32
        %parallel_loop3A_456 = arith.subi %parallel_loop3A_452, %parallel_loop3A_455 : i32
        %parallel_loop3A_457 = arith.cmpi ne, %parallel_loop3A_449, %parallel_loop3A_456 : i32
        %parallel_loop3A_458 = arith.remsi %parallel_loop3A_440, %parallel_loop3A_441 : i32
        %parallel_loop3A_459 = arith.constant 0 : i32
        %parallel_loop3A_460 = arith.cmpi ne, %parallel_loop3A_458, %parallel_loop3A_459 : i32
        %parallel_loop3A_461 = arith.andi %parallel_loop3A_457, %parallel_loop3A_460 : i1
        %parallel_loop3A_462 = arith.constant 1 : i32
        %parallel_loop3A_463 = arith.subi %parallel_loop3A_442, %parallel_loop3A_462 : i32
        %parallel_loop3A_464 = arith.select %parallel_loop3A_461, %parallel_loop3A_463, %parallel_loop3A_442 : i32
        %parallel_loop3A_465 = arith.constant 16 : i32
        %parallel_loop3A_466 = arith.constant 0 : i32
        %parallel_loop3A_467 = arith.cmpi eq, %parallel_loop3A_465, %parallel_loop3A_466 : i32
        %parallel_loop3A_468 = arith.constant 1 : i32
        %parallel_loop3A_469 = arith.select %parallel_loop3A_467, %parallel_loop3A_468, %parallel_loop3A_465 : i32
        %parallel_loop3A_470 = arith.remsi %parallel_loop3A_440, %parallel_loop3A_469 : i32
        %parallel_loop3A_471 = arith.constant 0 : i32
        %parallel_loop3A_472 = arith.cmpi ne, %parallel_loop3A_470, %parallel_loop3A_471 : i32
        %parallel_loop3A_473 = arith.constant 0 : i32
        %parallel_loop3A_474 = arith.cmpi slt, %parallel_loop3A_470, %parallel_loop3A_473 : i32
        %parallel_loop3A_475 = arith.constant 0 : i32
        %parallel_loop3A_476 = arith.cmpi slt, %parallel_loop3A_469, %parallel_loop3A_475 : i32
        %parallel_loop3A_477 = arith.xori %parallel_loop3A_474, %parallel_loop3A_476 : i1
        %parallel_loop3A_478 = arith.andi %parallel_loop3A_477, %parallel_loop3A_472 : i1
        %parallel_loop3A_479 = arith.addi %parallel_loop3A_470, %parallel_loop3A_469 : i32
        %parallel_loop3A_480 = arith.select %parallel_loop3A_478, %parallel_loop3A_479, %parallel_loop3A_470 : i32
        %parallel_loop3A_481 = arith.constant 64 : i32
        %parallel_loop3A_482 = arith.muli %parallel_loop3A_480, %parallel_loop3A_481 : i32
        %parallel_loop3A_483 = arith.constant 0 : i32
        %parallel_loop3A_484 = arith.addi %parallel_loop3A_482, %parallel_loop3A_483 : i32
        %parallel_loop3A_485 = arith.index_cast %parallel_loop3A_464 : i32 to index
        %parallel_loop3A_486 = arith.index_cast %parallel_loop3A_484 : i32 to index
        %parallel_loop3A_487 = tpu.vector_load %arg5[%parallel_loop3A_485, %parallel_loop3A_486] {strides = array<i32>} : memref<8x1024xf32, #tpu.memory_space<vmem>>, vector<1x16xf32>,
        %parallel_loop3A_488 = vector.shape_cast %parallel_loop3A_487 : vector<1x16xf32> to vector<16xf32>
        %parallel_loop3A_489 = arith.index_cast %parallel_loop3A_464 : i32 to index
        %parallel_loop3A_490 = arith.index_cast %parallel_loop3A_484 : i32 to index
        %parallel_loop3A_491 = tpu.vector_load %arg10[%parallel_loop3A_489, %parallel_loop3A_490] {strides = array<i32>} : memref<8x1024xf32, #tpu.memory_space<vmem>>, vector<1x16xf32>,
        %parallel_loop3A_492 = vector.shape_cast %parallel_loop3A_491 : vector<1x16xf32> to vector<16xf32>
        %parallel_loop3A_493 = vector.shape_cast %parallel_loop3A_488 : vector<16xf32> to vector<1x16xf32>
        tpu.vector_store %arg10[%parallel_loop3A_489, %parallel_loop3A_490], %parallel_loop3A_493 {add = true, strides = array<i32>} : memref<8x1024xf32, #tpu.memory_space<vmem>>, vector<1x16xf32>,
        %parallel_loop3A_494 = arith.constant 16 : i32
        %parallel_loop3A_495 = arith.addi %parallel_loop3A_482, %parallel_loop3A_494 : i32
        %parallel_loop3A_496 = arith.index_cast %parallel_loop3A_464 : i32 to index
        %parallel_loop3A_497 = arith.index_cast %parallel_loop3A_495 : i32 to index
        %parallel_loop3A_498 = tpu.vector_load %arg5[%parallel_loop3A_496, %parallel_loop3A_497] {strides = array<i32>} : memref<8x1024xf32, #tpu.memory_space<vmem>>, vector<1x16xf32>,
        %parallel_loop3A_499 = vector.shape_cast %parallel_loop3A_498 : vector<1x16xf32> to vector<16xf32>
        %parallel_loop3A_500 = arith.index_cast %parallel_loop3A_464 : i32 to index
        %parallel_loop3A_501 = arith.index_cast %parallel_loop3A_495 : i32 to index
        %parallel_loop3A_502 = tpu.vector_load %arg10[%parallel_loop3A_500, %parallel_loop3A_501] {strides = array<i32>} : memref<8x1024xf32, #tpu.memory_space<vmem>>, vector<1x16xf32>,
        %parallel_loop3A_503 = vector.shape_cast %parallel_loop3A_502 : vector<1x16xf32> to vector<16xf32>
        %parallel_loop3A_504 = vector.shape_cast %parallel_loop3A_499 : vector<16xf32> to vector<1x16xf32>
        tpu.vector_store %arg10[%parallel_loop3A_500, %parallel_loop3A_501], %parallel_loop3A_504 {add = true, strides = array<i32>} : memref<8x1024xf32, #tpu.memory_space<vmem>>, vector<1x16xf32>,
        %parallel_loop3A_505 = arith.constant 32 : i32
        %parallel_loop3A_506 = arith.addi %parallel_loop3A_482, %parallel_loop3A_505 : i32
        %parallel_loop3A_507 = arith.index_cast %parallel_loop3A_464 : i32 to index
        %parallel_loop3A_508 = arith.index_cast %parallel_loop3A_506 : i32 to index
        %parallel_loop3A_509 = tpu.vector_load %arg5[%parallel_loop3A_507, %parallel_loop3A_508] {strides = array<i32>} : memref<8x1024xf32, #tpu.memory_space<vmem>>, vector<1x16xf32>,
        %parallel_loop3A_510 = vector.shape_cast %parallel_loop3A_509 : vector<1x16xf32> to vector<16xf32>
        %parallel_loop3A_511 = arith.index_cast %parallel_loop3A_464 : i32 to index
        %parallel_loop3A_512 = arith.index_cast %parallel_loop3A_506 : i32 to index
        %parallel_loop3A_513 = tpu.vector_load %arg10[%parallel_loop3A_511, %parallel_loop3A_512] {strides = array<i32>} : memref<8x1024xf32, #tpu.memory_space<vmem>>, vector<1x16xf32>,
        %parallel_loop3A_514 = vector.shape_cast %parallel_loop3A_513 : vector<1x16xf32> to vector<16xf32>
        %parallel_loop3A_515 = vector.shape_cast %parallel_loop3A_510 : vector<16xf32> to vector<1x16xf32>
        tpu.vector_store %arg10[%parallel_loop3A_511, %parallel_loop3A_512], %parallel_loop3A_515 {add = true, strides = array<i32>} : memref<8x1024xf32, #tpu.memory_space<vmem>>, vector<1x16xf32>,
        %parallel_loop3A_516 = arith.constant 48 : i32
        %parallel_loop3A_517 = arith.addi %parallel_loop3A_482, %parallel_loop3A_516 : i32
        %parallel_loop3A_518 = arith.index_cast %parallel_loop3A_464 : i32 to index
        %parallel_loop3A_519 = arith.index_cast %parallel_loop3A_517 : i32 to index
        %parallel_loop3A_520 = tpu.vector_load %arg5[%parallel_loop3A_518, %parallel_loop3A_519] {strides = array<i32>} : memref<8x1024xf32, #tpu.memory_space<vmem>>, vector<1x16xf32>,
        %parallel_loop3A_521 = vector.shape_cast %parallel_loop3A_520 : vector<1x16xf32> to vector<16xf32>
        %parallel_loop3A_522 = arith.index_cast %parallel_loop3A_464 : i32 to index
        %parallel_loop3A_523 = arith.index_cast %parallel_loop3A_517 : i32 to index
        %parallel_loop3A_524 = tpu.vector_load %arg10[%parallel_loop3A_522, %parallel_loop3A_523] {strides = array<i32>} : memref<8x1024xf32, #tpu.memory_space<vmem>>, vector<1x16xf32>,
        %parallel_loop3A_525 = vector.shape_cast %parallel_loop3A_524 : vector<1x16xf32> to vector<16xf32>
        %parallel_loop3A_526 = vector.shape_cast %parallel_loop3A_521 : vector<16xf32> to vector<1x16xf32>
        tpu.vector_store %arg10[%parallel_loop3A_522, %parallel_loop3A_523], %parallel_loop3A_526 {add = true, strides = array<i32>} : memref<8x1024xf32, #tpu.memory_space<vmem>>, vector<1x16xf32>,
      } {sc.loop_unroll_factor = 1 : i64, sc.parallel_access}
      %mul3A_274 = arith.constant 8 : i32
      %mul3A_275 = arith.muli %mul3A_141, %mul3A_274 : i32
      %add3A_276 = arith.addi %mul3A_2, %mul3A_275 : i32
      %dma_start3A_277 = arith.constant 3 : i32
      %dma_start3A_278 = arith.constant 0 : i32
      %dma_start3A_279 = tpu.memref_slice %arg4[%dma_start3A_277, %add3A_276, %dma_start3A_278] : memref<4x8192x1024xf32, #tpu.memory_space<hbm>> -> memref<1x8x1024xf32, #tpu.memory_space<hbm>>
      %dma_start3A_280 = tpu.memref_squeeze %dma_start3A_279 : memref<1x8x1024xf32, #tpu.memory_space<hbm>> -> memref<8x1024xf32, #tpu.memory_space<hbm>>
      %dma_start3A_281 = arith.constant 0 : i32
      %dma_start3A_282 = tpu.memref_slice %arg4[%dma_start3A_277, %add3A_276, %dma_start3A_281] : memref<4x8192x1024xf32, #tpu.memory_space<hbm>> -> memref<1x8x1024xf32, #tpu.memory_space<hbm>>
      %dma_start3A_283 = tpu.memref_squeeze %dma_start3A_282 : memref<1x8x1024xf32, #tpu.memory_space<hbm>> -> memref<8x1024xf32, #tpu.memory_space<hbm>>
      tpu.enqueue_dma source(%arg10 : memref<8x1024xf32, #tpu.memory_space<vmem>>) target(%dma_start3A_283 : memref<8x1024xf32, #tpu.memory_space<hbm>>) target_semaphore(%arg28 : memref<!tpu.dma_semaphore, #tpu.memory_space<semaphore_mem>>)
      %ge3A_284 = arith.constant 1 : i32
      %ge3A_285 = arith.cmpi sge, %mul3A_141, %ge3A_284 : i32
      %convert_element_type3A_286 = arith.extui %ge3A_285 : i1 to i32
      %cond3A_287 = arith.constant 0 : i32
      %cond3A_288 = arith.cmpi ne, %convert_element_type3A_286, %cond3A_287 : i32
      scf.if %cond3A_288 {
        %sub3A = arith.constant 2 : i32
        %sub3A_440 = arith.subi %add3A_143, %sub3A : i32
        %mul3A_441 = arith.constant 8 : i32
        %mul3A_442 = arith.muli %sub3A_440, %mul3A_441 : i32
        %add3A_443 = arith.addi %mul3A_2, %mul3A_442 : i32
        %dma_wait3A_444 = arith.constant 3 : i32
        %dma_wait3A_445 = arith.constant 0 : i32
        %dma_wait3A_446 = tpu.memref_slice %arg4[%dma_wait3A_444, %add3A_443, %dma_wait3A_445] : memref<4x8192x1024xf32, #tpu.memory_space<hbm>> -> memref<1x8x1024xf32, #tpu.memory_space<hbm>>
        %dma_wait3A_447 = tpu.memref_squeeze %dma_wait3A_446 : memref<1x8x1024xf32, #tpu.memory_space<hbm>> -> memref<8x1024xf32, #tpu.memory_space<hbm>>
        %dma_wait3A_448 = arith.constant 0 : i32
        %dma_wait3A_449 = tpu.memref_slice %arg4[%dma_wait3A_444, %add3A_443, %dma_wait3A_448] : memref<4x8192x1024xf32, #tpu.memory_space<hbm>> -> memref<1x8x1024xf32, #tpu.memory_space<hbm>>
        %dma_wait3A_450 = tpu.memref_squeeze %dma_wait3A_449 : memref<1x8x1024xf32, #tpu.memory_space<hbm>> -> memref<8x1024xf32, #tpu.memory_space<hbm>>
        tpu.wait_dma2 semaphore(%arg32 : memref<!tpu.dma_semaphore, #tpu.memory_space<semaphore_mem>>) src(%arg14 : memref<8x1024xf32, #tpu.memory_space<vmem>>) dst(%dma_wait3A_450 : memref<8x1024xf32, #tpu.memory_space<hbm>>)
      } else {
      }
      %mul3A_289 = arith.constant 8 : i32
      %mul3A_290 = arith.muli %add3A_143, %mul3A_289 : i32
      %add3A_291 = arith.addi %mul3A_2, %mul3A_290 : i32
      %dma_start3A_292 = arith.constant 3 : i32
      %dma_start3A_293 = arith.constant 0 : i32
      %dma_start3A_294 = tpu.memref_slice %arg2[%dma_start3A_292, %add3A_291, %dma_start3A_293] : memref<4x8192x1024xf32, #tpu.memory_space<hbm>> -> memref<1x8x1024xf32, #tpu.memory_space<hbm>>
      %dma_start3A_295 = tpu.memref_squeeze %dma_start3A_294 : memref<1x8x1024xf32, #tpu.memory_space<hbm>> -> memref<8x1024xf32, #tpu.memory_space<hbm>>
      %dma_start3A_296 = arith.constant 0 : i32
      %dma_start3A_297 = tpu.memref_slice %arg2[%dma_start3A_292, %add3A_291, %dma_start3A_296] : memref<4x8192x1024xf32, #tpu.memory_space<hbm>> -> memref<1x8x1024xf32, #tpu.memory_space<hbm>>
      %dma_start3A_298 = tpu.memref_squeeze %dma_start3A_297 : memref<1x8x1024xf32, #tpu.memory_space<hbm>> -> memref<8x1024xf32, #tpu.memory_space<hbm>>
      tpu.enqueue_dma source(%dma_start3A_298 : memref<8x1024xf32, #tpu.memory_space<hbm>>) target(%arg14 : memref<8x1024xf32, #tpu.memory_space<vmem>>) target_semaphore(%arg24 : memref<!tpu.dma_semaphore, #tpu.memory_space<semaphore_mem>>)
      %add3A_299 = arith.constant 2 : i32
      %add3A_300 = arith.addi %mul3A_141, %add3A_299 : i32
      %lt3A = arith.constant 32 : i32
      %lt3A_301 = arith.cmpi slt, %add3A_300, %lt3A : i32
      %convert_element_type3A_302 = arith.extui %lt3A_301 : i1 to i32
      %cond3A_303 = arith.constant 0 : i32
      %cond3A_304 = arith.cmpi ne, %convert_element_type3A_302, %cond3A_303 : i32
      scf.if %cond3A_304 {
        %add3A_440 = arith.constant 2 : i32
        %add3A_441 = arith.addi %mul3A_141, %add3A_440 : i32
        %mul3A_442 = arith.constant 8 : i32
        %mul3A_443 = arith.muli %add3A_441, %mul3A_442 : i32
        %add3A_444 = arith.addi %mul3A_2, %mul3A_443 : i32
        %dma_start3A_445 = arith.constant 0 : i32
        %dma_start3A_446 = tpu.memref_slice %arg3[%add3A_444, %dma_start3A_445] : memref<8192x1024xf32, #tpu.memory_space<hbm>> -> memref<8x1024xf32, #tpu.memory_space<hbm>>
        %dma_start3A_447 = arith.constant 0 : i32
        %dma_start3A_448 = tpu.memref_slice %arg3[%add3A_444, %dma_start3A_447] : memref<8192x1024xf32, #tpu.memory_space<hbm>> -> memref<8x1024xf32, #tpu.memory_space<hbm>>
        tpu.enqueue_dma source(%dma_start3A_448 : memref<8x1024xf32, #tpu.memory_space<hbm>>) target(%arg5 : memref<8x1024xf32, #tpu.memory_space<vmem>>) target_semaphore(%arg15 : memref<!tpu.dma_semaphore, #tpu.memory_space<semaphore_mem>>)
      } else {
      }
      %mul3A_305 = arith.constant 8 : i32
      %mul3A_306 = arith.muli %add3A_143, %mul3A_305 : i32
      %add3A_307 = arith.addi %mul3A_2, %mul3A_306 : i32
      %dma_wait3A_308 = arith.constant 0 : i32
      %dma_wait3A_309 = tpu.memref_slice %arg3[%add3A_307, %dma_wait3A_308] : memref<8192x1024xf32, #tpu.memory_space<hbm>> -> memref<8x1024xf32, #tpu.memory_space<hbm>>
      %dma_wait3A_310 = arith.constant 0 : i32
      %dma_wait3A_311 = tpu.memref_slice %arg3[%add3A_307, %dma_wait3A_310] : memref<8192x1024xf32, #tpu.memory_space<hbm>> -> memref<8x1024xf32, #tpu.memory_space<hbm>>
      tpu.wait_dma2 semaphore(%arg16 : memref<!tpu.dma_semaphore, #tpu.memory_space<semaphore_mem>>) src(%dma_wait3A_311 : memref<8x1024xf32, #tpu.memory_space<hbm>>) dst(%arg6 : memref<8x1024xf32, #tpu.memory_space<vmem>>)
      %mul3A_312 = arith.constant 8 : i32
      %mul3A_313 = arith.muli %add3A_143, %mul3A_312 : i32
      %add3A_314 = arith.addi %mul3A_2, %mul3A_313 : i32
      %dma_wait3A_315 = arith.constant 0 : i32
      %dma_wait3A_316 = arith.constant 0 : i32
      %dma_wait3A_317 = tpu.memref_slice %arg2[%dma_wait3A_315, %add3A_314, %dma_wait3A_316] : memref<4x8192x1024xf32, #tpu.memory_space<hbm>> -> memref<1x8x1024xf32, #tpu.memory_space<hbm>>
      %dma_wait3A_318 = tpu.memref_squeeze %dma_wait3A_317 : memref<1x8x1024xf32, #tpu.memory_space<hbm>> -> memref<8x1024xf32, #tpu.memory_space<hbm>>
      %dma_wait3A_319 = arith.constant 0 : i32
      %dma_wait3A_320 = tpu.memref_slice %arg2[%dma_wait3A_315, %add3A_314, %dma_wait3A_319] : memref<4x8192x1024xf32, #tpu.memory_space<hbm>> -> memref<1x8x1024xf32, #tpu.memory_space<hbm>>
      %dma_wait3A_321 = tpu.memref_squeeze %dma_wait3A_320 : memref<1x8x1024xf32, #tpu.memory_space<hbm>> -> memref<8x1024xf32, #tpu.memory_space<hbm>>
      tpu.wait_dma2 semaphore(%arg21 : memref<!tpu.dma_semaphore, #tpu.memory_space<semaphore_mem>>) src(%dma_wait3A_321 : memref<8x1024xf32, #tpu.memory_space<hbm>>) dst(%arg11 : memref<8x1024xf32, #tpu.memory_space<vmem>>)
      %parallel_loop3A_322 = arith.constant 0 : i32
      %parallel_loop3A_323 = arith.constant 128 : i32
      %parallel_loop3A_324 = arith.constant 1 : i32
      scf.for %parallel_loop3A_440 = %parallel_loop3A_322 to %parallel_loop3A_323 step %parallel_loop3A_324  : i32 {
        %parallel_loop3A_441 = arith.constant 16 : i32
        %parallel_loop3A_442 = arith.divsi %parallel_loop3A_440, %parallel_loop3A_441 : i32
        %parallel_loop3A_443 = arith.constant 0 : i32
        %parallel_loop3A_444 = arith.cmpi sgt, %parallel_loop3A_440, %parallel_loop3A_443 : i32
        %parallel_loop3A_445 = arith.extui %parallel_loop3A_444 : i1 to i32
        %parallel_loop3A_446 = arith.constant 0 : i32
        %parallel_loop3A_447 = arith.cmpi slt, %parallel_loop3A_440, %parallel_loop3A_446 : i32
        %parallel_loop3A_448 = arith.extui %parallel_loop3A_447 : i1 to i32
        %parallel_loop3A_449 = arith.subi %parallel_loop3A_445, %parallel_loop3A_448 : i32
        %parallel_loop3A_450 = arith.constant 0 : i32
        %parallel_loop3A_451 = arith.cmpi sgt, %parallel_loop3A_441, %parallel_loop3A_450 : i32
        %parallel_loop3A_452 = arith.extui %parallel_loop3A_451 : i1 to i32
        %parallel_loop3A_453 = arith.constant 0 : i32
        %parallel_loop3A_454 = arith.cmpi slt, %parallel_loop3A_441, %parallel_loop3A_453 : i32
        %parallel_loop3A_455 = arith.extui %parallel_loop3A_454 : i1 to i32
        %parallel_loop3A_456 = arith.subi %parallel_loop3A_452, %parallel_loop3A_455 : i32
        %parallel_loop3A_457 = arith.cmpi ne, %parallel_loop3A_449, %parallel_loop3A_456 : i32
        %parallel_loop3A_458 = arith.remsi %parallel_loop3A_440, %parallel_loop3A_441 : i32
        %parallel_loop3A_459 = arith.constant 0 : i32
        %parallel_loop3A_460 = arith.cmpi ne, %parallel_loop3A_458, %parallel_loop3A_459 : i32
        %parallel_loop3A_461 = arith.andi %parallel_loop3A_457, %parallel_loop3A_460 : i1
        %parallel_loop3A_462 = arith.constant 1 : i32
        %parallel_loop3A_463 = arith.subi %parallel_loop3A_442, %parallel_loop3A_462 : i32
        %parallel_loop3A_464 = arith.select %parallel_loop3A_461, %parallel_loop3A_463, %parallel_loop3A_442 : i32
        %parallel_loop3A_465 = arith.constant 16 : i32
        %parallel_loop3A_466 = arith.constant 0 : i32
        %parallel_loop3A_467 = arith.cmpi eq, %parallel_loop3A_465, %parallel_loop3A_466 : i32
        %parallel_loop3A_468 = arith.constant 1 : i32
        %parallel_loop3A_469 = arith.select %parallel_loop3A_467, %parallel_loop3A_468, %parallel_loop3A_465 : i32
        %parallel_loop3A_470 = arith.remsi %parallel_loop3A_440, %parallel_loop3A_469 : i32
        %parallel_loop3A_471 = arith.constant 0 : i32
        %parallel_loop3A_472 = arith.cmpi ne, %parallel_loop3A_470, %parallel_loop3A_471 : i32
        %parallel_loop3A_473 = arith.constant 0 : i32
        %parallel_loop3A_474 = arith.cmpi slt, %parallel_loop3A_470, %parallel_loop3A_473 : i32
        %parallel_loop3A_475 = arith.constant 0 : i32
        %parallel_loop3A_476 = arith.cmpi slt, %parallel_loop3A_469, %parallel_loop3A_475 : i32
        %parallel_loop3A_477 = arith.xori %parallel_loop3A_474, %parallel_loop3A_476 : i1
        %parallel_loop3A_478 = arith.andi %parallel_loop3A_477, %parallel_loop3A_472 : i1
        %parallel_loop3A_479 = arith.addi %parallel_loop3A_470, %parallel_loop3A_469 : i32
        %parallel_loop3A_480 = arith.select %parallel_loop3A_478, %parallel_loop3A_479, %parallel_loop3A_470 : i32
        %parallel_loop3A_481 = arith.constant 64 : i32
        %parallel_loop3A_482 = arith.muli %parallel_loop3A_480, %parallel_loop3A_481 : i32
        %parallel_loop3A_483 = arith.constant 0 : i32
        %parallel_loop3A_484 = arith.addi %parallel_loop3A_482, %parallel_loop3A_483 : i32
        %parallel_loop3A_485 = arith.index_cast %parallel_loop3A_464 : i32 to index
        %parallel_loop3A_486 = arith.index_cast %parallel_loop3A_484 : i32 to index
        %parallel_loop3A_487 = tpu.vector_load %arg6[%parallel_loop3A_485, %parallel_loop3A_486] {strides = array<i32>} : memref<8x1024xf32, #tpu.memory_space<vmem>>, vector<1x16xf32>,
        %parallel_loop3A_488 = vector.shape_cast %parallel_loop3A_487 : vector<1x16xf32> to vector<16xf32>
        %parallel_loop3A_489 = arith.index_cast %parallel_loop3A_464 : i32 to index
        %parallel_loop3A_490 = arith.index_cast %parallel_loop3A_484 : i32 to index
        %parallel_loop3A_491 = tpu.vector_load %arg11[%parallel_loop3A_489, %parallel_loop3A_490] {strides = array<i32>} : memref<8x1024xf32, #tpu.memory_space<vmem>>, vector<1x16xf32>,
        %parallel_loop3A_492 = vector.shape_cast %parallel_loop3A_491 : vector<1x16xf32> to vector<16xf32>
        %parallel_loop3A_493 = vector.shape_cast %parallel_loop3A_488 : vector<16xf32> to vector<1x16xf32>
        tpu.vector_store %arg11[%parallel_loop3A_489, %parallel_loop3A_490], %parallel_loop3A_493 {add = true, strides = array<i32>} : memref<8x1024xf32, #tpu.memory_space<vmem>>, vector<1x16xf32>,
        %parallel_loop3A_494 = arith.constant 16 : i32
        %parallel_loop3A_495 = arith.addi %parallel_loop3A_482, %parallel_loop3A_494 : i32
        %parallel_loop3A_496 = arith.index_cast %parallel_loop3A_464 : i32 to index
        %parallel_loop3A_497 = arith.index_cast %parallel_loop3A_495 : i32 to index
        %parallel_loop3A_498 = tpu.vector_load %arg6[%parallel_loop3A_496, %parallel_loop3A_497] {strides = array<i32>} : memref<8x1024xf32, #tpu.memory_space<vmem>>, vector<1x16xf32>,
        %parallel_loop3A_499 = vector.shape_cast %parallel_loop3A_498 : vector<1x16xf32> to vector<16xf32>
        %parallel_loop3A_500 = arith.index_cast %parallel_loop3A_464 : i32 to index
        %parallel_loop3A_501 = arith.index_cast %parallel_loop3A_495 : i32 to index
        %parallel_loop3A_502 = tpu.vector_load %arg11[%parallel_loop3A_500, %parallel_loop3A_501] {strides = array<i32>} : memref<8x1024xf32, #tpu.memory_space<vmem>>, vector<1x16xf32>,
        %parallel_loop3A_503 = vector.shape_cast %parallel_loop3A_502 : vector<1x16xf32> to vector<16xf32>
        %parallel_loop3A_504 = vector.shape_cast %parallel_loop3A_499 : vector<16xf32> to vector<1x16xf32>
        tpu.vector_store %arg11[%parallel_loop3A_500, %parallel_loop3A_501], %parallel_loop3A_504 {add = true, strides = array<i32>} : memref<8x1024xf32, #tpu.memory_space<vmem>>, vector<1x16xf32>,
        %parallel_loop3A_505 = arith.constant 32 : i32
        %parallel_loop3A_506 = arith.addi %parallel_loop3A_482, %parallel_loop3A_505 : i32
        %parallel_loop3A_507 = arith.index_cast %parallel_loop3A_464 : i32 to index
        %parallel_loop3A_508 = arith.index_cast %parallel_loop3A_506 : i32 to index
        %parallel_loop3A_509 = tpu.vector_load %arg6[%parallel_loop3A_507, %parallel_loop3A_508] {strides = array<i32>} : memref<8x1024xf32, #tpu.memory_space<vmem>>, vector<1x16xf32>,
        %parallel_loop3A_510 = vector.shape_cast %parallel_loop3A_509 : vector<1x16xf32> to vector<16xf32>
        %parallel_loop3A_511 = arith.index_cast %parallel_loop3A_464 : i32 to index
        %parallel_loop3A_512 = arith.index_cast %parallel_loop3A_506 : i32 to index
        %parallel_loop3A_513 = tpu.vector_load %arg11[%parallel_loop3A_511, %parallel_loop3A_512] {strides = array<i32>} : memref<8x1024xf32, #tpu.memory_space<vmem>>, vector<1x16xf32>,
        %parallel_loop3A_514 = vector.shape_cast %parallel_loop3A_513 : vector<1x16xf32> to vector<16xf32>
        %parallel_loop3A_515 = vector.shape_cast %parallel_loop3A_510 : vector<16xf32> to vector<1x16xf32>
        tpu.vector_store %arg11[%parallel_loop3A_511, %parallel_loop3A_512], %parallel_loop3A_515 {add = true, strides = array<i32>} : memref<8x1024xf32, #tpu.memory_space<vmem>>, vector<1x16xf32>,
        %parallel_loop3A_516 = arith.constant 48 : i32
        %parallel_loop3A_517 = arith.addi %parallel_loop3A_482, %parallel_loop3A_516 : i32
        %parallel_loop3A_518 = arith.index_cast %parallel_loop3A_464 : i32 to index
        %parallel_loop3A_519 = arith.index_cast %parallel_loop3A_517 : i32 to index
        %parallel_loop3A_520 = tpu.vector_load %arg6[%parallel_loop3A_518, %parallel_loop3A_519] {strides = array<i32>} : memref<8x1024xf32, #tpu.memory_space<vmem>>, vector<1x16xf32>,
        %parallel_loop3A_521 = vector.shape_cast %parallel_loop3A_520 : vector<1x16xf32> to vector<16xf32>
        %parallel_loop3A_522 = arith.index_cast %parallel_loop3A_464 : i32 to index
        %parallel_loop3A_523 = arith.index_cast %parallel_loop3A_517 : i32 to index
        %parallel_loop3A_524 = tpu.vector_load %arg11[%parallel_loop3A_522, %parallel_loop3A_523] {strides = array<i32>} : memref<8x1024xf32, #tpu.memory_space<vmem>>, vector<1x16xf32>,
        %parallel_loop3A_525 = vector.shape_cast %parallel_loop3A_524 : vector<1x16xf32> to vector<16xf32>
        %parallel_loop3A_526 = vector.shape_cast %parallel_loop3A_521 : vector<16xf32> to vector<1x16xf32>
        tpu.vector_store %arg11[%parallel_loop3A_522, %parallel_loop3A_523], %parallel_loop3A_526 {add = true, strides = array<i32>} : memref<8x1024xf32, #tpu.memory_space<vmem>>, vector<1x16xf32>,
      } {sc.loop_unroll_factor = 1 : i64, sc.parallel_access}
      %mul3A_325 = arith.constant 8 : i32
      %mul3A_326 = arith.muli %add3A_143, %mul3A_325 : i32
      %add3A_327 = arith.addi %mul3A_2, %mul3A_326 : i32
      %dma_start3A_328 = arith.constant 0 : i32
      %dma_start3A_329 = arith.constant 0 : i32
      %dma_start3A_330 = tpu.memref_slice %arg4[%dma_start3A_328, %add3A_327, %dma_start3A_329] : memref<4x8192x1024xf32, #tpu.memory_space<hbm>> -> memref<1x8x1024xf32, #tpu.memory_space<hbm>>
      %dma_start3A_331 = tpu.memref_squeeze %dma_start3A_330 : memref<1x8x1024xf32, #tpu.memory_space<hbm>> -> memref<8x1024xf32, #tpu.memory_space<hbm>>
      %dma_start3A_332 = arith.constant 0 : i32
      %dma_start3A_333 = tpu.memref_slice %arg4[%dma_start3A_328, %add3A_327, %dma_start3A_332] : memref<4x8192x1024xf32, #tpu.memory_space<hbm>> -> memref<1x8x1024xf32, #tpu.memory_space<hbm>>
      %dma_start3A_334 = tpu.memref_squeeze %dma_start3A_333 : memref<1x8x1024xf32, #tpu.memory_space<hbm>> -> memref<8x1024xf32, #tpu.memory_space<hbm>>
      tpu.enqueue_dma source(%arg11 : memref<8x1024xf32, #tpu.memory_space<vmem>>) target(%dma_start3A_334 : memref<8x1024xf32, #tpu.memory_space<hbm>>) target_semaphore(%arg29 : memref<!tpu.dma_semaphore, #tpu.memory_space<semaphore_mem>>)
      %add3A_335 = arith.constant 2 : i32
      %add3A_336 = arith.addi %mul3A_141, %add3A_335 : i32
      %lt3A_337 = arith.constant 32 : i32
      %lt3A_338 = arith.cmpi slt, %add3A_336, %lt3A_337 : i32
      %convert_element_type3A_339 = arith.extui %lt3A_338 : i1 to i32
      %cond3A_340 = arith.constant 0 : i32
      %cond3A_341 = arith.cmpi ne, %convert_element_type3A_339, %cond3A_340 : i32
      scf.if %cond3A_341 {
        %mul3A_440 = arith.constant 8 : i32
        %mul3A_441 = arith.muli %mul3A_141, %mul3A_440 : i32
        %add3A_442 = arith.addi %mul3A_2, %mul3A_441 : i32
        %dma_wait3A_443 = arith.constant 0 : i32
        %dma_wait3A_444 = arith.constant 0 : i32
        %dma_wait3A_445 = tpu.memref_slice %arg4[%dma_wait3A_443, %add3A_442, %dma_wait3A_444] : memref<4x8192x1024xf32, #tpu.memory_space<hbm>> -> memref<1x8x1024xf32, #tpu.memory_space<hbm>>
        %dma_wait3A_446 = tpu.memref_squeeze %dma_wait3A_445 : memref<1x8x1024xf32, #tpu.memory_space<hbm>> -> memref<8x1024xf32, #tpu.memory_space<hbm>>
        %dma_wait3A_447 = arith.constant 0 : i32
        %dma_wait3A_448 = tpu.memref_slice %arg4[%dma_wait3A_443, %add3A_442, %dma_wait3A_447] : memref<4x8192x1024xf32, #tpu.memory_space<hbm>> -> memref<1x8x1024xf32, #tpu.memory_space<hbm>>
        %dma_wait3A_449 = tpu.memref_squeeze %dma_wait3A_448 : memref<1x8x1024xf32, #tpu.memory_space<hbm>> -> memref<8x1024xf32, #tpu.memory_space<hbm>>
        tpu.wait_dma2 semaphore(%arg25 : memref<!tpu.dma_semaphore, #tpu.memory_space<semaphore_mem>>) src(%arg7 : memref<8x1024xf32, #tpu.memory_space<vmem>>) dst(%dma_wait3A_449 : memref<8x1024xf32, #tpu.memory_space<hbm>>)
        %add3A_450 = arith.constant 2 : i32
        %add3A_451 = arith.addi %mul3A_141, %add3A_450 : i32
        %mul3A_452 = arith.constant 8 : i32
        %mul3A_453 = arith.muli %add3A_451, %mul3A_452 : i32
        %add3A_454 = arith.addi %mul3A_2, %mul3A_453 : i32
        %dma_start3A_455 = arith.constant 0 : i32
        %dma_start3A_456 = arith.constant 0 : i32
        %dma_start3A_457 = tpu.memref_slice %arg2[%dma_start3A_455, %add3A_454, %dma_start3A_456] : memref<4x8192x1024xf32, #tpu.memory_space<hbm>> -> memref<1x8x1024xf32, #tpu.memory_space<hbm>>
        %dma_start3A_458 = tpu.memref_squeeze %dma_start3A_457 : memref<1x8x1024xf32, #tpu.memory_space<hbm>> -> memref<8x1024xf32, #tpu.memory_space<hbm>>
        %dma_start3A_459 = arith.constant 0 : i32
        %dma_start3A_460 = tpu.memref_slice %arg2[%dma_start3A_455, %add3A_454, %dma_start3A_459] : memref<4x8192x1024xf32, #tpu.memory_space<hbm>> -> memref<1x8x1024xf32, #tpu.memory_space<hbm>>
        %dma_start3A_461 = tpu.memref_squeeze %dma_start3A_460 : memref<1x8x1024xf32, #tpu.memory_space<hbm>> -> memref<8x1024xf32, #tpu.memory_space<hbm>>
        tpu.enqueue_dma source(%dma_start3A_461 : memref<8x1024xf32, #tpu.memory_space<hbm>>) target(%arg7 : memref<8x1024xf32, #tpu.memory_space<vmem>>) target_semaphore(%arg17 : memref<!tpu.dma_semaphore, #tpu.memory_space<semaphore_mem>>)
      } else {
      }
      %mul3A_342 = arith.constant 8 : i32
      %mul3A_343 = arith.muli %add3A_143, %mul3A_342 : i32
      %add3A_344 = arith.addi %mul3A_2, %mul3A_343 : i32
      %dma_wait3A_345 = arith.constant 1 : i32
      %dma_wait3A_346 = arith.constant 0 : i32
      %dma_wait3A_347 = tpu.memref_slice %arg2[%dma_wait3A_345, %add3A_344, %dma_wait3A_346] : memref<4x8192x1024xf32, #tpu.memory_space<hbm>> -> memref<1x8x1024xf32, #tpu.memory_space<hbm>>
      %dma_wait3A_348 = tpu.memref_squeeze %dma_wait3A_347 : memref<1x8x1024xf32, #tpu.memory_space<hbm>> -> memref<8x1024xf32, #tpu.memory_space<hbm>>
      %dma_wait3A_349 = arith.constant 0 : i32
      %dma_wait3A_350 = tpu.memref_slice %arg2[%dma_wait3A_345, %add3A_344, %dma_wait3A_349] : memref<4x8192x1024xf32, #tpu.memory_space<hbm>> -> memref<1x8x1024xf32, #tpu.memory_space<hbm>>
      %dma_wait3A_351 = tpu.memref_squeeze %dma_wait3A_350 : memref<1x8x1024xf32, #tpu.memory_space<hbm>> -> memref<8x1024xf32, #tpu.memory_space<hbm>>
      tpu.wait_dma2 semaphore(%arg22 : memref<!tpu.dma_semaphore, #tpu.memory_space<semaphore_mem>>) src(%dma_wait3A_351 : memref<8x1024xf32, #tpu.memory_space<hbm>>) dst(%arg12 : memref<8x1024xf32, #tpu.memory_space<vmem>>)
      %parallel_loop3A_352 = arith.constant 0 : i32
      %parallel_loop3A_353 = arith.constant 128 : i32
      %parallel_loop3A_354 = arith.constant 1 : i32
      scf.for %parallel_loop3A_440 = %parallel_loop3A_352 to %parallel_loop3A_353 step %parallel_loop3A_354  : i32 {
        %parallel_loop3A_441 = arith.constant 16 : i32
        %parallel_loop3A_442 = arith.divsi %parallel_loop3A_440, %parallel_loop3A_441 : i32
        %parallel_loop3A_443 = arith.constant 0 : i32
        %parallel_loop3A_444 = arith.cmpi sgt, %parallel_loop3A_440, %parallel_loop3A_443 : i32
        %parallel_loop3A_445 = arith.extui %parallel_loop3A_444 : i1 to i32
        %parallel_loop3A_446 = arith.constant 0 : i32
        %parallel_loop3A_447 = arith.cmpi slt, %parallel_loop3A_440, %parallel_loop3A_446 : i32
        %parallel_loop3A_448 = arith.extui %parallel_loop3A_447 : i1 to i32
        %parallel_loop3A_449 = arith.subi %parallel_loop3A_445, %parallel_loop3A_448 : i32
        %parallel_loop3A_450 = arith.constant 0 : i32
        %parallel_loop3A_451 = arith.cmpi sgt, %parallel_loop3A_441, %parallel_loop3A_450 : i32
        %parallel_loop3A_452 = arith.extui %parallel_loop3A_451 : i1 to i32
        %parallel_loop3A_453 = arith.constant 0 : i32
        %parallel_loop3A_454 = arith.cmpi slt, %parallel_loop3A_441, %parallel_loop3A_453 : i32
        %parallel_loop3A_455 = arith.extui %parallel_loop3A_454 : i1 to i32
        %parallel_loop3A_456 = arith.subi %parallel_loop3A_452, %parallel_loop3A_455 : i32
        %parallel_loop3A_457 = arith.cmpi ne, %parallel_loop3A_449, %parallel_loop3A_456 : i32
        %parallel_loop3A_458 = arith.remsi %parallel_loop3A_440, %parallel_loop3A_441 : i32
        %parallel_loop3A_459 = arith.constant 0 : i32
        %parallel_loop3A_460 = arith.cmpi ne, %parallel_loop3A_458, %parallel_loop3A_459 : i32
        %parallel_loop3A_461 = arith.andi %parallel_loop3A_457, %parallel_loop3A_460 : i1
        %parallel_loop3A_462 = arith.constant 1 : i32
        %parallel_loop3A_463 = arith.subi %parallel_loop3A_442, %parallel_loop3A_462 : i32
        %parallel_loop3A_464 = arith.select %parallel_loop3A_461, %parallel_loop3A_463, %parallel_loop3A_442 : i32
        %parallel_loop3A_465 = arith.constant 16 : i32
        %parallel_loop3A_466 = arith.constant 0 : i32
        %parallel_loop3A_467 = arith.cmpi eq, %parallel_loop3A_465, %parallel_loop3A_466 : i32
        %parallel_loop3A_468 = arith.constant 1 : i32
        %parallel_loop3A_469 = arith.select %parallel_loop3A_467, %parallel_loop3A_468, %parallel_loop3A_465 : i32
        %parallel_loop3A_470 = arith.remsi %parallel_loop3A_440, %parallel_loop3A_469 : i32
        %parallel_loop3A_471 = arith.constant 0 : i32
        %parallel_loop3A_472 = arith.cmpi ne, %parallel_loop3A_470, %parallel_loop3A_471 : i32
        %parallel_loop3A_473 = arith.constant 0 : i32
        %parallel_loop3A_474 = arith.cmpi slt, %parallel_loop3A_470, %parallel_loop3A_473 : i32
        %parallel_loop3A_475 = arith.constant 0 : i32
        %parallel_loop3A_476 = arith.cmpi slt, %parallel_loop3A_469, %parallel_loop3A_475 : i32
        %parallel_loop3A_477 = arith.xori %parallel_loop3A_474, %parallel_loop3A_476 : i1
        %parallel_loop3A_478 = arith.andi %parallel_loop3A_477, %parallel_loop3A_472 : i1
        %parallel_loop3A_479 = arith.addi %parallel_loop3A_470, %parallel_loop3A_469 : i32
        %parallel_loop3A_480 = arith.select %parallel_loop3A_478, %parallel_loop3A_479, %parallel_loop3A_470 : i32
        %parallel_loop3A_481 = arith.constant 64 : i32
        %parallel_loop3A_482 = arith.muli %parallel_loop3A_480, %parallel_loop3A_481 : i32
        %parallel_loop3A_483 = arith.constant 0 : i32
        %parallel_loop3A_484 = arith.addi %parallel_loop3A_482, %parallel_loop3A_483 : i32
        %parallel_loop3A_485 = arith.index_cast %parallel_loop3A_464 : i32 to index
        %parallel_loop3A_486 = arith.index_cast %parallel_loop3A_484 : i32 to index
        %parallel_loop3A_487 = tpu.vector_load %arg6[%parallel_loop3A_485, %parallel_loop3A_486] {strides = array<i32>} : memref<8x1024xf32, #tpu.memory_space<vmem>>, vector<1x16xf32>,
        %parallel_loop3A_488 = vector.shape_cast %parallel_loop3A_487 : vector<1x16xf32> to vector<16xf32>
        %parallel_loop3A_489 = arith.index_cast %parallel_loop3A_464 : i32 to index
        %parallel_loop3A_490 = arith.index_cast %parallel_loop3A_484 : i32 to index
        %parallel_loop3A_491 = tpu.vector_load %arg12[%parallel_loop3A_489, %parallel_loop3A_490] {strides = array<i32>} : memref<8x1024xf32, #tpu.memory_space<vmem>>, vector<1x16xf32>,
        %parallel_loop3A_492 = vector.shape_cast %parallel_loop3A_491 : vector<1x16xf32> to vector<16xf32>
        %parallel_loop3A_493 = vector.shape_cast %parallel_loop3A_488 : vector<16xf32> to vector<1x16xf32>
        tpu.vector_store %arg12[%parallel_loop3A_489, %parallel_loop3A_490], %parallel_loop3A_493 {add = true, strides = array<i32>} : memref<8x1024xf32, #tpu.memory_space<vmem>>, vector<1x16xf32>,
        %parallel_loop3A_494 = arith.constant 16 : i32
        %parallel_loop3A_495 = arith.addi %parallel_loop3A_482, %parallel_loop3A_494 : i32
        %parallel_loop3A_496 = arith.index_cast %parallel_loop3A_464 : i32 to index
        %parallel_loop3A_497 = arith.index_cast %parallel_loop3A_495 : i32 to index
        %parallel_loop3A_498 = tpu.vector_load %arg6[%parallel_loop3A_496, %parallel_loop3A_497] {strides = array<i32>} : memref<8x1024xf32, #tpu.memory_space<vmem>>, vector<1x16xf32>,
        %parallel_loop3A_499 = vector.shape_cast %parallel_loop3A_498 : vector<1x16xf32> to vector<16xf32>
        %parallel_loop3A_500 = arith.index_cast %parallel_loop3A_464 : i32 to index
        %parallel_loop3A_501 = arith.index_cast %parallel_loop3A_495 : i32 to index
        %parallel_loop3A_502 = tpu.vector_load %arg12[%parallel_loop3A_500, %parallel_loop3A_501] {strides = array<i32>} : memref<8x1024xf32, #tpu.memory_space<vmem>>, vector<1x16xf32>,
        %parallel_loop3A_503 = vector.shape_cast %parallel_loop3A_502 : vector<1x16xf32> to vector<16xf32>
        %parallel_loop3A_504 = vector.shape_cast %parallel_loop3A_499 : vector<16xf32> to vector<1x16xf32>
        tpu.vector_store %arg12[%parallel_loop3A_500, %parallel_loop3A_501], %parallel_loop3A_504 {add = true, strides = array<i32>} : memref<8x1024xf32, #tpu.memory_space<vmem>>, vector<1x16xf32>,
        %parallel_loop3A_505 = arith.constant 32 : i32
        %parallel_loop3A_506 = arith.addi %parallel_loop3A_482, %parallel_loop3A_505 : i32
        %parallel_loop3A_507 = arith.index_cast %parallel_loop3A_464 : i32 to index
        %parallel_loop3A_508 = arith.index_cast %parallel_loop3A_506 : i32 to index
        %parallel_loop3A_509 = tpu.vector_load %arg6[%parallel_loop3A_507, %parallel_loop3A_508] {strides = array<i32>} : memref<8x1024xf32, #tpu.memory_space<vmem>>, vector<1x16xf32>,
        %parallel_loop3A_510 = vector.shape_cast %parallel_loop3A_509 : vector<1x16xf32> to vector<16xf32>
        %parallel_loop3A_511 = arith.index_cast %parallel_loop3A_464 : i32 to index
        %parallel_loop3A_512 = arith.index_cast %parallel_loop3A_506 : i32 to index
        %parallel_loop3A_513 = tpu.vector_load %arg12[%parallel_loop3A_511, %parallel_loop3A_512] {strides = array<i32>} : memref<8x1024xf32, #tpu.memory_space<vmem>>, vector<1x16xf32>,
        %parallel_loop3A_514 = vector.shape_cast %parallel_loop3A_513 : vector<1x16xf32> to vector<16xf32>
        %parallel_loop3A_515 = vector.shape_cast %parallel_loop3A_510 : vector<16xf32> to vector<1x16xf32>
        tpu.vector_store %arg12[%parallel_loop3A_511, %parallel_loop3A_512], %parallel_loop3A_515 {add = true, strides = array<i32>} : memref<8x1024xf32, #tpu.memory_space<vmem>>, vector<1x16xf32>,
        %parallel_loop3A_516 = arith.constant 48 : i32
        %parallel_loop3A_517 = arith.addi %parallel_loop3A_482, %parallel_loop3A_516 : i32
        %parallel_loop3A_518 = arith.index_cast %parallel_loop3A_464 : i32 to index
        %parallel_loop3A_519 = arith.index_cast %parallel_loop3A_517 : i32 to index
        %parallel_loop3A_520 = tpu.vector_load %arg6[%parallel_loop3A_518, %parallel_loop3A_519] {strides = array<i32>} : memref<8x1024xf32, #tpu.memory_space<vmem>>, vector<1x16xf32>,
        %parallel_loop3A_521 = vector.shape_cast %parallel_loop3A_520 : vector<1x16xf32> to vector<16xf32>
        %parallel_loop3A_522 = arith.index_cast %parallel_loop3A_464 : i32 to index
        %parallel_loop3A_523 = arith.index_cast %parallel_loop3A_517 : i32 to index
        %parallel_loop3A_524 = tpu.vector_load %arg12[%parallel_loop3A_522, %parallel_loop3A_523] {strides = array<i32>} : memref<8x1024xf32, #tpu.memory_space<vmem>>, vector<1x16xf32>,
        %parallel_loop3A_525 = vector.shape_cast %parallel_loop3A_524 : vector<1x16xf32> to vector<16xf32>
        %parallel_loop3A_526 = vector.shape_cast %parallel_loop3A_521 : vector<16xf32> to vector<1x16xf32>
        tpu.vector_store %arg12[%parallel_loop3A_522, %parallel_loop3A_523], %parallel_loop3A_526 {add = true, strides = array<i32>} : memref<8x1024xf32, #tpu.memory_space<vmem>>, vector<1x16xf32>,
      } {sc.loop_unroll_factor = 1 : i64, sc.parallel_access}
      %mul3A_355 = arith.constant 8 : i32
      %mul3A_356 = arith.muli %add3A_143, %mul3A_355 : i32
      %add3A_357 = arith.addi %mul3A_2, %mul3A_356 : i32
      %dma_start3A_358 = arith.constant 1 : i32
      %dma_start3A_359 = arith.constant 0 : i32
      %dma_start3A_360 = tpu.memref_slice %arg4[%dma_start3A_358, %add3A_357, %dma_start3A_359] : memref<4x8192x1024xf32, #tpu.memory_space<hbm>> -> memref<1x8x1024xf32, #tpu.memory_space<hbm>>
      %dma_start3A_361 = tpu.memref_squeeze %dma_start3A_360 : memref<1x8x1024xf32, #tpu.memory_space<hbm>> -> memref<8x1024xf32, #tpu.memory_space<hbm>>
      %dma_start3A_362 = arith.constant 0 : i32
      %dma_start3A_363 = tpu.memref_slice %arg4[%dma_start3A_358, %add3A_357, %dma_start3A_362] : memref<4x8192x1024xf32, #tpu.memory_space<hbm>> -> memref<1x8x1024xf32, #tpu.memory_space<hbm>>
      %dma_start3A_364 = tpu.memref_squeeze %dma_start3A_363 : memref<1x8x1024xf32, #tpu.memory_space<hbm>> -> memref<8x1024xf32, #tpu.memory_space<hbm>>
      tpu.enqueue_dma source(%arg12 : memref<8x1024xf32, #tpu.memory_space<vmem>>) target(%dma_start3A_364 : memref<8x1024xf32, #tpu.memory_space<hbm>>) target_semaphore(%arg30 : memref<!tpu.dma_semaphore, #tpu.memory_space<semaphore_mem>>)
      %add3A_365 = arith.constant 2 : i32
      %add3A_366 = arith.addi %mul3A_141, %add3A_365 : i32
      %lt3A_367 = arith.constant 32 : i32
      %lt3A_368 = arith.cmpi slt, %add3A_366, %lt3A_367 : i32
      %convert_element_type3A_369 = arith.extui %lt3A_368 : i1 to i32
      %cond3A_370 = arith.constant 0 : i32
      %cond3A_371 = arith.cmpi ne, %convert_element_type3A_369, %cond3A_370 : i32
      scf.if %cond3A_371 {
        %mul3A_440 = arith.constant 8 : i32
        %mul3A_441 = arith.muli %mul3A_141, %mul3A_440 : i32
        %add3A_442 = arith.addi %mul3A_2, %mul3A_441 : i32
        %dma_wait3A_443 = arith.constant 1 : i32
        %dma_wait3A_444 = arith.constant 0 : i32
        %dma_wait3A_445 = tpu.memref_slice %arg4[%dma_wait3A_443, %add3A_442, %dma_wait3A_444] : memref<4x8192x1024xf32, #tpu.memory_space<hbm>> -> memref<1x8x1024xf32, #tpu.memory_space<hbm>>
        %dma_wait3A_446 = tpu.memref_squeeze %dma_wait3A_445 : memref<1x8x1024xf32, #tpu.memory_space<hbm>> -> memref<8x1024xf32, #tpu.memory_space<hbm>>
        %dma_wait3A_447 = arith.constant 0 : i32
        %dma_wait3A_448 = tpu.memref_slice %arg4[%dma_wait3A_443, %add3A_442, %dma_wait3A_447] : memref<4x8192x1024xf32, #tpu.memory_space<hbm>> -> memref<1x8x1024xf32, #tpu.memory_space<hbm>>
        %dma_wait3A_449 = tpu.memref_squeeze %dma_wait3A_448 : memref<1x8x1024xf32, #tpu.memory_space<hbm>> -> memref<8x1024xf32, #tpu.memory_space<hbm>>
        tpu.wait_dma2 semaphore(%arg26 : memref<!tpu.dma_semaphore, #tpu.memory_space<semaphore_mem>>) src(%arg8 : memref<8x1024xf32, #tpu.memory_space<vmem>>) dst(%dma_wait3A_449 : memref<8x1024xf32, #tpu.memory_space<hbm>>)
        %add3A_450 = arith.constant 2 : i32
        %add3A_451 = arith.addi %mul3A_141, %add3A_450 : i32
        %mul3A_452 = arith.constant 8 : i32
        %mul3A_453 = arith.muli %add3A_451, %mul3A_452 : i32
        %add3A_454 = arith.addi %mul3A_2, %mul3A_453 : i32
        %dma_start3A_455 = arith.constant 1 : i32
        %dma_start3A_456 = arith.constant 0 : i32
        %dma_start3A_457 = tpu.memref_slice %arg2[%dma_start3A_455, %add3A_454, %dma_start3A_456] : memref<4x8192x1024xf32, #tpu.memory_space<hbm>> -> memref<1x8x1024xf32, #tpu.memory_space<hbm>>
        %dma_start3A_458 = tpu.memref_squeeze %dma_start3A_457 : memref<1x8x1024xf32, #tpu.memory_space<hbm>> -> memref<8x1024xf32, #tpu.memory_space<hbm>>
        %dma_start3A_459 = arith.constant 0 : i32
        %dma_start3A_460 = tpu.memref_slice %arg2[%dma_start3A_455, %add3A_454, %dma_start3A_459] : memref<4x8192x1024xf32, #tpu.memory_space<hbm>> -> memref<1x8x1024xf32, #tpu.memory_space<hbm>>
        %dma_start3A_461 = tpu.memref_squeeze %dma_start3A_460 : memref<1x8x1024xf32, #tpu.memory_space<hbm>> -> memref<8x1024xf32, #tpu.memory_space<hbm>>
        tpu.enqueue_dma source(%dma_start3A_461 : memref<8x1024xf32, #tpu.memory_space<hbm>>) target(%arg8 : memref<8x1024xf32, #tpu.memory_space<vmem>>) target_semaphore(%arg18 : memref<!tpu.dma_semaphore, #tpu.memory_space<semaphore_mem>>)
      } else {
      }
      %mul3A_372 = arith.constant 8 : i32
      %mul3A_373 = arith.muli %add3A_143, %mul3A_372 : i32
      %add3A_374 = arith.addi %mul3A_2, %mul3A_373 : i32
      %dma_wait3A_375 = arith.constant 2 : i32
      %dma_wait3A_376 = arith.constant 0 : i32
      %dma_wait3A_377 = tpu.memref_slice %arg2[%dma_wait3A_375, %add3A_374, %dma_wait3A_376] : memref<4x8192x1024xf32, #tpu.memory_space<hbm>> -> memref<1x8x1024xf32, #tpu.memory_space<hbm>>
      %dma_wait3A_378 = tpu.memref_squeeze %dma_wait3A_377 : memref<1x8x1024xf32, #tpu.memory_space<hbm>> -> memref<8x1024xf32, #tpu.memory_space<hbm>>
      %dma_wait3A_379 = arith.constant 0 : i32
      %dma_wait3A_380 = tpu.memref_slice %arg2[%dma_wait3A_375, %add3A_374, %dma_wait3A_379] : memref<4x8192x1024xf32, #tpu.memory_space<hbm>> -> memref<1x8x1024xf32, #tpu.memory_space<hbm>>
      %dma_wait3A_381 = tpu.memref_squeeze %dma_wait3A_380 : memref<1x8x1024xf32, #tpu.memory_space<hbm>> -> memref<8x1024xf32, #tpu.memory_space<hbm>>
      tpu.wait_dma2 semaphore(%arg23 : memref<!tpu.dma_semaphore, #tpu.memory_space<semaphore_mem>>) src(%dma_wait3A_381 : memref<8x1024xf32, #tpu.memory_space<hbm>>) dst(%arg13 : memref<8x1024xf32, #tpu.memory_space<vmem>>)
      %parallel_loop3A_382 = arith.constant 0 : i32
      %parallel_loop3A_383 = arith.constant 128 : i32
      %parallel_loop3A_384 = arith.constant 1 : i32
      scf.for %parallel_loop3A_440 = %parallel_loop3A_382 to %parallel_loop3A_383 step %parallel_loop3A_384  : i32 {
        %parallel_loop3A_441 = arith.constant 16 : i32
        %parallel_loop3A_442 = arith.divsi %parallel_loop3A_440, %parallel_loop3A_441 : i32
        %parallel_loop3A_443 = arith.constant 0 : i32
        %parallel_loop3A_444 = arith.cmpi sgt, %parallel_loop3A_440, %parallel_loop3A_443 : i32
        %parallel_loop3A_445 = arith.extui %parallel_loop3A_444 : i1 to i32
        %parallel_loop3A_446 = arith.constant 0 : i32
        %parallel_loop3A_447 = arith.cmpi slt, %parallel_loop3A_440, %parallel_loop3A_446 : i32
        %parallel_loop3A_448 = arith.extui %parallel_loop3A_447 : i1 to i32
        %parallel_loop3A_449 = arith.subi %parallel_loop3A_445, %parallel_loop3A_448 : i32
        %parallel_loop3A_450 = arith.constant 0 : i32
        %parallel_loop3A_451 = arith.cmpi sgt, %parallel_loop3A_441, %parallel_loop3A_450 : i32
        %parallel_loop3A_452 = arith.extui %parallel_loop3A_451 : i1 to i32
        %parallel_loop3A_453 = arith.constant 0 : i32
        %parallel_loop3A_454 = arith.cmpi slt, %parallel_loop3A_441, %parallel_loop3A_453 : i32
        %parallel_loop3A_455 = arith.extui %parallel_loop3A_454 : i1 to i32
        %parallel_loop3A_456 = arith.subi %parallel_loop3A_452, %parallel_loop3A_455 : i32
        %parallel_loop3A_457 = arith.cmpi ne, %parallel_loop3A_449, %parallel_loop3A_456 : i32
        %parallel_loop3A_458 = arith.remsi %parallel_loop3A_440, %parallel_loop3A_441 : i32
        %parallel_loop3A_459 = arith.constant 0 : i32
        %parallel_loop3A_460 = arith.cmpi ne, %parallel_loop3A_458, %parallel_loop3A_459 : i32
        %parallel_loop3A_461 = arith.andi %parallel_loop3A_457, %parallel_loop3A_460 : i1
        %parallel_loop3A_462 = arith.constant 1 : i32
        %parallel_loop3A_463 = arith.subi %parallel_loop3A_442, %parallel_loop3A_462 : i32
        %parallel_loop3A_464 = arith.select %parallel_loop3A_461, %parallel_loop3A_463, %parallel_loop3A_442 : i32
        %parallel_loop3A_465 = arith.constant 16 : i32
        %parallel_loop3A_466 = arith.constant 0 : i32
        %parallel_loop3A_467 = arith.cmpi eq, %parallel_loop3A_465, %parallel_loop3A_466 : i32
        %parallel_loop3A_468 = arith.constant 1 : i32
        %parallel_loop3A_469 = arith.select %parallel_loop3A_467, %parallel_loop3A_468, %parallel_loop3A_465 : i32
        %parallel_loop3A_470 = arith.remsi %parallel_loop3A_440, %parallel_loop3A_469 : i32
        %parallel_loop3A_471 = arith.constant 0 : i32
        %parallel_loop3A_472 = arith.cmpi ne, %parallel_loop3A_470, %parallel_loop3A_471 : i32
        %parallel_loop3A_473 = arith.constant 0 : i32
        %parallel_loop3A_474 = arith.cmpi slt, %parallel_loop3A_470, %parallel_loop3A_473 : i32
        %parallel_loop3A_475 = arith.constant 0 : i32
        %parallel_loop3A_476 = arith.cmpi slt, %parallel_loop3A_469, %parallel_loop3A_475 : i32
        %parallel_loop3A_477 = arith.xori %parallel_loop3A_474, %parallel_loop3A_476 : i1
        %parallel_loop3A_478 = arith.andi %parallel_loop3A_477, %parallel_loop3A_472 : i1
        %parallel_loop3A_479 = arith.addi %parallel_loop3A_470, %parallel_loop3A_469 : i32
        %parallel_loop3A_480 = arith.select %parallel_loop3A_478, %parallel_loop3A_479, %parallel_loop3A_470 : i32
        %parallel_loop3A_481 = arith.constant 64 : i32
        %parallel_loop3A_482 = arith.muli %parallel_loop3A_480, %parallel_loop3A_481 : i32
        %parallel_loop3A_483 = arith.constant 0 : i32
        %parallel_loop3A_484 = arith.addi %parallel_loop3A_482, %parallel_loop3A_483 : i32
        %parallel_loop3A_485 = arith.index_cast %parallel_loop3A_464 : i32 to index
        %parallel_loop3A_486 = arith.index_cast %parallel_loop3A_484 : i32 to index
        %parallel_loop3A_487 = tpu.vector_load %arg6[%parallel_loop3A_485, %parallel_loop3A_486] {strides = array<i32>} : memref<8x1024xf32, #tpu.memory_space<vmem>>, vector<1x16xf32>,
        %parallel_loop3A_488 = vector.shape_cast %parallel_loop3A_487 : vector<1x16xf32> to vector<16xf32>
        %parallel_loop3A_489 = arith.index_cast %parallel_loop3A_464 : i32 to index
        %parallel_loop3A_490 = arith.index_cast %parallel_loop3A_484 : i32 to index
        %parallel_loop3A_491 = tpu.vector_load %arg13[%parallel_loop3A_489, %parallel_loop3A_490] {strides = array<i32>} : memref<8x1024xf32, #tpu.memory_space<vmem>>, vector<1x16xf32>,
        %parallel_loop3A_492 = vector.shape_cast %parallel_loop3A_491 : vector<1x16xf32> to vector<16xf32>
        %parallel_loop3A_493 = vector.shape_cast %parallel_loop3A_488 : vector<16xf32> to vector<1x16xf32>
        tpu.vector_store %arg13[%parallel_loop3A_489, %parallel_loop3A_490], %parallel_loop3A_493 {add = true, strides = array<i32>} : memref<8x1024xf32, #tpu.memory_space<vmem>>, vector<1x16xf32>,
        %parallel_loop3A_494 = arith.constant 16 : i32
        %parallel_loop3A_495 = arith.addi %parallel_loop3A_482, %parallel_loop3A_494 : i32
        %parallel_loop3A_496 = arith.index_cast %parallel_loop3A_464 : i32 to index
        %parallel_loop3A_497 = arith.index_cast %parallel_loop3A_495 : i32 to index
        %parallel_loop3A_498 = tpu.vector_load %arg6[%parallel_loop3A_496, %parallel_loop3A_497] {strides = array<i32>} : memref<8x1024xf32, #tpu.memory_space<vmem>>, vector<1x16xf32>,
        %parallel_loop3A_499 = vector.shape_cast %parallel_loop3A_498 : vector<1x16xf32> to vector<16xf32>
        %parallel_loop3A_500 = arith.index_cast %parallel_loop3A_464 : i32 to index
        %parallel_loop3A_501 = arith.index_cast %parallel_loop3A_495 : i32 to index
        %parallel_loop3A_502 = tpu.vector_load %arg13[%parallel_loop3A_500, %parallel_loop3A_501] {strides = array<i32>} : memref<8x1024xf32, #tpu.memory_space<vmem>>, vector<1x16xf32>,
        %parallel_loop3A_503 = vector.shape_cast %parallel_loop3A_502 : vector<1x16xf32> to vector<16xf32>
        %parallel_loop3A_504 = vector.shape_cast %parallel_loop3A_499 : vector<16xf32> to vector<1x16xf32>
        tpu.vector_store %arg13[%parallel_loop3A_500, %parallel_loop3A_501], %parallel_loop3A_504 {add = true, strides = array<i32>} : memref<8x1024xf32, #tpu.memory_space<vmem>>, vector<1x16xf32>,
        %parallel_loop3A_505 = arith.constant 32 : i32
        %parallel_loop3A_506 = arith.addi %parallel_loop3A_482, %parallel_loop3A_505 : i32
        %parallel_loop3A_507 = arith.index_cast %parallel_loop3A_464 : i32 to index
        %parallel_loop3A_508 = arith.index_cast %parallel_loop3A_506 : i32 to index
        %parallel_loop3A_509 = tpu.vector_load %arg6[%parallel_loop3A_507, %parallel_loop3A_508] {strides = array<i32>} : memref<8x1024xf32, #tpu.memory_space<vmem>>, vector<1x16xf32>,
        %parallel_loop3A_510 = vector.shape_cast %parallel_loop3A_509 : vector<1x16xf32> to vector<16xf32>
        %parallel_loop3A_511 = arith.index_cast %parallel_loop3A_464 : i32 to index
        %parallel_loop3A_512 = arith.index_cast %parallel_loop3A_506 : i32 to index
        %parallel_loop3A_513 = tpu.vector_load %arg13[%parallel_loop3A_511, %parallel_loop3A_512] {strides = array<i32>} : memref<8x1024xf32, #tpu.memory_space<vmem>>, vector<1x16xf32>,
        %parallel_loop3A_514 = vector.shape_cast %parallel_loop3A_513 : vector<1x16xf32> to vector<16xf32>
        %parallel_loop3A_515 = vector.shape_cast %parallel_loop3A_510 : vector<16xf32> to vector<1x16xf32>
        tpu.vector_store %arg13[%parallel_loop3A_511, %parallel_loop3A_512], %parallel_loop3A_515 {add = true, strides = array<i32>} : memref<8x1024xf32, #tpu.memory_space<vmem>>, vector<1x16xf32>,
        %parallel_loop3A_516 = arith.constant 48 : i32
        %parallel_loop3A_517 = arith.addi %parallel_loop3A_482, %parallel_loop3A_516 : i32
        %parallel_loop3A_518 = arith.index_cast %parallel_loop3A_464 : i32 to index
        %parallel_loop3A_519 = arith.index_cast %parallel_loop3A_517 : i32 to index
        %parallel_loop3A_520 = tpu.vector_load %arg6[%parallel_loop3A_518, %parallel_loop3A_519] {strides = array<i32>} : memref<8x1024xf32, #tpu.memory_space<vmem>>, vector<1x16xf32>,
        %parallel_loop3A_521 = vector.shape_cast %parallel_loop3A_520 : vector<1x16xf32> to vector<16xf32>
        %parallel_loop3A_522 = arith.index_cast %parallel_loop3A_464 : i32 to index
        %parallel_loop3A_523 = arith.index_cast %parallel_loop3A_517 : i32 to index
        %parallel_loop3A_524 = tpu.vector_load %arg13[%parallel_loop3A_522, %parallel_loop3A_523] {strides = array<i32>} : memref<8x1024xf32, #tpu.memory_space<vmem>>, vector<1x16xf32>,
        %parallel_loop3A_525 = vector.shape_cast %parallel_loop3A_524 : vector<1x16xf32> to vector<16xf32>
        %parallel_loop3A_526 = vector.shape_cast %parallel_loop3A_521 : vector<16xf32> to vector<1x16xf32>
        tpu.vector_store %arg13[%parallel_loop3A_522, %parallel_loop3A_523], %parallel_loop3A_526 {add = true, strides = array<i32>} : memref<8x1024xf32, #tpu.memory_space<vmem>>, vector<1x16xf32>,
      } {sc.loop_unroll_factor = 1 : i64, sc.parallel_access}
      %mul3A_385 = arith.constant 8 : i32
      %mul3A_386 = arith.muli %add3A_143, %mul3A_385 : i32
      %add3A_387 = arith.addi %mul3A_2, %mul3A_386 : i32
      %dma_start3A_388 = arith.constant 2 : i32
      %dma_start3A_389 = arith.constant 0 : i32
      %dma_start3A_390 = tpu.memref_slice %arg4[%dma_start3A_388, %add3A_387, %dma_start3A_389] : memref<4x8192x1024xf32, #tpu.memory_space<hbm>> -> memref<1x8x1024xf32, #tpu.memory_space<hbm>>
      %dma_start3A_391 = tpu.memref_squeeze %dma_start3A_390 : memref<1x8x1024xf32, #tpu.memory_space<hbm>> -> memref<8x1024xf32, #tpu.memory_space<hbm>>
      %dma_start3A_392 = arith.constant 0 : i32
      %dma_start3A_393 = tpu.memref_slice %arg4[%dma_start3A_388, %add3A_387, %dma_start3A_392] : memref<4x8192x1024xf32, #tpu.memory_space<hbm>> -> memref<1x8x1024xf32, #tpu.memory_space<hbm>>
      %dma_start3A_394 = tpu.memref_squeeze %dma_start3A_393 : memref<1x8x1024xf32, #tpu.memory_space<hbm>> -> memref<8x1024xf32, #tpu.memory_space<hbm>>
      tpu.enqueue_dma source(%arg13 : memref<8x1024xf32, #tpu.memory_space<vmem>>) target(%dma_start3A_394 : memref<8x1024xf32, #tpu.memory_space<hbm>>) target_semaphore(%arg31 : memref<!tpu.dma_semaphore, #tpu.memory_space<semaphore_mem>>)
      %add3A_395 = arith.constant 2 : i32
      %add3A_396 = arith.addi %mul3A_141, %add3A_395 : i32
      %lt3A_397 = arith.constant 32 : i32
      %lt3A_398 = arith.cmpi slt, %add3A_396, %lt3A_397 : i32
      %convert_element_type3A_399 = arith.extui %lt3A_398 : i1 to i32
      %cond3A_400 = arith.constant 0 : i32
      %cond3A_401 = arith.cmpi ne, %convert_element_type3A_399, %cond3A_400 : i32
      scf.if %cond3A_401 {
        %mul3A_440 = arith.constant 8 : i32
        %mul3A_441 = arith.muli %mul3A_141, %mul3A_440 : i32
        %add3A_442 = arith.addi %mul3A_2, %mul3A_441 : i32
        %dma_wait3A_443 = arith.constant 2 : i32
        %dma_wait3A_444 = arith.constant 0 : i32
        %dma_wait3A_445 = tpu.memref_slice %arg4[%dma_wait3A_443, %add3A_442, %dma_wait3A_444] : memref<4x8192x1024xf32, #tpu.memory_space<hbm>> -> memref<1x8x1024xf32, #tpu.memory_space<hbm>>
        %dma_wait3A_446 = tpu.memref_squeeze %dma_wait3A_445 : memref<1x8x1024xf32, #tpu.memory_space<hbm>> -> memref<8x1024xf32, #tpu.memory_space<hbm>>
        %dma_wait3A_447 = arith.constant 0 : i32
        %dma_wait3A_448 = tpu.memref_slice %arg4[%dma_wait3A_443, %add3A_442, %dma_wait3A_447] : memref<4x8192x1024xf32, #tpu.memory_space<hbm>> -> memref<1x8x1024xf32, #tpu.memory_space<hbm>>
        %dma_wait3A_449 = tpu.memref_squeeze %dma_wait3A_448 : memref<1x8x1024xf32, #tpu.memory_space<hbm>> -> memref<8x1024xf32, #tpu.memory_space<hbm>>
        tpu.wait_dma2 semaphore(%arg27 : memref<!tpu.dma_semaphore, #tpu.memory_space<semaphore_mem>>) src(%arg9 : memref<8x1024xf32, #tpu.memory_space<vmem>>) dst(%dma_wait3A_449 : memref<8x1024xf32, #tpu.memory_space<hbm>>)
        %add3A_450 = arith.constant 2 : i32
        %add3A_451 = arith.addi %mul3A_141, %add3A_450 : i32
        %mul3A_452 = arith.constant 8 : i32
        %mul3A_453 = arith.muli %add3A_451, %mul3A_452 : i32
        %add3A_454 = arith.addi %mul3A_2, %mul3A_453 : i32
        %dma_start3A_455 = arith.constant 2 : i32
        %dma_start3A_456 = arith.constant 0 : i32
        %dma_start3A_457 = tpu.memref_slice %arg2[%dma_start3A_455, %add3A_454, %dma_start3A_456] : memref<4x8192x1024xf32, #tpu.memory_space<hbm>> -> memref<1x8x1024xf32, #tpu.memory_space<hbm>>
        %dma_start3A_458 = tpu.memref_squeeze %dma_start3A_457 : memref<1x8x1024xf32, #tpu.memory_space<hbm>> -> memref<8x1024xf32, #tpu.memory_space<hbm>>
        %dma_start3A_459 = arith.constant 0 : i32
        %dma_start3A_460 = tpu.memref_slice %arg2[%dma_start3A_455, %add3A_454, %dma_start3A_459] : memref<4x8192x1024xf32, #tpu.memory_space<hbm>> -> memref<1x8x1024xf32, #tpu.memory_space<hbm>>
        %dma_start3A_461 = tpu.memref_squeeze %dma_start3A_460 : memref<1x8x1024xf32, #tpu.memory_space<hbm>> -> memref<8x1024xf32, #tpu.memory_space<hbm>>
        tpu.enqueue_dma source(%dma_start3A_461 : memref<8x1024xf32, #tpu.memory_space<hbm>>) target(%arg9 : memref<8x1024xf32, #tpu.memory_space<vmem>>) target_semaphore(%arg19 : memref<!tpu.dma_semaphore, #tpu.memory_space<semaphore_mem>>)
      } else {
      }
      %mul3A_402 = arith.constant 8 : i32
      %mul3A_403 = arith.muli %add3A_143, %mul3A_402 : i32
      %add3A_404 = arith.addi %mul3A_2, %mul3A_403 : i32
      %dma_wait3A_405 = arith.constant 3 : i32
      %dma_wait3A_406 = arith.constant 0 : i32
      %dma_wait3A_407 = tpu.memref_slice %arg2[%dma_wait3A_405, %add3A_404, %dma_wait3A_406] : memref<4x8192x1024xf32, #tpu.memory_space<hbm>> -> memref<1x8x1024xf32, #tpu.memory_space<hbm>>
      %dma_wait3A_408 = tpu.memref_squeeze %dma_wait3A_407 : memref<1x8x1024xf32, #tpu.memory_space<hbm>> -> memref<8x1024xf32, #tpu.memory_space<hbm>>
      %dma_wait3A_409 = arith.constant 0 : i32
      %dma_wait3A_410 = tpu.memref_slice %arg2[%dma_wait3A_405, %add3A_404, %dma_wait3A_409] : memref<4x8192x1024xf32, #tpu.memory_space<hbm>> -> memref<1x8x1024xf32, #tpu.memory_space<hbm>>
      %dma_wait3A_411 = tpu.memref_squeeze %dma_wait3A_410 : memref<1x8x1024xf32, #tpu.memory_space<hbm>> -> memref<8x1024xf32, #tpu.memory_space<hbm>>
      tpu.wait_dma2 semaphore(%arg24 : memref<!tpu.dma_semaphore, #tpu.memory_space<semaphore_mem>>) src(%dma_wait3A_411 : memref<8x1024xf32, #tpu.memory_space<hbm>>) dst(%arg14 : memref<8x1024xf32, #tpu.memory_space<vmem>>)
      %parallel_loop3A_412 = arith.constant 0 : i32
      %parallel_loop3A_413 = arith.constant 128 : i32
      %parallel_loop3A_414 = arith.constant 1 : i32
      scf.for %parallel_loop3A_440 = %parallel_loop3A_412 to %parallel_loop3A_413 step %parallel_loop3A_414  : i32 {
        %parallel_loop3A_441 = arith.constant 16 : i32
        %parallel_loop3A_442 = arith.divsi %parallel_loop3A_440, %parallel_loop3A_441 : i32
        %parallel_loop3A_443 = arith.constant 0 : i32
        %parallel_loop3A_444 = arith.cmpi sgt, %parallel_loop3A_440, %parallel_loop3A_443 : i32
        %parallel_loop3A_445 = arith.extui %parallel_loop3A_444 : i1 to i32
        %parallel_loop3A_446 = arith.constant 0 : i32
        %parallel_loop3A_447 = arith.cmpi slt, %parallel_loop3A_440, %parallel_loop3A_446 : i32
        %parallel_loop3A_448 = arith.extui %parallel_loop3A_447 : i1 to i32
        %parallel_loop3A_449 = arith.subi %parallel_loop3A_445, %parallel_loop3A_448 : i32
        %parallel_loop3A_450 = arith.constant 0 : i32
        %parallel_loop3A_451 = arith.cmpi sgt, %parallel_loop3A_441, %parallel_loop3A_450 : i32
        %parallel_loop3A_452 = arith.extui %parallel_loop3A_451 : i1 to i32
        %parallel_loop3A_453 = arith.constant 0 : i32
        %parallel_loop3A_454 = arith.cmpi slt, %parallel_loop3A_441, %parallel_loop3A_453 : i32
        %parallel_loop3A_455 = arith.extui %parallel_loop3A_454 : i1 to i32
        %parallel_loop3A_456 = arith.subi %parallel_loop3A_452, %parallel_loop3A_455 : i32
        %parallel_loop3A_457 = arith.cmpi ne, %parallel_loop3A_449, %parallel_loop3A_456 : i32
        %parallel_loop3A_458 = arith.remsi %parallel_loop3A_440, %parallel_loop3A_441 : i32
        %parallel_loop3A_459 = arith.constant 0 : i32
        %parallel_loop3A_460 = arith.cmpi ne, %parallel_loop3A_458, %parallel_loop3A_459 : i32
        %parallel_loop3A_461 = arith.andi %parallel_loop3A_457, %parallel_loop3A_460 : i1
        %parallel_loop3A_462 = arith.constant 1 : i32
        %parallel_loop3A_463 = arith.subi %parallel_loop3A_442, %parallel_loop3A_462 : i32
        %parallel_loop3A_464 = arith.select %parallel_loop3A_461, %parallel_loop3A_463, %parallel_loop3A_442 : i32
        %parallel_loop3A_465 = arith.constant 16 : i32
        %parallel_loop3A_466 = arith.constant 0 : i32
        %parallel_loop3A_467 = arith.cmpi eq, %parallel_loop3A_465, %parallel_loop3A_466 : i32
        %parallel_loop3A_468 = arith.constant 1 : i32
        %parallel_loop3A_469 = arith.select %parallel_loop3A_467, %parallel_loop3A_468, %parallel_loop3A_465 : i32
        %parallel_loop3A_470 = arith.remsi %parallel_loop3A_440, %parallel_loop3A_469 : i32
        %parallel_loop3A_471 = arith.constant 0 : i32
        %parallel_loop3A_472 = arith.cmpi ne, %parallel_loop3A_470, %parallel_loop3A_471 : i32
        %parallel_loop3A_473 = arith.constant 0 : i32
        %parallel_loop3A_474 = arith.cmpi slt, %parallel_loop3A_470, %parallel_loop3A_473 : i32
        %parallel_loop3A_475 = arith.constant 0 : i32
        %parallel_loop3A_476 = arith.cmpi slt, %parallel_loop3A_469, %parallel_loop3A_475 : i32
        %parallel_loop3A_477 = arith.xori %parallel_loop3A_474, %parallel_loop3A_476 : i1
        %parallel_loop3A_478 = arith.andi %parallel_loop3A_477, %parallel_loop3A_472 : i1
        %parallel_loop3A_479 = arith.addi %parallel_loop3A_470, %parallel_loop3A_469 : i32
        %parallel_loop3A_480 = arith.select %parallel_loop3A_478, %parallel_loop3A_479, %parallel_loop3A_470 : i32
        %parallel_loop3A_481 = arith.constant 64 : i32
        %parallel_loop3A_482 = arith.muli %parallel_loop3A_480, %parallel_loop3A_481 : i32
        %parallel_loop3A_483 = arith.constant 0 : i32
        %parallel_loop3A_484 = arith.addi %parallel_loop3A_482, %parallel_loop3A_483 : i32
        %parallel_loop3A_485 = arith.index_cast %parallel_loop3A_464 : i32 to index
        %parallel_loop3A_486 = arith.index_cast %parallel_loop3A_484 : i32 to index
        %parallel_loop3A_487 = tpu.vector_load %arg6[%parallel_loop3A_485, %parallel_loop3A_486] {strides = array<i32>} : memref<8x1024xf32, #tpu.memory_space<vmem>>, vector<1x16xf32>,
        %parallel_loop3A_488 = vector.shape_cast %parallel_loop3A_487 : vector<1x16xf32> to vector<16xf32>
        %parallel_loop3A_489 = arith.index_cast %parallel_loop3A_464 : i32 to index
        %parallel_loop3A_490 = arith.index_cast %parallel_loop3A_484 : i32 to index
        %parallel_loop3A_491 = tpu.vector_load %arg14[%parallel_loop3A_489, %parallel_loop3A_490] {strides = array<i32>} : memref<8x1024xf32, #tpu.memory_space<vmem>>, vector<1x16xf32>,
        %parallel_loop3A_492 = vector.shape_cast %parallel_loop3A_491 : vector<1x16xf32> to vector<16xf32>
        %parallel_loop3A_493 = vector.shape_cast %parallel_loop3A_488 : vector<16xf32> to vector<1x16xf32>
        tpu.vector_store %arg14[%parallel_loop3A_489, %parallel_loop3A_490], %parallel_loop3A_493 {add = true, strides = array<i32>} : memref<8x1024xf32, #tpu.memory_space<vmem>>, vector<1x16xf32>,
        %parallel_loop3A_494 = arith.constant 16 : i32
        %parallel_loop3A_495 = arith.addi %parallel_loop3A_482, %parallel_loop3A_494 : i32
        %parallel_loop3A_496 = arith.index_cast %parallel_loop3A_464 : i32 to index
        %parallel_loop3A_497 = arith.index_cast %parallel_loop3A_495 : i32 to index
        %parallel_loop3A_498 = tpu.vector_load %arg6[%parallel_loop3A_496, %parallel_loop3A_497] {strides = array<i32>} : memref<8x1024xf32, #tpu.memory_space<vmem>>, vector<1x16xf32>,
        %parallel_loop3A_499 = vector.shape_cast %parallel_loop3A_498 : vector<1x16xf32> to vector<16xf32>
        %parallel_loop3A_500 = arith.index_cast %parallel_loop3A_464 : i32 to index
        %parallel_loop3A_501 = arith.index_cast %parallel_loop3A_495 : i32 to index
        %parallel_loop3A_502 = tpu.vector_load %arg14[%parallel_loop3A_500, %parallel_loop3A_501] {strides = array<i32>} : memref<8x1024xf32, #tpu.memory_space<vmem>>, vector<1x16xf32>,
        %parallel_loop3A_503 = vector.shape_cast %parallel_loop3A_502 : vector<1x16xf32> to vector<16xf32>
        %parallel_loop3A_504 = vector.shape_cast %parallel_loop3A_499 : vector<16xf32> to vector<1x16xf32>
        tpu.vector_store %arg14[%parallel_loop3A_500, %parallel_loop3A_501], %parallel_loop3A_504 {add = true, strides = array<i32>} : memref<8x1024xf32, #tpu.memory_space<vmem>>, vector<1x16xf32>,
        %parallel_loop3A_505 = arith.constant 32 : i32
        %parallel_loop3A_506 = arith.addi %parallel_loop3A_482, %parallel_loop3A_505 : i32
        %parallel_loop3A_507 = arith.index_cast %parallel_loop3A_464 : i32 to index
        %parallel_loop3A_508 = arith.index_cast %parallel_loop3A_506 : i32 to index
        %parallel_loop3A_509 = tpu.vector_load %arg6[%parallel_loop3A_507, %parallel_loop3A_508] {strides = array<i32>} : memref<8x1024xf32, #tpu.memory_space<vmem>>, vector<1x16xf32>,
        %parallel_loop3A_510 = vector.shape_cast %parallel_loop3A_509 : vector<1x16xf32> to vector<16xf32>
        %parallel_loop3A_511 = arith.index_cast %parallel_loop3A_464 : i32 to index
        %parallel_loop3A_512 = arith.index_cast %parallel_loop3A_506 : i32 to index
        %parallel_loop3A_513 = tpu.vector_load %arg14[%parallel_loop3A_511, %parallel_loop3A_512] {strides = array<i32>} : memref<8x1024xf32, #tpu.memory_space<vmem>>, vector<1x16xf32>,
        %parallel_loop3A_514 = vector.shape_cast %parallel_loop3A_513 : vector<1x16xf32> to vector<16xf32>
        %parallel_loop3A_515 = vector.shape_cast %parallel_loop3A_510 : vector<16xf32> to vector<1x16xf32>
        tpu.vector_store %arg14[%parallel_loop3A_511, %parallel_loop3A_512], %parallel_loop3A_515 {add = true, strides = array<i32>} : memref<8x1024xf32, #tpu.memory_space<vmem>>, vector<1x16xf32>,
        %parallel_loop3A_516 = arith.constant 48 : i32
        %parallel_loop3A_517 = arith.addi %parallel_loop3A_482, %parallel_loop3A_516 : i32
        %parallel_loop3A_518 = arith.index_cast %parallel_loop3A_464 : i32 to index
        %parallel_loop3A_519 = arith.index_cast %parallel_loop3A_517 : i32 to index
        %parallel_loop3A_520 = tpu.vector_load %arg6[%parallel_loop3A_518, %parallel_loop3A_519] {strides = array<i32>} : memref<8x1024xf32, #tpu.memory_space<vmem>>, vector<1x16xf32>,
        %parallel_loop3A_521 = vector.shape_cast %parallel_loop3A_520 : vector<1x16xf32> to vector<16xf32>
        %parallel_loop3A_522 = arith.index_cast %parallel_loop3A_464 : i32 to index
        %parallel_loop3A_523 = arith.index_cast %parallel_loop3A_517 : i32 to index
        %parallel_loop3A_524 = tpu.vector_load %arg14[%parallel_loop3A_522, %parallel_loop3A_523] {strides = array<i32>} : memref<8x1024xf32, #tpu.memory_space<vmem>>, vector<1x16xf32>,
        %parallel_loop3A_525 = vector.shape_cast %parallel_loop3A_524 : vector<1x16xf32> to vector<16xf32>
        %parallel_loop3A_526 = vector.shape_cast %parallel_loop3A_521 : vector<16xf32> to vector<1x16xf32>
        tpu.vector_store %arg14[%parallel_loop3A_522, %parallel_loop3A_523], %parallel_loop3A_526 {add = true, strides = array<i32>} : memref<8x1024xf32, #tpu.memory_space<vmem>>, vector<1x16xf32>,
      } {sc.loop_unroll_factor = 1 : i64, sc.parallel_access}
      %mul3A_415 = arith.constant 8 : i32
      %mul3A_416 = arith.muli %add3A_143, %mul3A_415 : i32
      %add3A_417 = arith.addi %mul3A_2, %mul3A_416 : i32
      %dma_start3A_418 = arith.constant 3 : i32
      %dma_start3A_419 = arith.constant 0 : i32
      %dma_start3A_420 = tpu.memref_slice %arg4[%dma_start3A_418, %add3A_417, %dma_start3A_419] : memref<4x8192x1024xf32, #tpu.memory_space<hbm>> -> memref<1x8x1024xf32, #tpu.memory_space<hbm>>
      %dma_start3A_421 = tpu.memref_squeeze %dma_start3A_420 : memref<1x8x1024xf32, #tpu.memory_space<hbm>> -> memref<8x1024xf32, #tpu.memory_space<hbm>>
      %dma_start3A_422 = arith.constant 0 : i32
      %dma_start3A_423 = tpu.memref_slice %arg4[%dma_start3A_418, %add3A_417, %dma_start3A_422] : memref<4x8192x1024xf32, #tpu.memory_space<hbm>> -> memref<1x8x1024xf32, #tpu.memory_space<hbm>>
      %dma_start3A_424 = tpu.memref_squeeze %dma_start3A_423 : memref<1x8x1024xf32, #tpu.memory_space<hbm>> -> memref<8x1024xf32, #tpu.memory_space<hbm>>
      tpu.enqueue_dma source(%arg14 : memref<8x1024xf32, #tpu.memory_space<vmem>>) target(%dma_start3A_424 : memref<8x1024xf32, #tpu.memory_space<hbm>>) target_semaphore(%arg32 : memref<!tpu.dma_semaphore, #tpu.memory_space<semaphore_mem>>)
      %add3A_425 = arith.constant 2 : i32
      %add3A_426 = arith.addi %mul3A_141, %add3A_425 : i32
      %lt3A_427 = arith.constant 32 : i32
      %lt3A_428 = arith.cmpi slt, %add3A_426, %lt3A_427 : i32
      %convert_element_type3A_429 = arith.extui %lt3A_428 : i1 to i32
      %cond3A_430 = arith.constant 0 : i32
      %cond3A_431 = arith.cmpi ne, %convert_element_type3A_429, %cond3A_430 : i32
      scf.if %cond3A_431 {
        %mul3A_440 = arith.constant 8 : i32
        %mul3A_441 = arith.muli %mul3A_141, %mul3A_440 : i32
        %add3A_442 = arith.addi %mul3A_2, %mul3A_441 : i32
        %dma_wait3A_443 = arith.constant 3 : i32
        %dma_wait3A_444 = arith.constant 0 : i32
        %dma_wait3A_445 = tpu.memref_slice %arg4[%dma_wait3A_443, %add3A_442, %dma_wait3A_444] : memref<4x8192x1024xf32, #tpu.memory_space<hbm>> -> memref<1x8x1024xf32, #tpu.memory_space<hbm>>
        %dma_wait3A_446 = tpu.memref_squeeze %dma_wait3A_445 : memref<1x8x1024xf32, #tpu.memory_space<hbm>> -> memref<8x1024xf32, #tpu.memory_space<hbm>>
        %dma_wait3A_447 = arith.constant 0 : i32
        %dma_wait3A_448 = tpu.memref_slice %arg4[%dma_wait3A_443, %add3A_442, %dma_wait3A_447] : memref<4x8192x1024xf32, #tpu.memory_space<hbm>> -> memref<1x8x1024xf32, #tpu.memory_space<hbm>>
        %dma_wait3A_449 = tpu.memref_squeeze %dma_wait3A_448 : memref<1x8x1024xf32, #tpu.memory_space<hbm>> -> memref<8x1024xf32, #tpu.memory_space<hbm>>
        tpu.wait_dma2 semaphore(%arg28 : memref<!tpu.dma_semaphore, #tpu.memory_space<semaphore_mem>>) src(%arg10 : memref<8x1024xf32, #tpu.memory_space<vmem>>) dst(%dma_wait3A_449 : memref<8x1024xf32, #tpu.memory_space<hbm>>)
        %add3A_450 = arith.constant 2 : i32
        %add3A_451 = arith.addi %mul3A_141, %add3A_450 : i32
        %mul3A_452 = arith.constant 8 : i32
        %mul3A_453 = arith.muli %add3A_451, %mul3A_452 : i32
        %add3A_454 = arith.addi %mul3A_2, %mul3A_453 : i32
        %dma_start3A_455 = arith.constant 3 : i32
        %dma_start3A_456 = arith.constant 0 : i32
        %dma_start3A_457 = tpu.memref_slice %arg2[%dma_start3A_455, %add3A_454, %dma_start3A_456] : memref<4x8192x1024xf32, #tpu.memory_space<hbm>> -> memref<1x8x1024xf32, #tpu.memory_space<hbm>>
        %dma_start3A_458 = tpu.memref_squeeze %dma_start3A_457 : memref<1x8x1024xf32, #tpu.memory_space<hbm>> -> memref<8x1024xf32, #tpu.memory_space<hbm>>
        %dma_start3A_459 = arith.constant 0 : i32
        %dma_start3A_460 = tpu.memref_slice %arg2[%dma_start3A_455, %add3A_454, %dma_start3A_459] : memref<4x8192x1024xf32, #tpu.memory_space<hbm>> -> memref<1x8x1024xf32, #tpu.memory_space<hbm>>
        %dma_start3A_461 = tpu.memref_squeeze %dma_start3A_460 : memref<1x8x1024xf32, #tpu.memory_space<hbm>> -> memref<8x1024xf32, #tpu.memory_space<hbm>>
        tpu.enqueue_dma source(%dma_start3A_461 : memref<8x1024xf32, #tpu.memory_space<hbm>>) target(%arg10 : memref<8x1024xf32, #tpu.memory_space<vmem>>) target_semaphore(%arg20 : memref<!tpu.dma_semaphore, #tpu.memory_space<semaphore_mem>>)
      } else {
      }
      %add3A_432 = arith.constant 2 : i32
      %add3A_433 = arith.addi %add3A_143, %add3A_432 : i32
      %lt3A_434 = arith.constant 32 : i32
      %lt3A_435 = arith.cmpi slt, %add3A_433, %lt3A_434 : i32
      %convert_element_type3A_436 = arith.extui %lt3A_435 : i1 to i32
      %cond3A_437 = arith.constant 0 : i32
      %cond3A_438 = arith.cmpi ne, %convert_element_type3A_436, %cond3A_437 : i32
      scf.if %cond3A_438 {
        %add3A_440 = arith.constant 2 : i32
        %add3A_441 = arith.addi %add3A_143, %add3A_440 : i32
        %mul3A_442 = arith.constant 8 : i32
        %mul3A_443 = arith.muli %add3A_441, %mul3A_442 : i32
        %add3A_444 = arith.addi %mul3A_2, %mul3A_443 : i32
        %dma_start3A_445 = arith.constant 0 : i32
        %dma_start3A_446 = tpu.memref_slice %arg3[%add3A_444, %dma_start3A_445] : memref<8192x1024xf32, #tpu.memory_space<hbm>> -> memref<8x1024xf32, #tpu.memory_space<hbm>>
        %dma_start3A_447 = arith.constant 0 : i32
        %dma_start3A_448 = tpu.memref_slice %arg3[%add3A_444, %dma_start3A_447] : memref<8192x1024xf32, #tpu.memory_space<hbm>> -> memref<8x1024xf32, #tpu.memory_space<hbm>>
        tpu.enqueue_dma source(%dma_start3A_448 : memref<8x1024xf32, #tpu.memory_space<hbm>>) target(%arg6 : memref<8x1024xf32, #tpu.memory_space<vmem>>) target_semaphore(%arg16 : memref<!tpu.dma_semaphore, #tpu.memory_space<semaphore_mem>>)
      } else {
      }
      %scan3A_439 = arith.constant 0 : i32
      scf.yield %scan3A_439 : i32
    }
    %scan3A_55 = arith.constant 16 : i32
    %add3A_56 = arith.constant 240 : i32
    %add3A_57 = arith.addi %mul3A_2, %add3A_56 : i32
    %dma_wait3A = arith.constant 0 : i32
    %dma_wait3A_58 = arith.constant 0 : i32
    %dma_wait3A_59 = tpu.memref_slice %arg4[%dma_wait3A, %add3A_57, %dma_wait3A_58] : memref<4x8192x1024xf32, #tpu.memory_space<hbm>> -> memref<1x8x1024xf32, #tpu.memory_space<hbm>>
    %dma_wait3A_60 = tpu.memref_squeeze %dma_wait3A_59 : memref<1x8x1024xf32, #tpu.memory_space<hbm>> -> memref<8x1024xf32, #tpu.memory_space<hbm>>
    %dma_wait3A_61 = arith.constant 0 : i32
    %dma_wait3A_62 = tpu.memref_slice %arg4[%dma_wait3A, %add3A_57, %dma_wait3A_61] : memref<4x8192x1024xf32, #tpu.memory_space<hbm>> -> memref<1x8x1024xf32, #tpu.memory_space<hbm>>
    %dma_wait3A_63 = tpu.memref_squeeze %dma_wait3A_62 : memref<1x8x1024xf32, #tpu.memory_space<hbm>> -> memref<8x1024xf32, #tpu.memory_space<hbm>>
    tpu.wait_dma2 semaphore(%arg25 : memref<!tpu.dma_semaphore, #tpu.memory_space<semaphore_mem>>) src(%arg7 : memref<8x1024xf32, #tpu.memory_space<vmem>>) dst(%dma_wait3A_63 : memref<8x1024xf32, #tpu.memory_space<hbm>>)
    %add3A_64 = arith.constant 240 : i32
    %add3A_65 = arith.addi %mul3A_2, %add3A_64 : i32
    %dma_wait3A_66 = arith.constant 1 : i32
    %dma_wait3A_67 = arith.constant 0 : i32
    %dma_wait3A_68 = tpu.memref_slice %arg4[%dma_wait3A_66, %add3A_65, %dma_wait3A_67] : memref<4x8192x1024xf32, #tpu.memory_space<hbm>> -> memref<1x8x1024xf32, #tpu.memory_space<hbm>>
    %dma_wait3A_69 = tpu.memref_squeeze %dma_wait3A_68 : memref<1x8x1024xf32, #tpu.memory_space<hbm>> -> memref<8x1024xf32, #tpu.memory_space<hbm>>
    %dma_wait3A_70 = arith.constant 0 : i32
    %dma_wait3A_71 = tpu.memref_slice %arg4[%dma_wait3A_66, %add3A_65, %dma_wait3A_70] : memref<4x8192x1024xf32, #tpu.memory_space<hbm>> -> memref<1x8x1024xf32, #tpu.memory_space<hbm>>
    %dma_wait3A_72 = tpu.memref_squeeze %dma_wait3A_71 : memref<1x8x1024xf32, #tpu.memory_space<hbm>> -> memref<8x1024xf32, #tpu.memory_space<hbm>>
    tpu.wait_dma2 semaphore(%arg26 : memref<!tpu.dma_semaphore, #tpu.memory_space<semaphore_mem>>) src(%arg8 : memref<8x1024xf32, #tpu.memory_space<vmem>>) dst(%dma_wait3A_72 : memref<8x1024xf32, #tpu.memory_space<hbm>>)
    %add3A_73 = arith.constant 240 : i32
    %add3A_74 = arith.addi %mul3A_2, %add3A_73 : i32
    %dma_wait3A_75 = arith.constant 2 : i32
    %dma_wait3A_76 = arith.constant 0 : i32
    %dma_wait3A_77 = tpu.memref_slice %arg4[%dma_wait3A_75, %add3A_74, %dma_wait3A_76] : memref<4x8192x1024xf32, #tpu.memory_space<hbm>> -> memref<1x8x1024xf32, #tpu.memory_space<hbm>>
    %dma_wait3A_78 = tpu.memref_squeeze %dma_wait3A_77 : memref<1x8x1024xf32, #tpu.memory_space<hbm>> -> memref<8x1024xf32, #tpu.memory_space<hbm>>
    %dma_wait3A_79 = arith.constant 0 : i32
    %dma_wait3A_80 = tpu.memref_slice %arg4[%dma_wait3A_75, %add3A_74, %dma_wait3A_79] : memref<4x8192x1024xf32, #tpu.memory_space<hbm>> -> memref<1x8x1024xf32, #tpu.memory_space<hbm>>
    %dma_wait3A_81 = tpu.memref_squeeze %dma_wait3A_80 : memref<1x8x1024xf32, #tpu.memory_space<hbm>> -> memref<8x1024xf32, #tpu.memory_space<hbm>>
    tpu.wait_dma2 semaphore(%arg27 : memref<!tpu.dma_semaphore, #tpu.memory_space<semaphore_mem>>) src(%arg9 : memref<8x1024xf32, #tpu.memory_space<vmem>>) dst(%dma_wait3A_81 : memref<8x1024xf32, #tpu.memory_space<hbm>>)
    %add3A_82 = arith.constant 240 : i32
    %add3A_83 = arith.addi %mul3A_2, %add3A_82 : i32
    %dma_wait3A_84 = arith.constant 3 : i32
    %dma_wait3A_85 = arith.constant 0 : i32
    %dma_wait3A_86 = tpu.memref_slice %arg4[%dma_wait3A_84, %add3A_83, %dma_wait3A_85] : memref<4x8192x1024xf32, #tpu.memory_space<hbm>> -> memref<1x8x1024xf32, #tpu.memory_space<hbm>>
    %dma_wait3A_87 = tpu.memref_squeeze %dma_wait3A_86 : memref<1x8x1024xf32, #tpu.memory_space<hbm>> -> memref<8x1024xf32, #tpu.memory_space<hbm>>
    %dma_wait3A_88 = arith.constant 0 : i32
    %dma_wait3A_89 = tpu.memref_slice %arg4[%dma_wait3A_84, %add3A_83, %dma_wait3A_88] : memref<4x8192x1024xf32, #tpu.memory_space<hbm>> -> memref<1x8x1024xf32, #tpu.memory_space<hbm>>
    %dma_wait3A_90 = tpu.memref_squeeze %dma_wait3A_89 : memref<1x8x1024xf32, #tpu.memory_space<hbm>> -> memref<8x1024xf32, #tpu.memory_space<hbm>>
    tpu.wait_dma2 semaphore(%arg28 : memref<!tpu.dma_semaphore, #tpu.memory_space<semaphore_mem>>) src(%arg10 : memref<8x1024xf32, #tpu.memory_space<vmem>>) dst(%dma_wait3A_90 : memref<8x1024xf32, #tpu.memory_space<hbm>>)
    %add3A_91 = arith.constant 248 : i32
    %add3A_92 = arith.addi %mul3A_2, %add3A_91 : i32
    %dma_wait3A_93 = arith.constant 0 : i32
    %dma_wait3A_94 = arith.constant 0 : i32
    %dma_wait3A_95 = tpu.memref_slice %arg4[%dma_wait3A_93, %add3A_92, %dma_wait3A_94] : memref<4x8192x1024xf32, #tpu.memory_space<hbm>> -> memref<1x8x1024xf32, #tpu.memory_space<hbm>>
    %dma_wait3A_96 = tpu.memref_squeeze %dma_wait3A_95 : memref<1x8x1024xf32, #tpu.memory_space<hbm>> -> memref<8x1024xf32, #tpu.memory_space<hbm>>
    %dma_wait3A_97 = arith.constant 0 : i32
    %dma_wait3A_98 = tpu.memref_slice %arg4[%dma_wait3A_93, %add3A_92, %dma_wait3A_97] : memref<4x8192x1024xf32, #tpu.memory_space<hbm>> -> memref<1x8x1024xf32, #tpu.memory_space<hbm>>
    %dma_wait3A_99 = tpu.memref_squeeze %dma_wait3A_98 : memref<1x8x1024xf32, #tpu.memory_space<hbm>> -> memref<8x1024xf32, #tpu.memory_space<hbm>>
    tpu.wait_dma2 semaphore(%arg29 : memref<!tpu.dma_semaphore, #tpu.memory_space<semaphore_mem>>) src(%arg11 : memref<8x1024xf32, #tpu.memory_space<vmem>>) dst(%dma_wait3A_99 : memref<8x1024xf32, #tpu.memory_space<hbm>>)
    %add3A_100 = arith.constant 248 : i32
    %add3A_101 = arith.addi %mul3A_2, %add3A_100 : i32
    %dma_wait3A_102 = arith.constant 1 : i32
    %dma_wait3A_103 = arith.constant 0 : i32
    %dma_wait3A_104 = tpu.memref_slice %arg4[%dma_wait3A_102, %add3A_101, %dma_wait3A_103] : memref<4x8192x1024xf32, #tpu.memory_space<hbm>> -> memref<1x8x1024xf32, #tpu.memory_space<hbm>>
    %dma_wait3A_105 = tpu.memref_squeeze %dma_wait3A_104 : memref<1x8x1024xf32, #tpu.memory_space<hbm>> -> memref<8x1024xf32, #tpu.memory_space<hbm>>
    %dma_wait3A_106 = arith.constant 0 : i32
    %dma_wait3A_107 = tpu.memref_slice %arg4[%dma_wait3A_102, %add3A_101, %dma_wait3A_106] : memref<4x8192x1024xf32, #tpu.memory_space<hbm>> -> memref<1x8x1024xf32, #tpu.memory_space<hbm>>
    %dma_wait3A_108 = tpu.memref_squeeze %dma_wait3A_107 : memref<1x8x1024xf32, #tpu.memory_space<hbm>> -> memref<8x1024xf32, #tpu.memory_space<hbm>>
    tpu.wait_dma2 semaphore(%arg30 : memref<!tpu.dma_semaphore, #tpu.memory_space<semaphore_mem>>) src(%arg12 : memref<8x1024xf32, #tpu.memory_space<vmem>>) dst(%dma_wait3A_108 : memref<8x1024xf32, #tpu.memory_space<hbm>>)
    %add3A_109 = arith.constant 248 : i32
    %add3A_110 = arith.addi %mul3A_2, %add3A_109 : i32
    %dma_wait3A_111 = arith.constant 2 : i32
    %dma_wait3A_112 = arith.constant 0 : i32
    %dma_wait3A_113 = tpu.memref_slice %arg4[%dma_wait3A_111, %add3A_110, %dma_wait3A_112] : memref<4x8192x1024xf32, #tpu.memory_space<hbm>> -> memref<1x8x1024xf32, #tpu.memory_space<hbm>>
    %dma_wait3A_114 = tpu.memref_squeeze %dma_wait3A_113 : memref<1x8x1024xf32, #tpu.memory_space<hbm>> -> memref<8x1024xf32, #tpu.memory_space<hbm>>
    %dma_wait3A_115 = arith.constant 0 : i32
    %dma_wait3A_116 = tpu.memref_slice %arg4[%dma_wait3A_111, %add3A_110, %dma_wait3A_115] : memref<4x8192x1024xf32, #tpu.memory_space<hbm>> -> memref<1x8x1024xf32, #tpu.memory_space<hbm>>
    %dma_wait3A_117 = tpu.memref_squeeze %dma_wait3A_116 : memref<1x8x1024xf32, #tpu.memory_space<hbm>> -> memref<8x1024xf32, #tpu.memory_space<hbm>>
    tpu.wait_dma2 semaphore(%arg31 : memref<!tpu.dma_semaphore, #tpu.memory_space<semaphore_mem>>) src(%arg13 : memref<8x1024xf32, #tpu.memory_space<vmem>>) dst(%dma_wait3A_117 : memref<8x1024xf32, #tpu.memory_space<hbm>>)
    %add3A_118 = arith.constant 248 : i32
    %add3A_119 = arith.addi %mul3A_2, %add3A_118 : i32
    %dma_wait3A_120 = arith.constant 3 : i32
    %dma_wait3A_121 = arith.constant 0 : i32
    %dma_wait3A_122 = tpu.memref_slice %arg4[%dma_wait3A_120, %add3A_119, %dma_wait3A_121] : memref<4x8192x1024xf32, #tpu.memory_space<hbm>> -> memref<1x8x1024xf32, #tpu.memory_space<hbm>>
    %dma_wait3A_123 = tpu.memref_squeeze %dma_wait3A_122 : memref<1x8x1024xf32, #tpu.memory_space<hbm>> -> memref<8x1024xf32, #tpu.memory_space<hbm>>
    %dma_wait3A_124 = arith.constant 0 : i32
    %dma_wait3A_125 = tpu.memref_slice %arg4[%dma_wait3A_120, %add3A_119, %dma_wait3A_124] : memref<4x8192x1024xf32, #tpu.memory_space<hbm>> -> memref<1x8x1024xf32, #tpu.memory_space<hbm>>
    %dma_wait3A_126 = tpu.memref_squeeze %dma_wait3A_125 : memref<1x8x1024xf32, #tpu.memory_space<hbm>> -> memref<8x1024xf32, #tpu.memory_space<hbm>>
    tpu.wait_dma2 semaphore(%arg32 : memref<!tpu.dma_semaphore, #tpu.memory_space<semaphore_mem>>) src(%arg14 : memref<8x1024xf32, #tpu.memory_space<vmem>>) dst(%dma_wait3A_126 : memref<8x1024xf32, #tpu.memory_space<hbm>>)
    %add3A_127 = arith.constant 240 : i32
    %add3A_128 = arith.addi %mul3A_2, %add3A_127 : i32
    %add3A_129 = arith.constant 248 : i32
    %add3A_130 = arith.addi %mul3A_2, %add3A_129 : i32
    %run_scoped3A = arith.constant 0 : i32
    "tpu.region"() ({
      %run_scoped3A_138 = tpu.sem_alloc : memref<!tpu.dma_semaphore, #tpu.memory_space<semaphore_mem>>
      %dma_start3A_139 = arith.constant 0 : i32
      %dma_start3A_140 = tpu.memref_slice %arg4[%run_scoped3A, %add3A_128, %dma_start3A_139] : memref<4x8192x1024xf32, #tpu.memory_space<hbm>> -> memref<1x8x1024xf32, #tpu.memory_space<hbm>>
      %dma_start3A_141 = tpu.memref_squeeze %dma_start3A_140 : memref<1x8x1024xf32, #tpu.memory_space<hbm>> -> memref<8x1024xf32, #tpu.memory_space<hbm>>
      %dma_start3A_142 = arith.constant 0 : i32
      %dma_start3A_143 = tpu.memref_slice %arg4[%run_scoped3A, %add3A_128, %dma_start3A_142] : memref<4x8192x1024xf32, #tpu.memory_space<hbm>> -> memref<1x8x1024xf32, #tpu.memory_space<hbm>>
      %dma_start3A_144 = tpu.memref_squeeze %dma_start3A_143 : memref<1x8x1024xf32, #tpu.memory_space<hbm>> -> memref<8x1024xf32, #tpu.memory_space<hbm>>
      tpu.enqueue_dma source(%dma_start3A_144 : memref<8x1024xf32, #tpu.memory_space<hbm>>) target(%arg5 : memref<8x1024xf32, #tpu.memory_space<vmem>>) target_semaphore(%run_scoped3A_138 : memref<!tpu.dma_semaphore, #tpu.memory_space<semaphore_mem>>)
      %dma_wait3A_145 = arith.constant 0 : i32
      %dma_wait3A_146 = tpu.memref_slice %arg4[%run_scoped3A, %add3A_128, %dma_wait3A_145] : memref<4x8192x1024xf32, #tpu.memory_space<hbm>> -> memref<1x8x1024xf32, #tpu.memory_space<hbm>>
      %dma_wait3A_147 = tpu.memref_squeeze %dma_wait3A_146 : memref<1x8x1024xf32, #tpu.memory_space<hbm>> -> memref<8x1024xf32, #tpu.memory_space<hbm>>
      %dma_wait3A_148 = arith.constant 0 : i32
      %dma_wait3A_149 = tpu.memref_slice %arg4[%run_scoped3A, %add3A_128, %dma_wait3A_148] : memref<4x8192x1024xf32, #tpu.memory_space<hbm>> -> memref<1x8x1024xf32, #tpu.memory_space<hbm>>
      %dma_wait3A_150 = tpu.memref_squeeze %dma_wait3A_149 : memref<1x8x1024xf32, #tpu.memory_space<hbm>> -> memref<8x1024xf32, #tpu.memory_space<hbm>>
      tpu.wait_dma2 semaphore(%run_scoped3A_138 : memref<!tpu.dma_semaphore, #tpu.memory_space<semaphore_mem>>) src(%dma_wait3A_150 : memref<8x1024xf32, #tpu.memory_space<hbm>>) dst(%arg5 : memref<8x1024xf32, #tpu.memory_space<vmem>>)
      tpu.yield
    }) : () -> ()
    %run_scoped3A_131 = arith.constant 0 : i32
    "tpu.region"() ({
      %run_scoped3A_138 = tpu.sem_alloc : memref<!tpu.dma_semaphore, #tpu.memory_space<semaphore_mem>>
      %dma_start3A_139 = arith.constant 0 : i32
      %dma_start3A_140 = tpu.memref_slice %arg4[%run_scoped3A_131, %add3A_130, %dma_start3A_139] : memref<4x8192x1024xf32, #tpu.memory_space<hbm>> -> memref<1x8x1024xf32, #tpu.memory_space<hbm>>
      %dma_start3A_141 = tpu.memref_squeeze %dma_start3A_140 : memref<1x8x1024xf32, #tpu.memory_space<hbm>> -> memref<8x1024xf32, #tpu.memory_space<hbm>>
      %dma_start3A_142 = arith.constant 0 : i32
      %dma_start3A_143 = tpu.memref_slice %arg4[%run_scoped3A_131, %add3A_130, %dma_start3A_142] : memref<4x8192x1024xf32, #tpu.memory_space<hbm>> -> memref<1x8x1024xf32, #tpu.memory_space<hbm>>
      %dma_start3A_144 = tpu.memref_squeeze %dma_start3A_143 : memref<1x8x1024xf32, #tpu.memory_space<hbm>> -> memref<8x1024xf32, #tpu.memory_space<hbm>>
      tpu.enqueue_dma source(%dma_start3A_144 : memref<8x1024xf32, #tpu.memory_space<hbm>>) target(%arg6 : memref<8x1024xf32, #tpu.memory_space<vmem>>) target_semaphore(%run_scoped3A_138 : memref<!tpu.dma_semaphore, #tpu.memory_space<semaphore_mem>>)
      %dma_wait3A_145 = arith.constant 0 : i32
      %dma_wait3A_146 = tpu.memref_slice %arg4[%run_scoped3A_131, %add3A_130, %dma_wait3A_145] : memref<4x8192x1024xf32, #tpu.memory_space<hbm>> -> memref<1x8x1024xf32, #tpu.memory_space<hbm>>
      %dma_wait3A_147 = tpu.memref_squeeze %dma_wait3A_146 : memref<1x8x1024xf32, #tpu.memory_space<hbm>> -> memref<8x1024xf32, #tpu.memory_space<hbm>>
      %dma_wait3A_148 = arith.constant 0 : i32
      %dma_wait3A_149 = tpu.memref_slice %arg4[%run_scoped3A_131, %add3A_130, %dma_wait3A_148] : memref<4x8192x1024xf32, #tpu.memory_space<hbm>> -> memref<1x8x1024xf32, #tpu.memory_space<hbm>>
      %dma_wait3A_150 = tpu.memref_squeeze %dma_wait3A_149 : memref<1x8x1024xf32, #tpu.memory_space<hbm>> -> memref<8x1024xf32, #tpu.memory_space<hbm>>
      tpu.wait_dma2 semaphore(%run_scoped3A_138 : memref<!tpu.dma_semaphore, #tpu.memory_space<semaphore_mem>>) src(%dma_wait3A_150 : memref<8x1024xf32, #tpu.memory_space<hbm>>) dst(%arg6 : memref<8x1024xf32, #tpu.memory_space<vmem>>)
      tpu.yield
    }) : () -> ()
    %run_scoped3A_132 = arith.constant 1 : i32
    "tpu.region"() ({
      %run_scoped3A_138 = tpu.sem_alloc : memref<!tpu.dma_semaphore, #tpu.memory_space<semaphore_mem>>
      %dma_start3A_139 = arith.constant 0 : i32
      %dma_start3A_140 = tpu.memref_slice %arg4[%run_scoped3A_132, %add3A_128, %dma_start3A_139] : memref<4x8192x1024xf32, #tpu.memory_space<hbm>> -> memref<1x8x1024xf32, #tpu.memory_space<hbm>>
      %dma_start3A_141 = tpu.memref_squeeze %dma_start3A_140 : memref<1x8x1024xf32, #tpu.memory_space<hbm>> -> memref<8x1024xf32, #tpu.memory_space<hbm>>
      %dma_start3A_142 = arith.constant 0 : i32
      %dma_start3A_143 = tpu.memref_slice %arg4[%run_scoped3A_132, %add3A_128, %dma_start3A_142] : memref<4x8192x1024xf32, #tpu.memory_space<hbm>> -> memref<1x8x1024xf32, #tpu.memory_space<hbm>>
      %dma_start3A_144 = tpu.memref_squeeze %dma_start3A_143 : memref<1x8x1024xf32, #tpu.memory_space<hbm>> -> memref<8x1024xf32, #tpu.memory_space<hbm>>
      tpu.enqueue_dma source(%dma_start3A_144 : memref<8x1024xf32, #tpu.memory_space<hbm>>) target(%arg5 : memref<8x1024xf32, #tpu.memory_space<vmem>>) target_semaphore(%run_scoped3A_138 : memref<!tpu.dma_semaphore, #tpu.memory_space<semaphore_mem>>)
      %dma_wait3A_145 = arith.constant 0 : i32
      %dma_wait3A_146 = tpu.memref_slice %arg4[%run_scoped3A_132, %add3A_128, %dma_wait3A_145] : memref<4x8192x1024xf32, #tpu.memory_space<hbm>> -> memref<1x8x1024xf32, #tpu.memory_space<hbm>>
      %dma_wait3A_147 = tpu.memref_squeeze %dma_wait3A_146 : memref<1x8x1024xf32, #tpu.memory_space<hbm>> -> memref<8x1024xf32, #tpu.memory_space<hbm>>
      %dma_wait3A_148 = arith.constant 0 : i32
      %dma_wait3A_149 = tpu.memref_slice %arg4[%run_scoped3A_132, %add3A_128, %dma_wait3A_148] : memref<4x8192x1024xf32, #tpu.memory_space<hbm>> -> memref<1x8x1024xf32, #tpu.memory_space<hbm>>
      %dma_wait3A_150 = tpu.memref_squeeze %dma_wait3A_149 : memref<1x8x1024xf32, #tpu.memory_space<hbm>> -> memref<8x1024xf32, #tpu.memory_space<hbm>>
      tpu.wait_dma2 semaphore(%run_scoped3A_138 : memref<!tpu.dma_semaphore, #tpu.memory_space<semaphore_mem>>) src(%dma_wait3A_150 : memref<8x1024xf32, #tpu.memory_space<hbm>>) dst(%arg5 : memref<8x1024xf32, #tpu.memory_space<vmem>>)
      tpu.yield
    }) : () -> ()
    %run_scoped3A_133 = arith.constant 1 : i32
    "tpu.region"() ({
      %run_scoped3A_138 = tpu.sem_alloc : memref<!tpu.dma_semaphore, #tpu.memory_space<semaphore_mem>>
      %dma_start3A_139 = arith.constant 0 : i32
      %dma_start3A_140 = tpu.memref_slice %arg4[%run_scoped3A_133, %add3A_130, %dma_start3A_139] : memref<4x8192x1024xf32, #tpu.memory_space<hbm>> -> memref<1x8x1024xf32, #tpu.memory_space<hbm>>
      %dma_start3A_141 = tpu.memref_squeeze %dma_start3A_140 : memref<1x8x1024xf32, #tpu.memory_space<hbm>> -> memref<8x1024xf32, #tpu.memory_space<hbm>>
      %dma_start3A_142 = arith.constant 0 : i32
      %dma_start3A_143 = tpu.memref_slice %arg4[%run_scoped3A_133, %add3A_130, %dma_start3A_142] : memref<4x8192x1024xf32, #tpu.memory_space<hbm>> -> memref<1x8x1024xf32, #tpu.memory_space<hbm>>
      %dma_start3A_144 = tpu.memref_squeeze %dma_start3A_143 : memref<1x8x1024xf32, #tpu.memory_space<hbm>> -> memref<8x1024xf32, #tpu.memory_space<hbm>>
      tpu.enqueue_dma source(%dma_start3A_144 : memref<8x1024xf32, #tpu.memory_space<hbm>>) target(%arg6 : memref<8x1024xf32, #tpu.memory_space<vmem>>) target_semaphore(%run_scoped3A_138 : memref<!tpu.dma_semaphore, #tpu.memory_space<semaphore_mem>>)
      %dma_wait3A_145 = arith.constant 0 : i32
      %dma_wait3A_146 = tpu.memref_slice %arg4[%run_scoped3A_133, %add3A_130, %dma_wait3A_145] : memref<4x8192x1024xf32, #tpu.memory_space<hbm>> -> memref<1x8x1024xf32, #tpu.memory_space<hbm>>
      %dma_wait3A_147 = tpu.memref_squeeze %dma_wait3A_146 : memref<1x8x1024xf32, #tpu.memory_space<hbm>> -> memref<8x1024xf32, #tpu.memory_space<hbm>>
      %dma_wait3A_148 = arith.constant 0 : i32
      %dma_wait3A_149 = tpu.memref_slice %arg4[%run_scoped3A_133, %add3A_130, %dma_wait3A_148] : memref<4x8192x1024xf32, #tpu.memory_space<hbm>> -> memref<1x8x1024xf32, #tpu.memory_space<hbm>>
      %dma_wait3A_150 = tpu.memref_squeeze %dma_wait3A_149 : memref<1x8x1024xf32, #tpu.memory_space<hbm>> -> memref<8x1024xf32, #tpu.memory_space<hbm>>
      tpu.wait_dma2 semaphore(%run_scoped3A_138 : memref<!tpu.dma_semaphore, #tpu.memory_space<semaphore_mem>>) src(%dma_wait3A_150 : memref<8x1024xf32, #tpu.memory_space<hbm>>) dst(%arg6 : memref<8x1024xf32, #tpu.memory_space<vmem>>)
      tpu.yield
    }) : () -> ()
    %run_scoped3A_134 = arith.constant 2 : i32
    "tpu.region"() ({
      %run_scoped3A_138 = tpu.sem_alloc : memref<!tpu.dma_semaphore, #tpu.memory_space<semaphore_mem>>
      %dma_start3A_139 = arith.constant 0 : i32
      %dma_start3A_140 = tpu.memref_slice %arg4[%run_scoped3A_134, %add3A_128, %dma_start3A_139] : memref<4x8192x1024xf32, #tpu.memory_space<hbm>> -> memref<1x8x1024xf32, #tpu.memory_space<hbm>>
      %dma_start3A_141 = tpu.memref_squeeze %dma_start3A_140 : memref<1x8x1024xf32, #tpu.memory_space<hbm>> -> memref<8x1024xf32, #tpu.memory_space<hbm>>
      %dma_start3A_142 = arith.constant 0 : i32
      %dma_start3A_143 = tpu.memref_slice %arg4[%run_scoped3A_134, %add3A_128, %dma_start3A_142] : memref<4x8192x1024xf32, #tpu.memory_space<hbm>> -> memref<1x8x1024xf32, #tpu.memory_space<hbm>>
      %dma_start3A_144 = tpu.memref_squeeze %dma_start3A_143 : memref<1x8x1024xf32, #tpu.memory_space<hbm>> -> memref<8x1024xf32, #tpu.memory_space<hbm>>
      tpu.enqueue_dma source(%dma_start3A_144 : memref<8x1024xf32, #tpu.memory_space<hbm>>) target(%arg5 : memref<8x1024xf32, #tpu.memory_space<vmem>>) target_semaphore(%run_scoped3A_138 : memref<!tpu.dma_semaphore, #tpu.memory_space<semaphore_mem>>)
      %dma_wait3A_145 = arith.constant 0 : i32
      %dma_wait3A_146 = tpu.memref_slice %arg4[%run_scoped3A_134, %add3A_128, %dma_wait3A_145] : memref<4x8192x1024xf32, #tpu.memory_space<hbm>> -> memref<1x8x1024xf32, #tpu.memory_space<hbm>>
      %dma_wait3A_147 = tpu.memref_squeeze %dma_wait3A_146 : memref<1x8x1024xf32, #tpu.memory_space<hbm>> -> memref<8x1024xf32, #tpu.memory_space<hbm>>
      %dma_wait3A_148 = arith.constant 0 : i32
      %dma_wait3A_149 = tpu.memref_slice %arg4[%run_scoped3A_134, %add3A_128, %dma_wait3A_148] : memref<4x8192x1024xf32, #tpu.memory_space<hbm>> -> memref<1x8x1024xf32, #tpu.memory_space<hbm>>
      %dma_wait3A_150 = tpu.memref_squeeze %dma_wait3A_149 : memref<1x8x1024xf32, #tpu.memory_space<hbm>> -> memref<8x1024xf32, #tpu.memory_space<hbm>>
      tpu.wait_dma2 semaphore(%run_scoped3A_138 : memref<!tpu.dma_semaphore, #tpu.memory_space<semaphore_mem>>) src(%dma_wait3A_150 : memref<8x1024xf32, #tpu.memory_space<hbm>>) dst(%arg5 : memref<8x1024xf32, #tpu.memory_space<vmem>>)
      tpu.yield
    }) : () -> ()
    %run_scoped3A_135 = arith.constant 2 : i32
    "tpu.region"() ({
      %run_scoped3A_138 = tpu.sem_alloc : memref<!tpu.dma_semaphore, #tpu.memory_space<semaphore_mem>>
      %dma_start3A_139 = arith.constant 0 : i32
      %dma_start3A_140 = tpu.memref_slice %arg4[%run_scoped3A_135, %add3A_130, %dma_start3A_139] : memref<4x8192x1024xf32, #tpu.memory_space<hbm>> -> memref<1x8x1024xf32, #tpu.memory_space<hbm>>
      %dma_start3A_141 = tpu.memref_squeeze %dma_start3A_140 : memref<1x8x1024xf32, #tpu.memory_space<hbm>> -> memref<8x1024xf32, #tpu.memory_space<hbm>>
      %dma_start3A_142 = arith.constant 0 : i32
      %dma_start3A_143 = tpu.memref_slice %arg4[%run_scoped3A_135, %add3A_130, %dma_start3A_142] : memref<4x8192x1024xf32, #tpu.memory_space<hbm>> -> memref<1x8x1024xf32, #tpu.memory_space<hbm>>
      %dma_start3A_144 = tpu.memref_squeeze %dma_start3A_143 : memref<1x8x1024xf32, #tpu.memory_space<hbm>> -> memref<8x1024xf32, #tpu.memory_space<hbm>>
      tpu.enqueue_dma source(%dma_start3A_144 : memref<8x1024xf32, #tpu.memory_space<hbm>>) target(%arg6 : memref<8x1024xf32, #tpu.memory_space<vmem>>) target_semaphore(%run_scoped3A_138 : memref<!tpu.dma_semaphore, #tpu.memory_space<semaphore_mem>>)
      %dma_wait3A_145 = arith.constant 0 : i32
      %dma_wait3A_146 = tpu.memref_slice %arg4[%run_scoped3A_135, %add3A_130, %dma_wait3A_145] : memref<4x8192x1024xf32, #tpu.memory_space<hbm>> -> memref<1x8x1024xf32, #tpu.memory_space<hbm>>
      %dma_wait3A_147 = tpu.memref_squeeze %dma_wait3A_146 : memref<1x8x1024xf32, #tpu.memory_space<hbm>> -> memref<8x1024xf32, #tpu.memory_space<hbm>>
      %dma_wait3A_148 = arith.constant 0 : i32
      %dma_wait3A_149 = tpu.memref_slice %arg4[%run_scoped3A_135, %add3A_130, %dma_wait3A_148] : memref<4x8192x1024xf32, #tpu.memory_space<hbm>> -> memref<1x8x1024xf32, #tpu.memory_space<hbm>>
      %dma_wait3A_150 = tpu.memref_squeeze %dma_wait3A_149 : memref<1x8x1024xf32, #tpu.memory_space<hbm>> -> memref<8x1024xf32, #tpu.memory_space<hbm>>
      tpu.wait_dma2 semaphore(%run_scoped3A_138 : memref<!tpu.dma_semaphore, #tpu.memory_space<semaphore_mem>>) src(%dma_wait3A_150 : memref<8x1024xf32, #tpu.memory_space<hbm>>) dst(%arg6 : memref<8x1024xf32, #tpu.memory_space<vmem>>)
      tpu.yield
    }) : () -> ()
    %run_scoped3A_136 = arith.constant 3 : i32
    "tpu.region"() ({
      %run_scoped3A_138 = tpu.sem_alloc : memref<!tpu.dma_semaphore, #tpu.memory_space<semaphore_mem>>
      %dma_start3A_139 = arith.constant 0 : i32
      %dma_start3A_140 = tpu.memref_slice %arg4[%run_scoped3A_136, %add3A_128, %dma_start3A_139] : memref<4x8192x1024xf32, #tpu.memory_space<hbm>> -> memref<1x8x1024xf32, #tpu.memory_space<hbm>>
      %dma_start3A_141 = tpu.memref_squeeze %dma_start3A_140 : memref<1x8x1024xf32, #tpu.memory_space<hbm>> -> memref<8x1024xf32, #tpu.memory_space<hbm>>
      %dma_start3A_142 = arith.constant 0 : i32
      %dma_start3A_143 = tpu.memref_slice %arg4[%run_scoped3A_136, %add3A_128, %dma_start3A_142] : memref<4x8192x1024xf32, #tpu.memory_space<hbm>> -> memref<1x8x1024xf32, #tpu.memory_space<hbm>>
      %dma_start3A_144 = tpu.memref_squeeze %dma_start3A_143 : memref<1x8x1024xf32, #tpu.memory_space<hbm>> -> memref<8x1024xf32, #tpu.memory_space<hbm>>
      tpu.enqueue_dma source(%dma_start3A_144 : memref<8x1024xf32, #tpu.memory_space<hbm>>) target(%arg5 : memref<8x1024xf32, #tpu.memory_space<vmem>>) target_semaphore(%run_scoped3A_138 : memref<!tpu.dma_semaphore, #tpu.memory_space<semaphore_mem>>)
      %dma_wait3A_145 = arith.constant 0 : i32
      %dma_wait3A_146 = tpu.memref_slice %arg4[%run_scoped3A_136, %add3A_128, %dma_wait3A_145] : memref<4x8192x1024xf32, #tpu.memory_space<hbm>> -> memref<1x8x1024xf32, #tpu.memory_space<hbm>>
      %dma_wait3A_147 = tpu.memref_squeeze %dma_wait3A_146 : memref<1x8x1024xf32, #tpu.memory_space<hbm>> -> memref<8x1024xf32, #tpu.memory_space<hbm>>
      %dma_wait3A_148 = arith.constant 0 : i32
      %dma_wait3A_149 = tpu.memref_slice %arg4[%run_scoped3A_136, %add3A_128, %dma_wait3A_148] : memref<4x8192x1024xf32, #tpu.memory_space<hbm>> -> memref<1x8x1024xf32, #tpu.memory_space<hbm>>
      %dma_wait3A_150 = tpu.memref_squeeze %dma_wait3A_149 : memref<1x8x1024xf32, #tpu.memory_space<hbm>> -> memref<8x1024xf32, #tpu.memory_space<hbm>>
      tpu.wait_dma2 semaphore(%run_scoped3A_138 : memref<!tpu.dma_semaphore, #tpu.memory_space<semaphore_mem>>) src(%dma_wait3A_150 : memref<8x1024xf32, #tpu.memory_space<hbm>>) dst(%arg5 : memref<8x1024xf32, #tpu.memory_space<vmem>>)
      tpu.yield
    }) : () -> ()
    %run_scoped3A_137 = arith.constant 3 : i32
    "tpu.region"() ({
      %run_scoped3A_138 = tpu.sem_alloc : memref<!tpu.dma_semaphore, #tpu.memory_space<semaphore_mem>>
      %dma_start3A_139 = arith.constant 0 : i32
      %dma_start3A_140 = tpu.memref_slice %arg4[%run_scoped3A_137, %add3A_130, %dma_start3A_139] : memref<4x8192x1024xf32, #tpu.memory_space<hbm>> -> memref<1x8x1024xf32, #tpu.memory_space<hbm>>
      %dma_start3A_141 = tpu.memref_squeeze %dma_start3A_140 : memref<1x8x1024xf32, #tpu.memory_space<hbm>> -> memref<8x1024xf32, #tpu.memory_space<hbm>>
      %dma_start3A_142 = arith.constant 0 : i32
      %dma_start3A_143 = tpu.memref_slice %arg4[%run_scoped3A_137, %add3A_130, %dma_start3A_142] : memref<4x8192x1024xf32, #tpu.memory_space<hbm>> -> memref<1x8x1024xf32, #tpu.memory_space<hbm>>
      %dma_start3A_144 = tpu.memref_squeeze %dma_start3A_143 : memref<1x8x1024xf32, #tpu.memory_space<hbm>> -> memref<8x1024xf32, #tpu.memory_space<hbm>>
      tpu.enqueue_dma source(%dma_start3A_144 : memref<8x1024xf32, #tpu.memory_space<hbm>>) target(%arg6 : memref<8x1024xf32, #tpu.memory_space<vmem>>) target_semaphore(%run_scoped3A_138 : memref<!tpu.dma_semaphore, #tpu.memory_space<semaphore_mem>>)
      %dma_wait3A_145 = arith.constant 0 : i32
      %dma_wait3A_146 = tpu.memref_slice %arg4[%run_scoped3A_137, %add3A_130, %dma_wait3A_145] : memref<4x8192x1024xf32, #tpu.memory_space<hbm>> -> memref<1x8x1024xf32, #tpu.memory_space<hbm>>
      %dma_wait3A_147 = tpu.memref_squeeze %dma_wait3A_146 : memref<1x8x1024xf32, #tpu.memory_space<hbm>> -> memref<8x1024xf32, #tpu.memory_space<hbm>>
      %dma_wait3A_148 = arith.constant 0 : i32
      %dma_wait3A_149 = tpu.memref_slice %arg4[%run_scoped3A_137, %add3A_130, %dma_wait3A_148] : memref<4x8192x1024xf32, #tpu.memory_space<hbm>> -> memref<1x8x1024xf32, #tpu.memory_space<hbm>>
      %dma_wait3A_150 = tpu.memref_squeeze %dma_wait3A_149 : memref<1x8x1024xf32, #tpu.memory_space<hbm>> -> memref<8x1024xf32, #tpu.memory_space<hbm>>
      tpu.wait_dma2 semaphore(%run_scoped3A_138 : memref<!tpu.dma_semaphore, #tpu.memory_space<semaphore_mem>>) src(%dma_wait3A_150 : memref<8x1024xf32, #tpu.memory_space<hbm>>) dst(%arg6 : memref<8x1024xf32, #tpu.memory_space<vmem>>)
      tpu.yield
    }) : () -> ()
    return
  }
}

</mosaic_0001>

<sc_bundles>
// kernel: kernel.3.cloned.1.call-start
scs
__scs_entry_jumppad:
0x0: {  	(pc) =	sbr.rel $0x88, $3  }
0x1: {  	(tag) =	ssettag $0x0;
	lr =	simm.s32 $0x1  }
0x2: {  	[smem:$0x3F9F] =	sst lr;
	_ =	strace $0xD0000000  }
0x3: {  	_ = 	snop  }
0x4: {  	_ = 	snop  }
0x5: {  	_ = 	snop  }
0x6: {  	_ = 	snop  }
0x7: {  	_ = 	snop  }
__scs_overlays_trampoline_lowered:
0x8: {  	[smem:$0x3FAE] =	sst s0  }
0x9: {  	[smem:$0x3FAF] =	sst s1  }
0xa: {  	[smem:$0x3FB0] =	sst s2  }
0xb: {  	[smem:$0x3FB1] =	sst s3  }
0xc: {  	[smem:$0x3FB2] =	sst s4  }
0xd: {  	[smem:$0x3FB3] =	sst s5  }
0xe: {  	[smem:$0x3FB4] =	sst s6  }
0xf: {  	[smem:$0x3FB5] =	sst s7  }
0x10: {  	[smem:$0x3FB6] =	sst s8  }
0x11: {  	[smem:$0x3FB7] =	sst s9;
	s0 =	simm.s32 @!p0 $0x0  }
0x12: {  	s1 =	sld [smem:$0x3F9D];
	s0 =	simm.s32 @p0 $0x1  }
0x13: {  	[smem:$0x3FB8] =	sst s0;
	s0 =	simm.s32 @!p1 $0x0  }
0x14: {  	s2 =	sld [smem:$0x3F9C];
	s0 =	simm.s32 @p1 $0x1  }
0x15: {  	[smem:$0x3FB9] =	sst s0;
	s0 =	simm.s32 @!p2 $0x0  }
0x16: {  	s3 =	sld [smem:$0x3FDB];
	s0 =	simm.s32 @p2 $0x1  }
0x17: {  	s4 =	simm.s32 $0x1BF5;
	[smem:$0x3FBB] =	sst s0  }
0x18: {  	s0 =	sld [smem:$0x3F9E];
	_ =	swait.ge [sflag:s4], $0x0  }
0x19: {  	s7 =	sld [smem:$0x3F9F]  }
0x1a: {  	s8 =	sadd.s32 $0xFFFFE003, lr  }
0x1b: {  	s9 =	sadd.s32 $0xFFFFFEF7, lr;
	s5 =	simm.s32 $0xFFFFFFFF;
	p2 =	slt.u32 s8, $0xFFFFF086  }
0x1c: {  	p1 =	slt.u32 s9, $0xF7A;
	s5 =	simm.s32 @!p2 $0x0  }
0x1d: {  	s5 =	simm.s32 @p1 $0x1;
	p0 =	seq.s32 s7, s2  }
0x1e: {  	s7 =	smul.u32 @!p0 $0xF7A, s2;
	p2 =	seq.s32 @!p0 s5, $0x0  }
0x1f: {  	s9 =	smul.u32 $0xF7A, s1;
	s8 =	simm.s32 @!p0 $0x1BF5;
	p2 =	por !p2, p0  }
0x20: {  	[sflag:s8] =	ssyncset.s32 @!p0 $0xFFFFF086;
	s6 =	sadd.s32 @!p0 s3, s7;
	s7 =	simm.s32 @!p0 $0x108  }
0x21: {  	s3 =	sadd.s32 s3, s9;
	s6 =	sadd.s32 @!p0 $0x88, s6;
	s7 =	simm.s32 @p2 $0x1082  }
0x22: {  	[simem:s7], [sflag:s8] =	dma.local @!p0 [hbm:s6], $0xF7A  }
0x23: {  	s9 =	sor.u32 $0xD0000000, s2;
	s6 =	simm.s32 $0x108;
	_ =	swait.ge @!p0 [sflag:s8], $0x0  }
0x24: {  	s3 =	sadd.s32 $0x88, s3;
	s6 =	simm.s32 @!p1 $0x1082;
	[sflag:s4] =	ssyncset.s32 $0xFFFFF086  }
0x25: {  	[simem:s6], [sflag:s4] =	dma.local [hbm:s3], $0xF7A  }
0x26: {  	[smem:$0x3F9F] =	sst s1;
	(tag) =	ssettag s2;
	_ =	strace s9  }
0x27: {  	s1 =	sld [smem:$0x3FAF]  }
0x28: {  	s2 =	sld [smem:$0x3FB0]  }
0x29: {  	s4 =	sld [smem:$0x3FB2]  }
0x2a: {  	p0 =	seq.s32 s5, $0x0;
	s5 =	sld [smem:$0x3FB3]  }
0x2b: {  	s6 =	sld [smem:$0x3FB4]  }
0x2c: {  	s7 =	sld [smem:$0x3FB5]  }
0x2d: {  	s3 =	simm.s32 $0x108;
	s8 =	sld [smem:$0x3FB6]  }
0x2e: {  	s3 =	simm.s32 @!p0 $0x1082;
	s9 =	sld [smem:$0x3FB7]  }
0x2f: {  	lr =	sadd.s32 s0, s3;
	s0 =	sld [smem:$0x3FAE]  }
0x30: {  	s3 =	sld [smem:$0x3FB1]  }
0x31: {  	[smem:$0x3FBA] =	sst s10  }
0x32: {  	s10 =	sld [smem:$0x3FB8];
	_ =	sdelay $0x3  }
0x33: {  	p0 =	seq.s32 s10, $0x1;
	s10 =	sld [smem:$0x3FBA];
	_ =	sdelay $0x3  }
0x34: {  	[smem:$0x3FBA] =	sst s10  }
0x35: {  	s10 =	sld [smem:$0x3FB9];
	_ =	sdelay $0x3  }
0x36: {  	p1 =	seq.s32 s10, $0x1;
	s10 =	sld [smem:$0x3FBA];
	_ =	sdelay $0x3  }
0x37: {  	[smem:$0x3FBA] =	sst s10  }
0x38: {  	s10 =	sld [smem:$0x3FBB]  }
0x39: {  	_ = 	snop;
	(pc) =	sbr.ind lr, $3  }
0x3a: {  	_ = 	snop  }
0x3b: {  	_ = 	snop  }
0x3c: {  	p2 =	seq.s32 s10, $0x1;
	s10 =	sld [smem:$0x3FBA]  }
0x3d: {  	_ =	shalt  }
0x3e: {  	_ =	shalt  }
0x3f: {  	_ =	shalt  }
0x40: {  	_ =	shalt  }
0x41: {  	_ =	shalt  }
0x42: {  	_ =	shalt  }
0x43: {  	_ =	shalt  }
0x44: {  	_ =	shalt  }
0x45: {  	_ =	shalt  }
0x46: {  	_ =	shalt  }
0x47: {  	_ =	shalt  }
0x48: {  	_ =	shalt  }
0x49: {  	_ =	shalt  }
0x4a: {  	_ =	shalt  }
0x4b: {  	_ =	shalt  }
0x4c: {  	_ =	shalt  }
0x4d: {  	_ =	shalt  }
0x4e: {  	_ =	shalt  }
0x4f: {  	_ =	shalt  }
0x50: {  	_ =	shalt  }
0x51: {  	_ =	shalt  }
0x52: {  	_ =	shalt  }
0x53: {  	_ =	shalt  }
0x54: {  	_ =	shalt  }
0x55: {  	_ =	shalt  }
0x56: {  	_ =	shalt  }
0x57: {  	_ =	shalt  }
0x58: {  	_ =	shalt  }
0x59: {  	_ =	shalt  }
0x5a: {  	_ =	shalt  }
0x5b: {  	_ =	shalt  }
0x5c: {  	_ =	shalt  }
0x5d: {  	_ =	shalt  }
0x5e: {  	_ =	shalt  }
0x5f: {  	_ =	shalt  }
0x60: {  	_ =	shalt  }
0x61: {  	_ =	shalt  }
0x62: {  	_ =	shalt  }
0x63: {  	_ =	shalt  }
0x64: {  	_ =	shalt  }
0x65: {  	_ =	shalt  }
0x66: {  	_ =	shalt  }
0x67: {  	_ =	shalt  }
0x68: {  	_ =	shalt  }
0x69: {  	_ =	shalt  }
0x6a: {  	_ =	shalt  }
0x6b: {  	_ =	shalt  }
0x6c: {  	_ =	shalt  }
0x6d: {  	_ =	shalt  }
0x6e: {  	_ =	shalt  }
0x6f: {  	_ =	shalt  }
0x70: {  	_ =	shalt  }
0x71: {  	_ =	shalt  }
0x72: {  	_ =	shalt  }
0x73: {  	_ =	shalt  }
0x74: {  	_ =	shalt  }
0x75: {  	_ =	shalt  }
0x76: {  	_ =	shalt  }
0x77: {  	_ =	shalt  }
0x78: {  	_ =	shalt  }
0x79: {  	_ =	shalt  }
0x7a: {  	_ =	shalt  }
0x7b: {  	_ =	shalt  }
0x7c: {  	_ =	shalt  }
0x7d: {  	_ =	shalt  }
0x7e: {  	_ =	shalt  }
0x7f: {  	_ =	shalt  }
0x80: {  	_ =	shalt  }
0x81: {  	_ =	shalt  }
0x82: {  	_ =	shalt  }
0x83: {  	_ =	shalt  }
0x84: {  	_ =	shalt  }
0x85: {  	_ =	shalt  }
0x86: {  	_ =	shalt  }
0x87: {  	_ =	shalt  }
.Lfunc_end0:
.L_simem_size_0:
called_computation_lowered:
.L_overlay_start_0:
0x88: {  	s2 =	sld [smem:$0x3FD9]  }
0x89: {  	s3 =	sld [smem:$0x3FFE];
	_ =	sdelay $0x1  }
0x8a: {  	s1 =	srdreg.scid  }
0x8b: {  	s0 =	sand.u32 $0x1, s1  }
0x8c: {  	s18 =	sshll.u32 s0, $0xA;
	s2 =	sadd.s32 s3, s2  }
0x8d: {  	s2 =	sadd.s32 s2, s18  }
0x8e: {  	[smem:$0x3FC6] =	sst s2  }
0x8f: {  	_ = 	snop  }
0x90: {  	s2 =	sld [smem:$0x3FC9]  }
0x91: {  	s19 =	sld [smem:$0x3FC8]  }
0x92: {  	s4 =	sld [smem:$0x3FD0];
	(tm) =	ssettm $0x1  }
0x93: {  	s5 =	sld [smem:$0x3FFB];
	_ =	sdelay $0x3  }
0x94: {  	_ =	strace s5  }
0x95: {  	s5 =	sld [smem:$0x3FFC];
	_ =	sdelay $0x3  }
0x96: {  	_ =	strace s5  }
0x97: {  	s5 =	sld [smem:$0x3FFD];
	_ =	sdelay $0x3  }
0x98: {  	_ =	strace s5  }
0x99: {  	_ =	strace $0x8FFFFFFF  }
0x9a: {  	s20 =	sld [smem:$0x3FDB];
	_ =	sdelay $0x1  }
0x9b: {  	s6 =	simm.s32 $_scs_section_size  }
0x9c: {  	s7 =	simm.s32 $_size__tile_overlayer_lowered;
	s8 =	simm.s32 $_tile_overlayer_lowered  }
0x9d: {  	s23 =	simm.s32 $0x1BFF;
	s22 =	sshll.u32 s8, $0x1;
	s5 =	sadd.s32 s6, s20  }
0x9e: {  	s9 =	simm.s32 $0x0;
	s21 =	sshll.u32 s7, $0x1;
	s7 =	sadd.s32 s22, s5  }
0x9f: {  	[timem:s9], [sflag:s23] =	dma.local [hbm:s7], s21  }
0xa0: {  	_ =	swait.ge [sflag:s23], s21  }
0xa1: {  	s6 =	ssub.s32 $0x0, s21;
	[sflag:s23] =	ssyncset.done $0x0  }
0xa2: {  	[sflag:s23] =	ssyncadd.s32 s6;
	_ =	sdelay $0x1  }
0xa3: {  	s24 =	simm.s32 $0x1B8B  }
0xa4: {  	_ =	swait.ge [sflag:s24], $0x1  }
0xa5: {  	[sflag:s24] =	ssyncset.done $0x0  }
0xa6: {  	s25 =	simm.s32 $0x1B8E;
	[sflag:s24] =	ssyncadd.s32 $0xFFFFFFFF  }
0xa7: {  	s26 =	simm.s32 $execute0_lowered;
	[smem:$0x3FD2] =	sst s25  }
0xa8: {  	s6 =	sshll.u32 s26, $0x1;
	_ =	strace $0x80000046;
	[dreg:$0x1] =	wrdreg $0xFFFFFFFF  }
0xa9: {  	s28 =	simm.s32 $_size_execute0_lowered;
	s5 =	sadd.s32 s5, s6;
	[dreg:$0x0] =	wrdreg $0x0  }
0xaa: {  	s6 =	sshll.u32 s28, $0x1;
	[dreg:$0x2] =	wrdreg s5  }
0xab: {  	[dreg:$0x3] =	wrdreg s6  }
0xac: {  	[dreg:$0x4] =	wrdreg $0xC0  }
0xad: {  	_ =	task [dreg:s9], $0x5FFFF  }
0xae: {  	[dreg:$0x1] =	wrdreg $0xFFFFFFFF  }
0xaf: {  	[dreg:$0x0] =	wrdreg $0x60  }
0xb0: {  	[dreg:$0x2] =	wrdreg s2  }
0xb1: {  	[dreg:$0x3] =	wrdreg s19  }
0xb2: {  	[dreg:$0x4] =	wrdreg s4  }
0xb3: {  	[dreg:$0x5] =	wrdreg $0x9  }
0xb4: {  	_ =	task.clear_ibuf [dreg:s9], $0x6FFFF;
	_ =	strace $0x90000046  }
0xb5: {  	s29 =	simm.s32 $0x9;
	_ =	strace $0x80000048  }
0xb6: {  	_ =	swait.ge [sflag:s29], $0x1  }
0xb7: {  	[sflag:s29] =	ssyncadd.s32 $0xFFFFFFFF  }
0xb8: {  	_ =	strace $0x90000048  }
0xb9: {  	_ =	sfence  }
0xba: {  	s30 =	sld [smem:$0x0];
	_ =	sdelay $0x2  }
0xbb: {  	s31 =	sshll.u32 s1, $0xD;
	s1 =	sshrl.u32 s1, $0x2  }
0xbc: {  	s3 =	sand.u32 $0x4000, s31;
	s1 =	sadd.s32 s1, s30  }
0xbd: {  	s0 =	sor.u32 s3, s0;
	s1 =	sshll.u32 s1, $0x11  }
0xbe: {  	s0 =	sor.u32 s1, s0  }
0xbf: {  	s0 =	sadd.s32 $0x8F2B, s0  }
0xc0: {  	[sflag:s0] =	ssyncadd.remote.s32 $0x1  }
0xc1: {  	_ =	sfence.sel $0xFFFF  }
0xc2: {  	[dreg:$0x0] =	wrdreg $0xFFFFFFFF;
	(pc) =	sbr.abs _section_cstart, $3  }
0xc3: {  	[dreg:$0x1] =	wrdreg $0xFFFFFFFF  }
0xc4: {  	_ =	task.clear_ibuf [dreg:s9], $0x2FFFF;
	_ =	strace $0x9FFFFFFF  }
0xc5: {  	(tm) =	ssettm $0x7FFFFFFF  }
tec
execute0_lowered:
.L_overlay_start_1:
0x0: {  	(tag) =	ssettag $0x1  }
0x1: {  	s1 =	rddreg [dreg:$0x0]  }
0x2: {  	s6 =	rddreg [dreg:$0x1]  }
0x3: {  	s0 =	srdreg.scid;
	s4 =	rddreg [dreg:$0x2];
	s5 =	simm.s32 $0x0  }
0x4: {  	s2 =	stileid.u32;
	[smem:$0x7FF] =	sst s5;
	s9 =	sadd.s32 $0x100000, s1  }
0x5: {  	s11 =	sadd.s32 $0x200000, s1;
	_ =	strace $0x80000047;
	[dreg:$0x7] =	wrdreg s9  }
0x6: {  	s0 =	sand.u32 $0x1, s0;
	s12 =	sadd.s32 $0x300000, s1;
	[dreg:$0xa] =	wrdreg s11  }
0x7: {  	s2 =	sshll.u32 s2, $0x9;
	s23 =	sadd.s32 $0x100000, s4;
	[dreg:$0xc] =	wrdreg s12  }
0x8: {  	s24 =	sadd.s32 $0x200000, s4;
	s3 =	sshll.u32 s0, $0x8;
	[dreg:$0x17] =	wrdreg s23  }
0x9: {  	s25 =	sadd.s32 $0x300000, s4;
	[dreg:$0x18] =	wrdreg s24;
	s2 =	sor.u32 s3, s2  }
0xa: {  	[dreg:$0x19] =	wrdreg s25;
	s7 =	sshll.u32 s2, $0x7  }
0xb: {  	s0 =	ssub.s32 $0x2, s0;
	s6 =	sadd.s32 s6, s7;
	[dreg:$0x4] =	wrdreg s7  }
0xc: {  	s30 =	sshrl.u32 s0, $0x1;
	s10 =	sadd.s32 s1, s7;
	[dreg:$0x5] =	wrdreg s6  }
0xd: {  	s0 =	ssub.s32 s0, s30;
	s3 =	sadd.s32 s7, s9;
	[dreg:$0x8] =	wrdreg s10  }
0xe: {  	s16 =	sshrl.u32 s2, $0x3;
	s0 =	smax.u32 s0, $0x1;
	[dreg:$0x9] =	wrdreg s3  }
0xf: {  	s26 =	sor.u32 $0x3, s16;
	[dreg:$0x16] =	wrdreg s0  }
0x10: {  	s30 =	sor.u32 $0x400, s7;
	[dreg:$0x1a] =	wrdreg s26  }
0x11: {  	s29 =	simm.s32 $0xC000;
	s8 =	sadd.s32 $0x400, s6;
	[dreg:$0x1b] =	wrdreg s30  }
0x12: {  	s28 =	simm.s32 $0xE000;
	s3 =	sadd.s32 s7, s11;
	[dreg:$0x6] =	wrdreg s8  }
0x13: {  	s13 =	sadd.s32 s7, s4;
	s6 =	sadd.s32 s7, s12;
	[dreg:$0xb] =	wrdreg s3  }
0x14: {  	s31 =	simm.s32 $0x10000;
	s14 =	sadd.s32 $0x107800, s13;
	[dreg:$0xd] =	wrdreg s6  }
0x15: {  	s24 =	simm.s32 $0x2;
	s15 =	sadd.s32 $0x7800, s13;
	[dreg:$0xe] =	wrdreg s14  }
0x16: {  	s25 =	simm.s32 $0x7;
	s17 =	sadd.s32 $0x207800, s13;
	[dreg:$0xf] =	wrdreg s15  }
0x17: {  	s9 =	simm.s32 $0x0;
	s18 =	sadd.s32 $0x307800, s13;
	[dreg:$0x10] =	wrdreg s17  }
0x18: {  	s19 =	sadd.s32 $0x7C00, s13;
	s20 =	sadd.s32 $0x107C00, s13;
	[dreg:$0x11] =	wrdreg s18  }
.Ltmp0:
0x19: {  	s21 =	sadd.s32 $0x207C00, s13;
	[dreg:$0x12] =	wrdreg s19;
	(pc) =	sbr.rel .LBB2_1-.Ltmp0, $4  }
0x1a: {  	s22 =	sadd.s32 $0x307C00, s13;
	s7 =	simm.s32 $0x8;
	[dreg:$0x13] =	wrdreg s20  }
0x1b: {  	s0 =	simm.s32 $0x9;
	s10 =	simm.s32 $0xE;
	[dreg:$0x14] =	wrdreg s21  }
0x1c: {  	[dreg:$0x15] =	wrdreg s22;
	s3 =	simm.s32 $0x2000;
	s18 =	simm.s32 $0xA000  }
0x1d: {  	s20 =	simm.s32 $0x5;
	s22 =	simm.s32 $0x6;
	s8 =	simm.s32 $0xA  }
.LBB2_20:
0x1e: {  	s2 =	simm.s32 $0xB  }
0x1f: {  	_ =	swait.ge [sflag:s2], $0x2000  }
0x20: {  	[sflag:s2] =	ssyncset.done $0x0  }
0x21: {  	s3 =	simm.s32 $0xC;
	[sflag:s2] =	ssyncadd.s32 $0xFFFFE000  }
0x22: {  	_ =	swait.ge [sflag:s3], $0x2000  }
0x23: {  	[sflag:s3] =	ssyncset.done $0x0  }
0x24: {  	s6 =	simm.s32 $0xD;
	[sflag:s3] =	ssyncadd.s32 $0xFFFFE000  }
0x25: {  	_ =	swait.ge [sflag:s6], $0x2000  }
0x26: {  	[sflag:s6] =	ssyncset.done $0x0  }
0x27: {  	[sflag:s6] =	ssyncadd.s32 $0xFFFFE000  }
0x28: {  	_ =	swait.ge [sflag:s10], $0x2000  }
0x29: {  	[sflag:s10] =	ssyncset.done $0x0  }
0x2a: {  	s9 =	simm.s32 $0xF;
	[sflag:s10] =	ssyncadd.s32 $0xFFFFE000  }
0x2b: {  	_ =	swait.ge [sflag:s9], $0x2000  }
0x2c: {  	[sflag:s9] =	ssyncset.done $0x0  }
0x2d: {  	s11 =	simm.s32 $0x10;
	[sflag:s9] =	ssyncadd.s32 $0xFFFFE000  }
0x2e: {  	_ =	swait.ge [sflag:s11], $0x2000  }
0x2f: {  	[sflag:s11] =	ssyncset.done $0x0  }
0x30: {  	s12 =	simm.s32 $0x11;
	[sflag:s11] =	ssyncadd.s32 $0xFFFFE000  }
0x31: {  	_ =	swait.ge [sflag:s12], $0x2000  }
0x32: {  	[sflag:s12] =	ssyncset.done $0x0  }
0x33: {  	s13 =	simm.s32 $0x12;
	[sflag:s12] =	ssyncadd.s32 $0xFFFFE000  }
0x34: {  	_ =	swait.ge [sflag:s13], $0x2000  }
0x35: {  	[sflag:s13] =	ssyncset.done $0x0  }
0x36: {  	s6 =	simm.s32 $0x13;
	s14 =	rddreg [dreg:$0xf];
	[sflag:s13] =	ssyncadd.s32 $0xFFFFE000  }
0x37: {  	[tilespmem:s5], [sflag:$0x13] =	stream.linear.gather [hbm4b:s14+s5], $0x2000, $0x38;
	[tilespmem:$0x14000] =	vst v63  }
0x38: {  	_ =	swait.ge [sflag:s6], $0x2000  }
0x39: {  	[sflag:s6] =	ssyncset.done $0x0  }
0x3a: {  	s3 =	simm.s32 $0x2000;
	s15 =	rddreg [dreg:$0x12];
	[sflag:s6] =	ssyncadd.s32 $0xFFFFE000  }
0x3b: {  	[tilespmem:s3], [sflag:$0x13] =	stream.linear.gather [hbm4b:s15+s5], $0x2000, $0x38;
	[tilespmem:$0x14000] =	vst v63  }
0x3c: {  	_ =	swait.ge [sflag:s6], $0x2000  }
0x3d: {  	[sflag:s6] =	ssyncset.done $0x0  }
0x3e: {  	s17 =	rddreg [dreg:$0xe];
	[sflag:s6] =	ssyncadd.s32 $0xFFFFE000  }
0x3f: {  	[tilespmem:s5], [sflag:$0x13] =	stream.linear.gather [hbm4b:s17+s5], $0x2000, $0x38;
	[tilespmem:$0x14000] =	vst v63  }
0x40: {  	_ =	swait.ge [sflag:s6], $0x2000  }
0x41: {  	[sflag:s6] =	ssyncset.done $0x0  }
0x42: {  	s18 =	rddreg [dreg:$0x13];
	[sflag:s6] =	ssyncadd.s32 $0xFFFFE000  }
0x43: {  	[tilespmem:s3], [sflag:$0x13] =	stream.linear.gather [hbm4b:s18+s5], $0x2000, $0x38;
	[tilespmem:$0x14000] =	vst v63  }
0x44: {  	_ =	swait.ge [sflag:s6], $0x2000  }
0x45: {  	[sflag:s6] =	ssyncset.done $0x0  }
0x46: {  	s19 =	rddreg [dreg:$0x10];
	[sflag:s6] =	ssyncadd.s32 $0xFFFFE000  }
0x47: {  	[tilespmem:s5], [sflag:$0x13] =	stream.linear.gather [hbm4b:s19+s5], $0x2000, $0x38;
	[tilespmem:$0x14000] =	vst v63  }
0x48: {  	_ =	swait.ge [sflag:s6], $0x2000  }
0x49: {  	[sflag:s6] =	ssyncset.done $0x0  }
0x4a: {  	s21 =	rddreg [dreg:$0x14];
	[sflag:s6] =	ssyncadd.s32 $0xFFFFE000  }
0x4b: {  	[tilespmem:s3], [sflag:$0x13] =	stream.linear.gather [hbm4b:s21+s5], $0x2000, $0x38;
	[tilespmem:$0x14000] =	vst v63  }
0x4c: {  	_ =	swait.ge [sflag:s6], $0x2000  }
0x4d: {  	[sflag:s6] =	ssyncset.done $0x0  }
0x4e: {  	s23 =	rddreg [dreg:$0x11];
	[sflag:s6] =	ssyncadd.s32 $0xFFFFE000  }
0x4f: {  	[tilespmem:s5], [sflag:$0x13] =	stream.linear.gather [hbm4b:s23+s5], $0x2000, $0x38;
	[tilespmem:$0x14000] =	vst v63  }
0x50: {  	_ =	swait.ge [sflag:s6], $0x2000  }
0x51: {  	[sflag:s6] =	ssyncset.done $0x0  }
0x52: {  	s26 =	rddreg [dreg:$0x15];
	[sflag:s6] =	ssyncadd.s32 $0xFFFFE000  }
0x53: {  	[tilespmem:s3], [sflag:$0x13] =	stream.linear.gather [hbm4b:s26+s5], $0x2000, $0x38;
	[tilespmem:$0x14000] =	vst v63  }
0x54: {  	_ =	swait.ge [sflag:s6], $0x2000  }
0x55: {  	s9 =	rddreg [dreg:$0x1c]  }
0x56: {  	s30 =	rddreg [dreg:$0x16];
	s9 =	sadd.s32 $0x1, s9  }
0x57: {  	p0 =	sne.s32 s9, s30  }
.Ltmp1:
0x58: {  	_ = 	snop;
	(pc) =	sbr.rel @!p0 .LBB2_21-.Ltmp1, $3  }
0x59: {  	_ =	sdelay $0x1  }
0x5a: {  	[sflag:s6] =	ssyncset.done $0x0  }
0x5b: {  	s18 =	simm.s32 $0xA000;
	[sflag:s6] =	ssyncadd.s32 $0xFFFFE000  }
.LBB2_1:
0x5c: {  	[dreg:$0x1c] =	wrdreg s9  }
0x5d: {  	s2 =	rddreg [dreg:$0x5]  }
0x5e: {  	[tilespmem:s5], [sflag:$0x1] =	stream.linear.gather [hbm4b:s2+s5], $0x2000, $0x38;
	[tilespmem:$0x14000] =	vst v63  }
0x5f: {  	s14 =	rddreg [dreg:$0x6]  }
0x60: {  	[tilespmem:s3], [sflag:$0x2] =	stream.linear.gather [hbm4b:s14+s5], $0x2000, $0x38;
	[tilespmem:$0x14000] =	vst v63  }
0x61: {  	s15 =	rddreg [dreg:$0x8];
	s17 =	simm.s32 $0x4000  }
0x62: {  	[tilespmem:s17], [sflag:$0x3] =	stream.linear.gather [hbm4b:s15+s5], $0x2000, $0x38;
	[tilespmem:$0x14000] =	vst v63  }
0x63: {  	s19 =	rddreg [dreg:$0x9];
	s21 =	simm.s32 $0x6000  }
0x64: {  	[tilespmem:s21], [sflag:$0x4] =	stream.linear.gather [hbm4b:s19+s5], $0x2000, $0x38;
	[tilespmem:$0x14000] =	vst v63  }
0x65: {  	s23 =	rddreg [dreg:$0xb];
	s26 =	simm.s32 $0x8000  }
0x66: {  	[tilespmem:s26], [sflag:$0x5] =	stream.linear.gather [hbm4b:s23+s5], $0x2000, $0x38;
	[tilespmem:$0x14000] =	vst v63  }
0x67: {  	s30 =	rddreg [dreg:$0xd];
	s2 =	simm.s32 $0x0  }
0x68: {  	[tilespmem:s18], [sflag:$0x6] =	stream.linear.gather [hbm4b:s30+s5], $0x2000, $0x38;
	[tilespmem:$0x14000] =	vst v63  }
.LBB2_2:
0x69: {  	s3 =	simm.s32 $0x1  }
0x6a: {  	_ =	swait.ge [sflag:s3], $0x2000  }
0x6b: {  	[sflag:s3] =	ssyncset.done $0x0  }
0x6c: {  	s21 =	simm.s32 $0x0;
	s11 =	simm.s32 $0x3;
	[sflag:s3] =	ssyncadd.s32 $0xFFFFE000  }
0x6d: {  	s6 =	sand.u32 $0x40, s21;
	s9 =	sand.u32 $0x1C00, s21;
	_ =	swait.ge [sflag:s11], $0x2000  }
0x6e: {  	s6 =	sor.u32 s6, s9;
	s3 =	sand.u32 $0x380, s21;
	[sflag:s11] =	ssyncset.done $0x0  }
0x6f: {  	s3 =	sor.u32 s3, s6;
	[sflag:s11] =	ssyncadd.s32 $0xFFFFE000  }
0x70: {  	v0 =	vld [tilespmem:s3+$0x0];
	_ =	sdelay $0x3  }
0x71: {  	s23 =	simm.s32 $0x40;
	s30 =	simm.s32 $0x200;
	s26 =	sor.u32 $0x4000, s3  }
0x72: {  	s12 =	simm.s32 $0x8;
	s6 =	sand.u32 $0x40, s23;
	s11 =	sand.u32 $0x1C00, s30;
	[tilespmem:s26+$0x0] =	vst.add.f32.msk $0xffff, v0  }
0x73: {  	s13 =	sand.u32 $0x380, s12;
	s6 =	sor.u32 s6, s11;
	v0 =	vld [tilespmem:s3+$0x10]  }
0x74: {  	s6 =	sor.u32 s13, s6  }
0x75: {  	v1 =	vld [tilespmem:s6+$0x0];
	_ =	sdelay $0x1  }
0x76: {  	s14 =	sor.u32 $0x4010, s3  }
0x77: {  	[tilespmem:s14+$0x0] =	vst.add.f32.msk $0xffff, v0  }
0x78: {  	s15 =	simm.s32 $0x80;
	s19 =	simm.s32 $0x400;
	s17 =	sor.u32 $0x4000, s6;
	v0 =	vld [tilespmem:s3+$0x20]  }
0x79: {  	s12 =	sand.u32 $0x1C00, s19;
	s9 =	sand.u32 $0x40, s15;
	s13 =	simm.s32 $0x10;
	[tilespmem:s17+$0x0] =	vst.add.f32.msk $0xffff, v1  }
0x7a: {  	s9 =	sor.u32 s9, s12;
	s21 =	sand.u32 $0x380, s13;
	v1 =	vld [tilespmem:s6+$0x10]  }
0x7b: {  	s9 =	sor.u32 s21, s9  }
0x7c: {  	s23 =	sor.u32 $0x4020, s3;
	v2 =	vld [tilespmem:s9+$0x0]  }
0x7d: {  	[tilespmem:s23+$0x0] =	vst.add.f32.msk $0xffff, v0  }
0x7e: {  	s26 =	sor.u32 $0x4010, s6;
	v0 =	vld [tilespmem:s3+$0x30]  }
0x7f: {  	s12 =	simm.s32 $0x600;
	s11 =	simm.s32 $0xC0;
	[tilespmem:s26+$0x0] =	vst.add.f32.msk $0xffff, v1  }
0x80: {  	s30 =	simm.s32 $0x18;
	s19 =	sand.u32 $0x40, s11;
	s15 =	sor.u32 $0x4000, s9;
	v1 =	vld [tilespmem:s6+$0x20]  }
0x81: {  	s13 =	sand.u32 $0x1C00, s12;
	s17 =	sand.u32 $0x380, s30;
	[tilespmem:s15+$0x0] =	vst.add.f32.msk $0xffff, v2;
	s14 =	simm.s32 $0x20  }
.LBB2_3:
0x82: {  	p0 =	sne.s32 s14, $0x3F8;
	s13 =	sor.u32 s19, s13;
	v2 =	vld [tilespmem:s9+$0x10];
	s3 =	sor.u32 $0x4030, s3  }
0x83: {  	[tilespmem:s3+$0x0] =	vst.add.f32.msk $0xffff, v0;
	s3 =	smov.u32 s6;
	s6 =	smov.u32 s9;
	s9 =	sor.u32 s17, s13  }
0x84: {  	v3 =	vld [tilespmem:s9+$0x0];
	s13 =	sor.u32 $0x4020, s3  }
.Ltmp2:
0x85: {  	[tilespmem:s13+$0x0] =	vst.add.f32.msk $0xffff, v1;
	(pc) =	sbr.rel @p0 .LBB2_3-.Ltmp2, $4  }
0x86: {  	s13 =	sor.u32 $0x4010, s6;
	v0 =	vld [tilespmem:s3+$0x30]  }
0x87: {  	s11 =	sadd.s32 $0x40, s11;
	[tilespmem:s13+$0x0] =	vst.add.f32.msk $0xffff, v2  }
0x88: {  	s12 =	sadd.s32 $0x200, s12;
	s17 =	sand.u32 $0x380, s14;
	s15 =	sor.u32 $0x4000, s9;
	v1 =	vld [tilespmem:s6+$0x20]  }
0x89: {  	s19 =	sand.u32 $0x40, s11;
	s14 =	sadd.s32 $0x8, s14;
	s13 =	sand.u32 $0x1C00, s12;
	[tilespmem:s15+$0x0] =	vst.add.f32.msk $0xffff, v3  }
0x8a: {  	s11 =	sor.u32 s19, s13  }
0x8b: {  	s11 =	sor.u32 s17, s11  }
0x8c: {  	v2 =	vld [tilespmem:s11+$0x0];
	_ =	sdelay $0x2  }
0x8d: {  	v3 =	vld [tilespmem:s9+$0x10]  }
0x8e: {  	s12 =	sor.u32 $0x4000, s11  }
0x8f: {  	[tilespmem:s12+$0x0] =	vst.add.f32.msk $0xffff, v2  }
0x90: {  	v2 =	vld [tilespmem:s11+$0x10]  }
0x91: {  	s23 =	sor.u32 $0x4010, s9  }
0x92: {  	[tilespmem:s23+$0x0] =	vst.add.f32.msk $0xffff, v3  }
0x93: {  	s30 =	sor.u32 $0x4020, s6;
	v3 =	vld [tilespmem:s9+$0x20]  }
0x94: {  	s26 =	sor.u32 $0x4010, s11;
	[tilespmem:s30+$0x0] =	vst.add.f32.msk $0xffff, v1  }
0x95: {  	[tilespmem:s26+$0x0] =	vst.add.f32.msk $0xffff, v2  }
0x96: {  	v2 =	vld [tilespmem:s11+$0x20]  }
0x97: {  	s13 =	sor.u32 $0x4020, s9;
	v1 =	vld [tilespmem:s6+$0x30]  }
0x98: {  	[tilespmem:s13+$0x0] =	vst.add.f32.msk $0xffff, v3  }
0x99: {  	s3 =	sor.u32 $0x4030, s3;
	v3 =	vld [tilespmem:s9+$0x30]  }
0x9a: {  	[tilespmem:s3+$0x0] =	vst.add.f32.msk $0xffff, v0;
	s14 =	sor.u32 $0x4020, s11  }
0x9b: {  	[tilespmem:s14+$0x0] =	vst.add.f32.msk $0xffff, v2  }
0x9c: {  	s15 =	sor.u32 $0x4030, s6;
	v2 =	vld [tilespmem:s11+$0x30]  }
0x9d: {  	s17 =	sor.u32 $0x4030, s9;
	[tilespmem:s15+$0x0] =	vst.add.f32.msk $0xffff, v1  }
0x9e: {  	[tilespmem:s17+$0x0] =	vst.add.f32.msk $0xffff, v3  }
0x9f: {  	s19 =	sshll.u32 s2, $0xB;
	s23 =	rddreg [dreg:$0x4]  }
0xa0: {  	p0 =	seq.s32 s2, $0x0;
	s21 =	sor.u32 $0x4030, s11;
	s14 =	sadd.s32 s23, s19  }
0xa1: {  	s3 =	simm.s32 @!p0 $0xF;
	s30 =	simm.s32 $0x4000;
	s26 =	sadd.s32 s4, s14;
	[tilespmem:s21+$0x0] =	vst.add.f32.msk $0xffff, v2  }
0xa2: {  	[hbm4b:s26+s5] =	stream.linear.scatter [tilespmem:s30], [sflag:$0xB], $0x2000, $0x38;
	[tilespmem:$0x14000] =	vst v63  }
0xa3: {  	_ =	swait.ge @!p0 [sflag:s3], $0x2000  }
0xa4: {  	s11 =	rddreg [dreg:$0x1b]  }
0xa5: {  	s15 =	simm.s32 $0x4;
	[sflag:s3] =	ssyncset.done @!p0 $0x0;
	s6 =	sadd.s32 s11, s19  }
0xa6: {  	s13 =	simm.s32 $0x0;
	[sflag:s3] =	ssyncadd.s32 @!p0 $0xFFFFE000;
	s12 =	sadd.s32 s1, s6  }
0xa7: {  	[tilespmem:s29], [sflag:$0x7] =	stream.linear.gather [hbm4b:s12+s13], $0x2000, $0x38;
	[tilespmem:$0x14000] =	vst v63  }
0xa8: {  	s17 =	sand.u32 $0x40, s13;
	s19 =	sand.u32 $0x1C00, s13;
	_ =	swait.ge [sflag:s15], $0x2000  }
0xa9: {  	s9 =	sand.u32 $0x380, s13;
	s3 =	sor.u32 s17, s19;
	[sflag:s15] =	ssyncset.done $0x0  }
0xaa: {  	s9 =	sor.u32 s9, s3;
	[sflag:s15] =	ssyncadd.s32 $0xFFFFE000  }
0xab: {  	v0 =	vld [tilespmem:s9+$0x0];
	_ =	sdelay $0x3  }
0xac: {  	s21 =	simm.s32 $0x40;
	s26 =	simm.s32 $0x200;
	s23 =	sor.u32 $0x6000, s9  }
0xad: {  	s29 =	simm.s32 $0x8;
	s3 =	sand.u32 $0x40, s21;
	s12 =	sand.u32 $0x1C00, s26;
	[tilespmem:s23+$0x0] =	vst.add.f32.msk $0xffff, v0  }
0xae: {  	s30 =	sand.u32 $0x380, s29;
	s3 =	sor.u32 s3, s12;
	v0 =	vld [tilespmem:s9+$0x10]  }
0xaf: {  	s12 =	sor.u32 s30, s3  }
0xb0: {  	v1 =	vld [tilespmem:s12+$0x0];
	_ =	sdelay $0x1  }
0xb1: {  	s11 =	sor.u32 $0x6010, s9  }
0xb2: {  	[tilespmem:s11+$0x0] =	vst.add.f32.msk $0xffff, v0  }
0xb3: {  	s17 =	simm.s32 $0x400;
	s13 =	simm.s32 $0x80;
	s11 =	sor.u32 $0x6000, s12;
	v0 =	vld [tilespmem:s9+$0x20]  }
0xb4: {  	s3 =	sand.u32 $0x40, s13;
	s13 =	sand.u32 $0x1C00, s17;
	s15 =	simm.s32 $0x10;
	[tilespmem:s11+$0x0] =	vst.add.f32.msk $0xffff, v1  }
0xb5: {  	s3 =	sor.u32 s3, s13;
	s19 =	sand.u32 $0x380, s15;
	v1 =	vld [tilespmem:s12+$0x10]  }
0xb6: {  	s26 =	sor.u32 s19, s3  }
0xb7: {  	s21 =	sor.u32 $0x6020, s9;
	v2 =	vld [tilespmem:s26+$0x0]  }
0xb8: {  	[tilespmem:s21+$0x0] =	vst.add.f32.msk $0xffff, v0  }
0xb9: {  	s17 =	simm.s32 $0x600;
	s23 =	sor.u32 $0x6010, s12;
	v0 =	vld [tilespmem:s9+$0x30]  }
0xba: {  	s29 =	simm.s32 $0x18;
	s13 =	sand.u32 $0x1C00, s17;
	[tilespmem:s23+$0x0] =	vst.add.f32.msk $0xffff, v1  }
0xbb: {  	s3 =	sshll.u32 s2, $0x1;
	s30 =	sor.u32 $0x6000, s26;
	s11 =	simm.s32 $0xC0;
	v1 =	vld [tilespmem:s12+$0x20]  }
0xbc: {  	s19 =	simm.s32 $0x20;
	[tilespmem:s30+$0x0] =	vst.add.f32.msk $0xffff, v2;
	s21 =	sand.u32 $0x380, s29;
	s23 =	sand.u32 $0x40, s11  }
.LBB2_5:
0xbd: {  	p1 =	sne.s32 s19, $0x3F8;
	s13 =	sor.u32 s23, s13;
	v2 =	vld [tilespmem:s26+$0x10];
	s9 =	sor.u32 $0x6030, s9  }
0xbe: {  	[tilespmem:s9+$0x0] =	vst.add.f32.msk $0xffff, v0;
	s9 =	smov.u32 s12;
	s12 =	smov.u32 s26;
	s26 =	sor.u32 s21, s13  }
0xbf: {  	v3 =	vld [tilespmem:s26+$0x0];
	s13 =	sor.u32 $0x6020, s9  }
.Ltmp3:
0xc0: {  	[tilespmem:s13+$0x0] =	vst.add.f32.msk $0xffff, v1;
	(pc) =	sbr.rel @p1 .LBB2_5-.Ltmp3, $4  }
0xc1: {  	s13 =	sor.u32 $0x6010, s12;
	v0 =	vld [tilespmem:s9+$0x30]  }
0xc2: {  	s11 =	sadd.s32 $0x40, s11;
	[tilespmem:s13+$0x0] =	vst.add.f32.msk $0xffff, v2  }
0xc3: {  	s17 =	sadd.s32 $0x200, s17;
	s21 =	sand.u32 $0x380, s19;
	s15 =	sor.u32 $0x6000, s26;
	v1 =	vld [tilespmem:s12+$0x20]  }
0xc4: {  	s23 =	sand.u32 $0x40, s11;
	s19 =	sadd.s32 $0x8, s19;
	s13 =	sand.u32 $0x1C00, s17;
	[tilespmem:s15+$0x0] =	vst.add.f32.msk $0xffff, v3  }
0xc5: {  	s11 =	sor.u32 s23, s13  }
0xc6: {  	s11 =	sor.u32 s21, s11  }
0xc7: {  	v2 =	vld [tilespmem:s11+$0x0];
	_ =	sdelay $0x3  }
0xc8: {  	v3 =	vld [tilespmem:s26+$0x10];
	s17 =	sor.u32 $0x6000, s11  }
0xc9: {  	[tilespmem:s17+$0x0] =	vst.add.f32.msk $0xffff, v2  }
0xca: {  	v2 =	vld [tilespmem:s11+$0x10];
	_ =	sdelay $0x1  }
0xcb: {  	s19 =	sor.u32 $0x6010, s26  }
0xcc: {  	[tilespmem:s19+$0x0] =	vst.add.f32.msk $0xffff, v3  }
0xcd: {  	s21 =	sor.u32 $0x6010, s11;
	v3 =	vld [tilespmem:s26+$0x20]  }
0xce: {  	[tilespmem:s21+$0x0] =	vst.add.f32.msk $0xffff, v2  }
0xcf: {  	s23 =	sor.u32 $0x6020, s12;
	v2 =	vld [tilespmem:s11+$0x20]  }
0xd0: {  	[tilespmem:s23+$0x0] =	vst.add.f32.msk $0xffff, v1  }
0xd1: {  	s29 =	sor.u32 $0x6020, s26;
	v1 =	vld [tilespmem:s12+$0x30]  }
0xd2: {  	[tilespmem:s29+$0x0] =	vst.add.f32.msk $0xffff, v3  }
0xd3: {  	s30 =	sor.u32 $0x6020, s11;
	v3 =	vld [tilespmem:s26+$0x30]  }
0xd4: {  	[tilespmem:s30+$0x0] =	vst.add.f32.msk $0xffff, v2  }
0xd5: {  	v2 =	vld [tilespmem:s11+$0x30]  }
0xd6: {  	s9 =	sor.u32 $0x6030, s9  }
0xd7: {  	[tilespmem:s9+$0x0] =	vst.add.f32.msk $0xffff, v0;
	s12 =	sor.u32 $0x6030, s12  }
0xd8: {  	s13 =	sor.u32 $0x6030, s26;
	[tilespmem:s12+$0x0] =	vst.add.f32.msk $0xffff, v1  }
0xd9: {  	s15 =	sor.u32 $0x6030, s11;
	[tilespmem:s13+$0x0] =	vst.add.f32.msk $0xffff, v3  }
0xda: {  	[tilespmem:s15+$0x0] =	vst.add.f32.msk $0xffff, v2  }
0xdb: {  	s9 =	rddreg [dreg:$0x17]  }
0xdc: {  	s17 =	simm.s32 $0x6000;
	s9 =	sadd.s32 s14, s9  }
0xdd: {  	[hbm4b:s9+s5] =	stream.linear.scatter [tilespmem:s17], [sflag:$0xC], $0x2000, $0x38;
	[tilespmem:$0x14000] =	vst v63  }
0xde: {  	s9 =	simm.s32 @!p0 $0x10  }
0xdf: {  	_ =	swait.ge @!p0 [sflag:s9], $0x2000  }
0xe0: {  	s12 =	sor.u32 $0x100000, s6;
	[sflag:s9] =	ssyncset.done @!p0 $0x0  }
0xe1: {  	s19 =	sadd.s32 s1, s12;
	s21 =	simm.s32 $0x0;
	[sflag:s9] =	ssyncadd.s32 @!p0 $0xFFFFE000  }
0xe2: {  	[tilespmem:s28], [sflag:$0x8] =	stream.linear.gather [hbm4b:s19+s21], $0x2000, $0x38;
	[tilespmem:$0x14000] =	vst v63  }
0xe3: {  	s23 =	sand.u32 $0x40, s21;
	s26 =	sand.u32 $0x1C00, s21;
	_ =	swait.ge [sflag:s20], $0x2000  }
0xe4: {  	s11 =	sand.u32 $0x380, s21;
	s9 =	sor.u32 s23, s26;
	[sflag:s20] =	ssyncset.done $0x0  }
0xe5: {  	s9 =	sor.u32 s11, s9;
	[sflag:s20] =	ssyncadd.s32 $0xFFFFE000  }
0xe6: {  	v0 =	vld [tilespmem:s9+$0x0];
	_ =	sdelay $0x3  }
0xe7: {  	s29 =	simm.s32 $0x40;
	s15 =	simm.s32 $0x200;
	s30 =	sor.u32 $0x8000, s9  }
0xe8: {  	s15 =	sand.u32 $0x1C00, s15;
	s17 =	simm.s32 $0x8;
	s11 =	sand.u32 $0x40, s29;
	[tilespmem:s30+$0x0] =	vst.add.f32.msk $0xffff, v0  }
0xe9: {  	s19 =	sand.u32 $0x380, s17;
	s11 =	sor.u32 s11, s15;
	v0 =	vld [tilespmem:s9+$0x10]  }
0xea: {  	s26 =	sor.u32 s19, s11  }
0xeb: {  	v1 =	vld [tilespmem:s26+$0x0];
	_ =	sdelay $0x1  }
0xec: {  	s21 =	sor.u32 $0x8010, s9  }
0xed: {  	[tilespmem:s21+$0x0] =	vst.add.f32.msk $0xffff, v0  }
0xee: {  	s23 =	simm.s32 $0x80;
	s29 =	simm.s32 $0x400;
	s13 =	sor.u32 $0x8000, s26;
	v0 =	vld [tilespmem:s9+$0x20]  }
0xef: {  	s15 =	sand.u32 $0x1C00, s29;
	s11 =	sand.u32 $0x40, s23;
	s30 =	simm.s32 $0x10;
	[tilespmem:s13+$0x0] =	vst.add.f32.msk $0xffff, v1  }
0xf0: {  	s11 =	sor.u32 s11, s15;
	s19 =	sand.u32 $0x380, s30;
	v1 =	vld [tilespmem:s26+$0x10]  }
0xf1: {  	s28 =	sor.u32 s19, s11  }
0xf2: {  	v2 =	vld [tilespmem:s28+$0x0];
	s21 =	sor.u32 $0x8020, s9  }
0xf3: {  	[tilespmem:s21+$0x0] =	vst.add.f32.msk $0xffff, v0  }
0xf4: {  	s23 =	sor.u32 $0x8010, s26;
	v0 =	vld [tilespmem:s9+$0x30]  }
0xf5: {  	s17 =	simm.s32 $0x600;
	s29 =	simm.s32 $0x18;
	[tilespmem:s23+$0x0] =	vst.add.f32.msk $0xffff, v1  }
0xf6: {  	s13 =	sand.u32 $0x1C00, s17;
	s11 =	simm.s32 $0xC0;
	s30 =	sor.u32 $0x8000, s28;
	v1 =	vld [tilespmem:s26+$0x20]  }
0xf7: {  	s19 =	simm.s32 $0x20;
	s23 =	sand.u32 $0x40, s11;
	[tilespmem:s30+$0x0] =	vst.add.f32.msk $0xffff, v2;
	s21 =	sand.u32 $0x380, s29  }
.LBB2_7:
0xf8: {  	p1 =	sne.s32 s19, $0x3F8;
	s13 =	sor.u32 s23, s13;
	v2 =	vld [tilespmem:s28+$0x10];
	s9 =	sor.u32 $0x8030, s9  }
0xf9: {  	[tilespmem:s9+$0x0] =	vst.add.f32.msk $0xffff, v0;
	s9 =	smov.u32 s26;
	s26 =	smov.u32 s28;
	s28 =	sor.u32 s21, s13  }
0xfa: {  	v3 =	vld [tilespmem:s28+$0x0];
	s13 =	sor.u32 $0x8020, s9  }
.Ltmp4:
0xfb: {  	[tilespmem:s13+$0x0] =	vst.add.f32.msk $0xffff, v1;
	(pc) =	sbr.rel @p1 .LBB2_7-.Ltmp4, $4  }
0xfc: {  	s13 =	sor.u32 $0x8010, s26;
	v0 =	vld [tilespmem:s9+$0x30]  }
0xfd: {  	s11 =	sadd.s32 $0x40, s11;
	[tilespmem:s13+$0x0] =	vst.add.f32.msk $0xffff, v2  }
0xfe: {  	s17 =	sadd.s32 $0x200, s17;
	s21 =	sand.u32 $0x380, s19;
	s15 =	sor.u32 $0x8000, s28;
	v1 =	vld [tilespmem:s26+$0x20]  }
0xff: {  	s23 =	sand.u32 $0x40, s11;
	s19 =	sadd.s32 $0x8, s19;
	s13 =	sand.u32 $0x1C00, s17;
	[tilespmem:s15+$0x0] =	vst.add.f32.msk $0xffff, v3  }
0x100: {  	s11 =	sor.u32 s23, s13  }
0x101: {  	s11 =	sor.u32 s21, s11  }
0x102: {  	v2 =	vld [tilespmem:s11+$0x0];
	_ =	sdelay $0x3  }
0x103: {  	v3 =	vld [tilespmem:s28+$0x10];
	s15 =	sor.u32 $0x8000, s11  }
0x104: {  	[tilespmem:s15+$0x0] =	vst.add.f32.msk $0xffff, v2  }
0x105: {  	v2 =	vld [tilespmem:s11+$0x10];
	_ =	sdelay $0x1  }
0x106: {  	s17 =	sor.u32 $0x8010, s28  }
0x107: {  	[tilespmem:s17+$0x0] =	vst.add.f32.msk $0xffff, v3  }
0x108: {  	s19 =	sor.u32 $0x8010, s11;
	v3 =	vld [tilespmem:s28+$0x20]  }
0x109: {  	[tilespmem:s19+$0x0] =	vst.add.f32.msk $0xffff, v2  }
0x10a: {  	s21 =	sor.u32 $0x8020, s26;
	v2 =	vld [tilespmem:s11+$0x20]  }
0x10b: {  	[tilespmem:s21+$0x0] =	vst.add.f32.msk $0xffff, v1  }
0x10c: {  	s23 =	sor.u32 $0x8020, s28;
	v1 =	vld [tilespmem:s26+$0x30]  }
0x10d: {  	[tilespmem:s23+$0x0] =	vst.add.f32.msk $0xffff, v3  }
0x10e: {  	s30 =	sor.u32 $0x8020, s11;
	v3 =	vld [tilespmem:s28+$0x30]  }
0x10f: {  	[tilespmem:s30+$0x0] =	vst.add.f32.msk $0xffff, v2  }
0x110: {  	v2 =	vld [tilespmem:s11+$0x30]  }
0x111: {  	s9 =	sor.u32 $0x8030, s9  }
0x112: {  	s13 =	sor.u32 $0x8030, s26;
	[tilespmem:s9+$0x0] =	vst.add.f32.msk $0xffff, v0  }
0x113: {  	s15 =	sor.u32 $0x8030, s28;
	[tilespmem:s13+$0x0] =	vst.add.f32.msk $0xffff, v1  }
0x114: {  	s17 =	sor.u32 $0x8030, s11;
	[tilespmem:s15+$0x0] =	vst.add.f32.msk $0xffff, v3  }
0x115: {  	[tilespmem:s17+$0x0] =	vst.add.f32.msk $0xffff, v2  }
0x116: {  	s9 =	rddreg [dreg:$0x18]  }
0x117: {  	s19 =	simm.s32 $0x8000;
	s11 =	simm.s32 @!p0 $0x11;
	s9 =	sadd.s32 s14, s9  }
0x118: {  	[hbm4b:s9+s5] =	stream.linear.scatter [tilespmem:s19], [sflag:$0xD], $0x2000, $0x38;
	[tilespmem:$0x14000] =	vst v63  }
0x119: {  	_ =	swait.ge @!p0 [sflag:s11], $0x2000  }
0x11a: {  	s9 =	sor.u32 $0x200000, s6;
	[sflag:s11] =	ssyncset.done @!p0 $0x0  }
0x11b: {  	s23 =	simm.s32 $0x0;
	s21 =	sadd.s32 s1, s9;
	[sflag:s11] =	ssyncadd.s32 @!p0 $0xFFFFE000  }
0x11c: {  	[tilespmem:s31], [sflag:$0x9] =	stream.linear.gather [hbm4b:s21+s23], $0x2000, $0x38;
	[tilespmem:$0x14000] =	vst v63  }
0x11d: {  	s26 =	sand.u32 $0x40, s23;
	s15 =	sand.u32 $0x1C00, s23;
	_ =	swait.ge [sflag:s22], $0x2000  }
0x11e: {  	s13 =	sand.u32 $0x380, s23;
	s11 =	sor.u32 s26, s15;
	[sflag:s22] =	ssyncset.done $0x0  }
0x11f: {  	s26 =	sor.u32 s13, s11;
	[sflag:s22] =	ssyncadd.s32 $0xFFFFE000  }
0x120: {  	v0 =	vld [tilespmem:s26+$0x0];
	_ =	sdelay $0x3  }
0x121: {  	s30 =	simm.s32 $0x40;
	s31 =	simm.s32 $0x200;
	s13 =	sor.u32 $0xA000, s26  }
0x122: {  	s17 =	simm.s32 $0x8;
	s11 =	sand.u32 $0x40, s30;
	s15 =	sand.u32 $0x1C00, s31;
	[tilespmem:s13+$0x0] =	vst.add.f32.msk $0xffff, v0  }
0x123: {  	s19 =	sand.u32 $0x380, s17;
	s11 =	sor.u32 s11, s15;
	v0 =	vld [tilespmem:s26+$0x10]  }
0x124: {  	s28 =	sor.u32 s19, s11  }
0x125: {  	v1 =	vld [tilespmem:s28+$0x0];
	_ =	sdelay $0x1  }
0x126: {  	s21 =	sor.u32 $0xA010, s26  }
0x127: {  	[tilespmem:s21+$0x0] =	vst.add.f32.msk $0xffff, v0  }
0x128: {  	s23 =	simm.s32 $0x80;
	s30 =	simm.s32 $0x400;
	s13 =	sor.u32 $0xA000, s28;
	v0 =	vld [tilespmem:s26+$0x20]  }
0x129: {  	s31 =	simm.s32 $0x10;
	s15 =	sand.u32 $0x1C00, s30;
	s11 =	sand.u32 $0x40, s23;
	[tilespmem:s13+$0x0] =	vst.add.f32.msk $0xffff, v1  }
0x12a: {  	s19 =	sand.u32 $0x380, s31;
	s11 =	sor.u32 s11, s15;
	v1 =	vld [tilespmem:s28+$0x10]  }
0x12b: {  	s29 =	sor.u32 s19, s11  }
0x12c: {  	v2 =	vld [tilespmem:s29+$0x0];
	s21 =	sor.u32 $0xA020, s26  }
0x12d: {  	[tilespmem:s21+$0x0] =	vst.add.f32.msk $0xffff, v0  }
0x12e: {  	s23 =	sor.u32 $0xA010, s28;
	v0 =	vld [tilespmem:s26+$0x30]  }
0x12f: {  	s17 =	simm.s32 $0x600;
	s30 =	simm.s32 $0x18;
	[tilespmem:s23+$0x0] =	vst.add.f32.msk $0xffff, v1  }
0x130: {  	s11 =	simm.s32 $0xC0;
	s19 =	simm.s32 $0x20;
	s31 =	sor.u32 $0xA000, s29;
	v1 =	vld [tilespmem:s28+$0x20]  }
0x131: {  	s13 =	sand.u32 $0x1C00, s17;
	[tilespmem:s31+$0x0] =	vst.add.f32.msk $0xffff, v2;
	s23 =	sand.u32 $0x40, s11;
	s21 =	sand.u32 $0x380, s30  }
.LBB2_9:
0x132: {  	p1 =	sne.s32 s19, $0x3F8;
	s13 =	sor.u32 s23, s13;
	v2 =	vld [tilespmem:s29+$0x10];
	s15 =	sor.u32 $0xA030, s26  }
0x133: {  	s26 =	smov.u32 s28;
	s28 =	smov.u32 s29;
	[tilespmem:s15+$0x0] =	vst.add.f32.msk $0xffff, v0;
	s29 =	sor.u32 s21, s13  }
0x134: {  	s13 =	sor.u32 $0xA020, s26;
	v3 =	vld [tilespmem:s29+$0x0]  }
.Ltmp5:
0x135: {  	[tilespmem:s13+$0x0] =	vst.add.f32.msk $0xffff, v1;
	(pc) =	sbr.rel @p1 .LBB2_9-.Ltmp5, $4  }
0x136: {  	s13 =	sor.u32 $0xA010, s28;
	v0 =	vld [tilespmem:s26+$0x30]  }
0x137: {  	s11 =	sadd.s32 $0x40, s11;
	[tilespmem:s13+$0x0] =	vst.add.f32.msk $0xffff, v2  }
0x138: {  	s17 =	sadd.s32 $0x200, s17;
	s21 =	sand.u32 $0x380, s19;
	s15 =	sor.u32 $0xA000, s29;
	v1 =	vld [tilespmem:s28+$0x20]  }
0x139: {  	s23 =	sand.u32 $0x40, s11;
	s19 =	sadd.s32 $0x8, s19;
	s13 =	sand.u32 $0x1C00, s17;
	[tilespmem:s15+$0x0] =	vst.add.f32.msk $0xffff, v3  }
0x13a: {  	s11 =	sor.u32 s23, s13  }
0x13b: {  	s11 =	sor.u32 s21, s11  }
0x13c: {  	v2 =	vld [tilespmem:s11+$0x0];
	_ =	sdelay $0x3  }
0x13d: {  	v3 =	vld [tilespmem:s29+$0x10];
	s19 =	sor.u32 $0xA000, s11  }
0x13e: {  	[tilespmem:s19+$0x0] =	vst.add.f32.msk $0xffff, v2  }
0x13f: {  	v2 =	vld [tilespmem:s11+$0x10];
	_ =	sdelay $0x1  }
0x140: {  	s21 =	sor.u32 $0xA010, s29  }
0x141: {  	[tilespmem:s21+$0x0] =	vst.add.f32.msk $0xffff, v3  }
0x142: {  	s23 =	sor.u32 $0xA010, s11;
	v3 =	vld [tilespmem:s29+$0x20]  }
0x143: {  	[tilespmem:s23+$0x0] =	vst.add.f32.msk $0xffff, v2  }
0x144: {  	s15 =	sor.u32 $0xA020, s28;
	v2 =	vld [tilespmem:s11+$0x20]  }
0x145: {  	[tilespmem:s15+$0x0] =	vst.add.f32.msk $0xffff, v1  }
0x146: {  	s17 =	sor.u32 $0xA020, s29;
	v1 =	vld [tilespmem:s28+$0x30]  }
0x147: {  	[tilespmem:s17+$0x0] =	vst.add.f32.msk $0xffff, v3  }
0x148: {  	s19 =	sor.u32 $0xA020, s11;
	v3 =	vld [tilespmem:s29+$0x30]  }
0x149: {  	[tilespmem:s19+$0x0] =	vst.add.f32.msk $0xffff, v2  }
0x14a: {  	v2 =	vld [tilespmem:s11+$0x30]  }
0x14b: {  	s21 =	sor.u32 $0xA030, s26  }
0x14c: {  	[tilespmem:s21+$0x0] =	vst.add.f32.msk $0xffff, v0;
	s23 =	sor.u32 $0xA030, s28  }
0x14d: {  	s26 =	sor.u32 $0xA030, s29;
	[tilespmem:s23+$0x0] =	vst.add.f32.msk $0xffff, v1  }
0x14e: {  	[tilespmem:s26+$0x0] =	vst.add.f32.msk $0xffff, v3;
	s11 =	sor.u32 $0xA030, s11  }
0x14f: {  	[tilespmem:s11+$0x0] =	vst.add.f32.msk $0xffff, v2  }
0x150: {  	s11 =	rddreg [dreg:$0x19]  }
0x151: {  	s11 =	sadd.s32 s14, s11  }
0x152: {  	[hbm4b:s11+s5] =	stream.linear.scatter [tilespmem:s18], [sflag:$0xE], $0x2000, $0x38;
	[tilespmem:$0x14000] =	vst v63  }
0x153: {  	s11 =	simm.s32 @!p0 $0x12  }
0x154: {  	s30 =	sor.u32 $0x300000, s6;
	_ =	swait.ge @!p0 [sflag:s11], $0x2000  }
0x155: {  	s15 =	sadd.s32 s1, s30;
	s17 =	simm.s32 $0x12000;
	[sflag:s11] =	ssyncset.done @!p0 $0x0  }
0x156: {  	s14 =	sadd.s32 $0x2, s3;
	[sflag:s11] =	ssyncadd.s32 @!p0 $0xFFFFE000;
	p0 =	seq.s32 s2, $0xF  }
0x157: {  	[tilespmem:s17], [sflag:$0xA] =	stream.linear.gather [hbm4b:s15+s5], $0x2000, $0x38;
	[tilespmem:$0x14000] =	vst v63  }
0x158: {  	s11 =	sadd.s32 @!p0 s16, s14  }
0x159: {  	s26 =	sshll.u32 @!p0 s11, $0xA  }
0x15a: {  	s11 =	rddreg [dreg:$0x1];
	s28 =	sand.u32 @!p0 $0x1FFFF800, s26  }
0x15b: {  	s13 =	simm.s32 @!p0 $0x0;
	s11 =	sadd.s32 @!p0 s11, s28  }
0x15c: {  	[tilespmem:s13], [sflag:$0x1] =	stream.linear.gather @!p0 [hbm4b:s11+s13], $0x2000, $0x38;
	[tilespmem:$0x14000] =	vst v63  }
0x15d: {  	_ =	swait.ge [sflag:s24], $0x2000  }
0x15e: {  	[sflag:s24] =	ssyncset.done $0x0  }
0x15f: {  	s18 =	simm.s32 $0x0;
	[sflag:s24] =	ssyncadd.s32 $0xFFFFE000  }
0x160: {  	s19 =	sand.u32 $0x40, s18;
	s15 =	sand.u32 $0x1C00, s18;
	_ =	swait.ge [sflag:s25], $0x2000  }
0x161: {  	s11 =	sand.u32 $0x380, s18;
	s13 =	sor.u32 s19, s15;
	[sflag:s25] =	ssyncset.done $0x0  }
0x162: {  	s29 =	sor.u32 s11, s13;
	[sflag:s25] =	ssyncadd.s32 $0xFFFFE000  }
0x163: {  	v0 =	vld [tilespmem:s29+$0x2000];
	_ =	sdelay $0x3  }
0x164: {  	s21 =	simm.s32 $0x40;
	s23 =	simm.s32 $0x200;
	s13 =	sor.u32 $0xC000, s29  }
0x165: {  	s17 =	simm.s32 $0x8;
	s15 =	sand.u32 $0x1C00, s23;
	s11 =	sand.u32 $0x40, s21;
	[tilespmem:s13+$0x0] =	vst.add.f32.msk $0xffff, v0  }
0x166: {  	s17 =	sand.u32 $0x380, s17;
	s11 =	sor.u32 s11, s15;
	v0 =	vld [tilespmem:s29+$0x2010]  }
0x167: {  	s31 =	sor.u32 s17, s11  }
0x168: {  	v1 =	vld [tilespmem:s31+$0x2000];
	_ =	sdelay $0x1  }
0x169: {  	s18 =	sor.u32 $0xC010, s29  }
0x16a: {  	[tilespmem:s18+$0x0] =	vst.add.f32.msk $0xffff, v0  }
0x16b: {  	s19 =	simm.s32 $0x80;
	s21 =	simm.s32 $0x400;
	s13 =	sor.u32 $0xC000, s31;
	v0 =	vld [tilespmem:s29+$0x2020]  }
0x16c: {  	s23 =	simm.s32 $0x10;
	s15 =	sand.u32 $0x1C00, s21;
	s11 =	sand.u32 $0x40, s19;
	[tilespmem:s13+$0x0] =	vst.add.f32.msk $0xffff, v1  }
0x16d: {  	s11 =	sor.u32 s11, s15;
	v1 =	vld [tilespmem:s31+$0x2010];
	s18 =	sand.u32 $0x380, s23  }
0x16e: {  	s11 =	sor.u32 s18, s11  }
0x16f: {  	s19 =	sor.u32 $0xC020, s29;
	v2 =	vld [tilespmem:s11+$0x2000]  }
0x170: {  	[tilespmem:s19+$0x0] =	vst.add.f32.msk $0xffff, v0  }
0x171: {  	s17 =	simm.s32 $0xC0;
	s21 =	sor.u32 $0xC010, s31;
	v0 =	vld [tilespmem:s29+$0x2030]  }
0x172: {  	s13 =	sand.u32 $0x40, s17;
	[tilespmem:s21+$0x0] =	vst.add.f32.msk $0xffff, v1  }
0x173: {  	s23 =	simm.s32 $0x18;
	s18 =	sor.u32 $0xC000, s11;
	v1 =	vld [tilespmem:s31+$0x2020];
	s19 =	simm.s32 $0x600  }
0x174: {  	s23 =	sand.u32 $0x380, s23;
	s21 =	simm.s32 $0x20;
	s15 =	sand.u32 $0x1C00, s19;
	[tilespmem:s18+$0x0] =	vst.add.f32.msk $0xffff, v2  }
.LBB2_11:
0x175: {  	p1 =	sne.s32 s21, $0x3F8;
	s13 =	sor.u32 s13, s15;
	v2 =	vld [tilespmem:s11+$0x2010];
	s15 =	sor.u32 $0xC030, s29  }
0x176: {  	s29 =	smov.u32 s31;
	s31 =	smov.u32 s11;
	[tilespmem:s15+$0x0] =	vst.add.f32.msk $0xffff, v0;
	s11 =	sor.u32 s23, s13  }
0x177: {  	s13 =	sor.u32 $0xC020, s29;
	v3 =	vld [tilespmem:s11+$0x2000]  }
.Ltmp6:
0x178: {  	[tilespmem:s13+$0x0] =	vst.add.f32.msk $0xffff, v1;
	(pc) =	sbr.rel @p1 .LBB2_11-.Ltmp6, $4  }
0x179: {  	s13 =	sor.u32 $0xC010, s31;
	v0 =	vld [tilespmem:s29+$0x2030]  }
0x17a: {  	s17 =	sadd.s32 $0x40, s17;
	[tilespmem:s13+$0x0] =	vst.add.f32.msk $0xffff, v2  }
0x17b: {  	s19 =	sadd.s32 $0x200, s19;
	s23 =	sand.u32 $0x380, s21;
	s18 =	sor.u32 $0xC000, s11;
	v1 =	vld [tilespmem:s31+$0x2020]  }
0x17c: {  	s15 =	sand.u32 $0x1C00, s19;
	s21 =	sadd.s32 $0x8, s21;
	s13 =	sand.u32 $0x40, s17;
	[tilespmem:s18+$0x0] =	vst.add.f32.msk $0xffff, v3  }
0x17d: {  	s13 =	sor.u32 s13, s15  }
0x17e: {  	s13 =	sor.u32 s23, s13  }
0x17f: {  	v2 =	vld [tilespmem:s13+$0x2000];
	_ =	sdelay $0x3  }
0x180: {  	v3 =	vld [tilespmem:s11+$0x2010];
	s19 =	sor.u32 $0xC000, s13  }
0x181: {  	[tilespmem:s19+$0x0] =	vst.add.f32.msk $0xffff, v2  }
0x182: {  	v2 =	vld [tilespmem:s13+$0x2010];
	_ =	sdelay $0x1  }
0x183: {  	s21 =	sor.u32 $0xC010, s11  }
0x184: {  	[tilespmem:s21+$0x0] =	vst.add.f32.msk $0xffff, v3  }
0x185: {  	s23 =	sor.u32 $0xC010, s13;
	v3 =	vld [tilespmem:s11+$0x2020]  }
0x186: {  	[tilespmem:s23+$0x0] =	vst.add.f32.msk $0xffff, v2  }
0x187: {  	s17 =	sor.u32 $0xC020, s31;
	v2 =	vld [tilespmem:s13+$0x2020]  }
0x188: {  	[tilespmem:s17+$0x0] =	vst.add.f32.msk $0xffff, v1  }
0x189: {  	s18 =	sor.u32 $0xC020, s11;
	v1 =	vld [tilespmem:s31+$0x2030]  }
0x18a: {  	[tilespmem:s18+$0x0] =	vst.add.f32.msk $0xffff, v3  }
0x18b: {  	s19 =	sor.u32 $0xC020, s13;
	v3 =	vld [tilespmem:s11+$0x2030]  }
0x18c: {  	[tilespmem:s19+$0x0] =	vst.add.f32.msk $0xffff, v2  }
0x18d: {  	v2 =	vld [tilespmem:s13+$0x2030]  }
0x18e: {  	s21 =	sor.u32 $0xC030, s29  }
0x18f: {  	[tilespmem:s21+$0x0] =	vst.add.f32.msk $0xffff, v0;
	s23 =	sor.u32 $0xC030, s31  }
0x190: {  	s31 =	sor.u32 $0xC030, s11;
	[tilespmem:s23+$0x0] =	vst.add.f32.msk $0xffff, v1  }
0x191: {  	[tilespmem:s31+$0x0] =	vst.add.f32.msk $0xffff, v3;
	s13 =	sor.u32 $0xC030, s13  }
0x192: {  	s6 =	sadd.s32 s4, s6;
	s29 =	simm.s32 $0xC000;
	[tilespmem:s13+$0x0] =	vst.add.f32.msk $0xffff, v2  }
0x193: {  	[hbm4b:s6+s5] =	stream.linear.scatter [tilespmem:s29], [sflag:$0xF], $0x2000, $0x38;
	[tilespmem:$0x14000] =	vst v63  }
0x194: {  	s6 =	simm.s32 @!p0 $0xB  }
0x195: {  	_ =	swait.ge @!p0 [sflag:s6], $0x2000  }
0x196: {  	s15 =	simm.s32 $0x0;
	s11 =	simm.s32 @!p0 $0x0;
	[sflag:s6] =	ssyncset.done @!p0 $0x0  }
0x197: {  	s13 =	simm.s32 @!p0 $0x4000;
	[sflag:s6] =	ssyncadd.s32 @!p0 $0xFFFFE000;
	s6 =	sadd.s32 @!p0 s1, s28  }
0x198: {  	[tilespmem:s13], [sflag:$0x3] =	stream.linear.gather @!p0 [hbm4b:s6+s11], $0x2000, $0x38;
	[tilespmem:$0x14000] =	vst v63  }
0x199: {  	s17 =	sand.u32 $0x40, s15;
	s18 =	sand.u32 $0x1C00, s15;
	_ =	swait.ge [sflag:s7], $0x2000  }
0x19a: {  	s6 =	sand.u32 $0x380, s15;
	s11 =	sor.u32 s17, s18;
	[sflag:s7] =	ssyncset.done $0x0  }
0x19b: {  	s6 =	sor.u32 s6, s11;
	[sflag:s7] =	ssyncadd.s32 $0xFFFFE000  }
0x19c: {  	v0 =	vld [tilespmem:s6+$0x2000];
	_ =	sdelay $0x3  }
0x19d: {  	s23 =	simm.s32 $0x200;
	s19 =	simm.s32 $0x40;
	s21 =	sor.u32 $0xE000, s6  }
0x19e: {  	s17 =	simm.s32 $0x8;
	s15 =	sand.u32 $0x1C00, s23;
	s11 =	sand.u32 $0x40, s19;
	[tilespmem:s21+$0x0] =	vst.add.f32.msk $0xffff, v0  }
0x19f: {  	s31 =	sand.u32 $0x380, s17;
	s11 =	sor.u32 s11, s15;
	v0 =	vld [tilespmem:s6+$0x2010]  }
0x1a0: {  	s28 =	sor.u32 s31, s11  }
0x1a1: {  	v1 =	vld [tilespmem:s28+$0x2000];
	_ =	sdelay $0x1  }
0x1a2: {  	s13 =	sor.u32 $0xE010, s6  }
0x1a3: {  	[tilespmem:s13+$0x0] =	vst.add.f32.msk $0xffff, v0  }
0x1a4: {  	s17 =	simm.s32 $0x400;
	s15 =	simm.s32 $0x80;
	s13 =	sor.u32 $0xE000, s28;
	v0 =	vld [tilespmem:s6+$0x2020]  }
0x1a5: {  	s18 =	simm.s32 $0x10;
	s11 =	sand.u32 $0x40, s15;
	s15 =	sand.u32 $0x1C00, s17;
	[tilespmem:s13+$0x0] =	vst.add.f32.msk $0xffff, v1  }
0x1a6: {  	s19 =	sand.u32 $0x380, s18;
	s11 =	sor.u32 s11, s15;
	v1 =	vld [tilespmem:s28+$0x2010]  }
0x1a7: {  	s11 =	sor.u32 s19, s11  }
0x1a8: {  	v2 =	vld [tilespmem:s11+$0x2000];
	s21 =	sor.u32 $0xE020, s6  }
0x1a9: {  	[tilespmem:s21+$0x0] =	vst.add.f32.msk $0xffff, v0  }
0x1aa: {  	s23 =	sor.u32 $0xE010, s28;
	v0 =	vld [tilespmem:s6+$0x2030]  }
0x1ab: {  	s31 =	simm.s32 $0x18;
	s19 =	simm.s32 $0x600;
	[tilespmem:s23+$0x0] =	vst.add.f32.msk $0xffff, v1  }
0x1ac: {  	s17 =	simm.s32 $0xC0;
	s18 =	sor.u32 $0xE000, s11;
	s15 =	sand.u32 $0x1C00, s19;
	v1 =	vld [tilespmem:s28+$0x2020]  }
0x1ad: {  	[tilespmem:s18+$0x0] =	vst.add.f32.msk $0xffff, v2;
	s13 =	sand.u32 $0x40, s17;
	s21 =	simm.s32 $0x20;
	s23 =	sand.u32 $0x380, s31  }
.LBB2_13:
0x1ae: {  	p1 =	sne.s32 s21, $0x3F8;
	s13 =	sor.u32 s13, s15;
	v2 =	vld [tilespmem:s11+$0x2010];
	s6 =	sor.u32 $0xE030, s6  }
0x1af: {  	[tilespmem:s6+$0x0] =	vst.add.f32.msk $0xffff, v0;
	s6 =	smov.u32 s28;
	s28 =	smov.u32 s11;
	s11 =	sor.u32 s23, s13  }
0x1b0: {  	v3 =	vld [tilespmem:s11+$0x2000];
	s13 =	sor.u32 $0xE020, s6  }
.Ltmp7:
0x1b1: {  	[tilespmem:s13+$0x0] =	vst.add.f32.msk $0xffff, v1;
	(pc) =	sbr.rel @p1 .LBB2_13-.Ltmp7, $4  }
0x1b2: {  	s13 =	sor.u32 $0xE010, s28;
	v0 =	vld [tilespmem:s6+$0x2030]  }
0x1b3: {  	s17 =	sadd.s32 $0x40, s17;
	[tilespmem:s13+$0x0] =	vst.add.f32.msk $0xffff, v2  }
0x1b4: {  	s19 =	sadd.s32 $0x200, s19;
	s23 =	sand.u32 $0x380, s21;
	s18 =	sor.u32 $0xE000, s11;
	v1 =	vld [tilespmem:s28+$0x2020]  }
0x1b5: {  	s15 =	sand.u32 $0x1C00, s19;
	s21 =	sadd.s32 $0x8, s21;
	s13 =	sand.u32 $0x40, s17;
	[tilespmem:s18+$0x0] =	vst.add.f32.msk $0xffff, v3  }
0x1b6: {  	s13 =	sor.u32 s13, s15  }
0x1b7: {  	s13 =	sor.u32 s23, s13  }
0x1b8: {  	v2 =	vld [tilespmem:s13+$0x2000];
	_ =	sdelay $0x3  }
0x1b9: {  	v3 =	vld [tilespmem:s11+$0x2010];
	s19 =	sor.u32 $0xE000, s13  }
0x1ba: {  	[tilespmem:s19+$0x0] =	vst.add.f32.msk $0xffff, v2  }
0x1bb: {  	v2 =	vld [tilespmem:s13+$0x2010];
	_ =	sdelay $0x1  }
0x1bc: {  	s21 =	sor.u32 $0xE010, s11  }
0x1bd: {  	[tilespmem:s21+$0x0] =	vst.add.f32.msk $0xffff, v3  }
0x1be: {  	s23 =	sor.u32 $0xE010, s13;
	v3 =	vld [tilespmem:s11+$0x2020]  }
0x1bf: {  	[tilespmem:s23+$0x0] =	vst.add.f32.msk $0xffff, v2  }
0x1c0: {  	s17 =	sor.u32 $0xE020, s28;
	v2 =	vld [tilespmem:s13+$0x2020]  }
0x1c1: {  	[tilespmem:s17+$0x0] =	vst.add.f32.msk $0xffff, v1  }
0x1c2: {  	s18 =	sor.u32 $0xE020, s11;
	v1 =	vld [tilespmem:s28+$0x2030]  }
0x1c3: {  	[tilespmem:s18+$0x0] =	vst.add.f32.msk $0xffff, v3  }
0x1c4: {  	s19 =	sor.u32 $0xE020, s13;
	v3 =	vld [tilespmem:s11+$0x2030]  }
0x1c5: {  	[tilespmem:s19+$0x0] =	vst.add.f32.msk $0xffff, v2  }
0x1c6: {  	v2 =	vld [tilespmem:s13+$0x2030]  }
0x1c7: {  	s6 =	sor.u32 $0xE030, s6  }
0x1c8: {  	[tilespmem:s6+$0x0] =	vst.add.f32.msk $0xffff, v0;
	s21 =	sor.u32 $0xE030, s28  }
0x1c9: {  	[tilespmem:s21+$0x0] =	vst.add.f32.msk $0xffff, v1;
	s23 =	sor.u32 $0xE030, s11  }
0x1ca: {  	s11 =	sor.u32 $0xE030, s13;
	[tilespmem:s23+$0x0] =	vst.add.f32.msk $0xffff, v3  }
0x1cb: {  	s12 =	sadd.s32 s4, s12;
	s6 =	simm.s32 @!p0 $0xC;
	s28 =	simm.s32 $0xE000;
	[tilespmem:s11+$0x0] =	vst.add.f32.msk $0xffff, v2  }
0x1cc: {  	[hbm4b:s12+s5] =	stream.linear.scatter [tilespmem:s28], [sflag:$0x10], $0x2000, $0x38;
	[tilespmem:$0x14000] =	vst v63  }
0x1cd: {  	_ =	swait.ge @!p0 [sflag:s6], $0x2000  }
0x1ce: {  	[sflag:s6] =	ssyncset.done @!p0 $0x0  }
0x1cf: {  	s13 =	simm.s32 $0x0;
	[sflag:s6] =	ssyncadd.s32 @!p0 $0xFFFFE000;
	s6 =	rddreg [dreg:$0x7]  }
0x1d0: {  	s11 =	simm.s32 @!p0 $0x0;
	s12 =	simm.s32 @!p0 $0x6000;
	s6 =	sadd.s32 @!p0 s26, s6  }
0x1d1: {  	[tilespmem:s12], [sflag:$0x4] =	stream.linear.gather @!p0 [hbm4b:s6+s11], $0x2000, $0x38;
	[tilespmem:$0x14000] =	vst v63  }
0x1d2: {  	s15 =	sand.u32 $0x40, s13;
	s17 =	sand.u32 $0x1C00, s13;
	_ =	swait.ge [sflag:s0], $0x2000  }
0x1d3: {  	s6 =	sand.u32 $0x380, s13;
	s11 =	sor.u32 s15, s17;
	[sflag:s0] =	ssyncset.done $0x0  }
0x1d4: {  	s6 =	sor.u32 s6, s11;
	[sflag:s0] =	ssyncadd.s32 $0xFFFFE000  }
0x1d5: {  	v0 =	vld [tilespmem:s6+$0x2000];
	_ =	sdelay $0x3  }
0x1d6: {  	s21 =	simm.s32 $0x200;
	s18 =	simm.s32 $0x40;
	s19 =	sor.u32 $0x10000, s6  }
0x1d7: {  	s23 =	simm.s32 $0x8;
	s13 =	sand.u32 $0x1C00, s21;
	s11 =	sand.u32 $0x40, s18;
	[tilespmem:s19+$0x0] =	vst.add.f32.msk $0xffff, v0  }
0x1d8: {  	s17 =	sand.u32 $0x380, s23;
	s11 =	sor.u32 s11, s13;
	v0 =	vld [tilespmem:s6+$0x2010]  }
0x1d9: {  	s12 =	sor.u32 s17, s11  }
0x1da: {  	v1 =	vld [tilespmem:s12+$0x2000];
	_ =	sdelay $0x1  }
0x1db: {  	s18 =	sor.u32 $0x10010, s6  }
0x1dc: {  	[tilespmem:s18+$0x0] =	vst.add.f32.msk $0xffff, v0  }
0x1dd: {  	s23 =	simm.s32 $0x400;
	s21 =	sor.u32 $0x10000, s12;
	s19 =	simm.s32 $0x80;
	v0 =	vld [tilespmem:s6+$0x2020]  }
0x1de: {  	s15 =	sand.u32 $0x1C00, s23;
	s17 =	simm.s32 $0x10;
	[tilespmem:s21+$0x0] =	vst.add.f32.msk $0xffff, v1;
	s11 =	sand.u32 $0x40, s19  }
0x1df: {  	v1 =	vld [tilespmem:s12+$0x2010];
	s11 =	sor.u32 s11, s15;
	s18 =	sand.u32 $0x380, s17  }
0x1e0: {  	s11 =	sor.u32 s18, s11  }
0x1e1: {  	s19 =	sor.u32 $0x10020, s6;
	v2 =	vld [tilespmem:s11+$0x2000]  }
0x1e2: {  	[tilespmem:s19+$0x0] =	vst.add.f32.msk $0xffff, v0  }
0x1e3: {  	s23 =	simm.s32 $0x18;
	s21 =	sor.u32 $0x10010, s12;
	v0 =	vld [tilespmem:s6+$0x2030]  }
0x1e4: {  	s31 =	simm.s32 $0x10000;
	s23 =	sand.u32 $0x380, s23;
	[tilespmem:s21+$0x0] =	vst.add.f32.msk $0xffff, v1  }
0x1e5: {  	s17 =	simm.s32 $0xC0;
	v1 =	vld [tilespmem:s12+$0x2020];
	s18 =	sor.u32 $0x10000, s11;
	s19 =	simm.s32 $0x600  }
0x1e6: {  	s21 =	simm.s32 $0x20;
	s13 =	sand.u32 $0x40, s17;
	s15 =	sand.u32 $0x1C00, s19;
	[tilespmem:s18+$0x0] =	vst.add.f32.msk $0xffff, v2  }
.LBB2_15:
0x1e7: {  	p1 =	sne.s32 s21, $0x3F8;
	s13 =	sor.u32 s13, s15;
	v2 =	vld [tilespmem:s11+$0x2010];
	s6 =	sor.u32 $0x10030, s6  }
0x1e8: {  	[tilespmem:s6+$0x0] =	vst.add.f32.msk $0xffff, v0;
	s6 =	smov.u32 s12;
	s12 =	smov.u32 s11;
	s11 =	sor.u32 s23, s13  }
0x1e9: {  	v3 =	vld [tilespmem:s11+$0x2000];
	s13 =	sor.u32 $0x10020, s6  }
.Ltmp8:
0x1ea: {  	[tilespmem:s13+$0x0] =	vst.add.f32.msk $0xffff, v1;
	(pc) =	sbr.rel @p1 .LBB2_15-.Ltmp8, $4  }
0x1eb: {  	s13 =	sor.u32 $0x10010, s12;
	v0 =	vld [tilespmem:s6+$0x2030]  }
0x1ec: {  	s17 =	sadd.s32 $0x40, s17;
	[tilespmem:s13+$0x0] =	vst.add.f32.msk $0xffff, v2  }
0x1ed: {  	s19 =	sadd.s32 $0x200, s19;
	s23 =	sand.u32 $0x380, s21;
	s18 =	sor.u32 $0x10000, s11;
	v1 =	vld [tilespmem:s12+$0x2020]  }
0x1ee: {  	s15 =	sand.u32 $0x1C00, s19;
	s21 =	sadd.s32 $0x8, s21;
	s13 =	sand.u32 $0x40, s17;
	[tilespmem:s18+$0x0] =	vst.add.f32.msk $0xffff, v3  }
0x1ef: {  	s13 =	sor.u32 s13, s15  }
0x1f0: {  	s13 =	sor.u32 s23, s13  }
0x1f1: {  	v2 =	vld [tilespmem:s13+$0x2000];
	_ =	sdelay $0x3  }
0x1f2: {  	v3 =	vld [tilespmem:s11+$0x2010];
	s19 =	sor.u32 $0x10000, s13  }
0x1f3: {  	[tilespmem:s19+$0x0] =	vst.add.f32.msk $0xffff, v2  }
0x1f4: {  	v2 =	vld [tilespmem:s13+$0x2010];
	_ =	sdelay $0x1  }
0x1f5: {  	s21 =	sor.u32 $0x10010, s11  }
0x1f6: {  	[tilespmem:s21+$0x0] =	vst.add.f32.msk $0xffff, v3  }
0x1f7: {  	s23 =	sor.u32 $0x10010, s13;
	v3 =	vld [tilespmem:s11+$0x2020]  }
0x1f8: {  	[tilespmem:s23+$0x0] =	vst.add.f32.msk $0xffff, v2  }
0x1f9: {  	s17 =	sor.u32 $0x10020, s12;
	v2 =	vld [tilespmem:s13+$0x2020]  }
0x1fa: {  	[tilespmem:s17+$0x0] =	vst.add.f32.msk $0xffff, v1  }
0x1fb: {  	s18 =	sor.u32 $0x10020, s11;
	v1 =	vld [tilespmem:s12+$0x2030]  }
0x1fc: {  	[tilespmem:s18+$0x0] =	vst.add.f32.msk $0xffff, v3  }
0x1fd: {  	s19 =	sor.u32 $0x10020, s13;
	v3 =	vld [tilespmem:s11+$0x2030]  }
0x1fe: {  	[tilespmem:s19+$0x0] =	vst.add.f32.msk $0xffff, v2  }
0x1ff: {  	v2 =	vld [tilespmem:s13+$0x2030]  }
0x200: {  	s6 =	sor.u32 $0x10030, s6  }
0x201: {  	[tilespmem:s6+$0x0] =	vst.add.f32.msk $0xffff, v0;
	s21 =	sor.u32 $0x10030, s12  }
0x202: {  	[tilespmem:s21+$0x0] =	vst.add.f32.msk $0xffff, v1;
	s23 =	sor.u32 $0x10030, s11  }
0x203: {  	s11 =	sor.u32 $0x10030, s13;
	[tilespmem:s23+$0x0] =	vst.add.f32.msk $0xffff, v3  }
0x204: {  	s6 =	simm.s32 @!p0 $0xD;
	s12 =	sadd.s32 s4, s9;
	[tilespmem:s11+$0x0] =	vst.add.f32.msk $0xffff, v2  }
0x205: {  	[hbm4b:s12+s5] =	stream.linear.scatter [tilespmem:s31], [sflag:$0x11], $0x2000, $0x38;
	[tilespmem:$0x14000] =	vst v63  }
0x206: {  	_ =	swait.ge @!p0 [sflag:s6], $0x2000  }
0x207: {  	[sflag:s6] =	ssyncset.done @!p0 $0x0  }
0x208: {  	s9 =	simm.s32 @!p0 $0x0;
	[sflag:s6] =	ssyncadd.s32 @!p0 $0xFFFFE000;
	s6 =	rddreg [dreg:$0xa]  }
0x209: {  	s13 =	simm.s32 $0x0;
	s11 =	simm.s32 @!p0 $0x8000;
	s6 =	sadd.s32 @!p0 s26, s6  }
0x20a: {  	[tilespmem:s11], [sflag:$0x5] =	stream.linear.gather @!p0 [hbm4b:s6+s9], $0x2000, $0x38;
	[tilespmem:$0x14000] =	vst v63  }
0x20b: {  	s15 =	sand.u32 $0x40, s13;
	s17 =	sand.u32 $0x1C00, s13;
	_ =	swait.ge [sflag:s8], $0x2000  }
0x20c: {  	s6 =	sand.u32 $0x380, s13;
	s9 =	sor.u32 s15, s17;
	[sflag:s8] =	ssyncset.done $0x0  }
0x20d: {  	s6 =	sor.u32 s6, s9;
	[sflag:s8] =	ssyncadd.s32 $0xFFFFE000  }
0x20e: {  	v0 =	vld [tilespmem:s6+$0x2000];
	_ =	sdelay $0x3  }
0x20f: {  	s21 =	simm.s32 $0x200;
	s18 =	simm.s32 $0x40;
	s19 =	sor.u32 $0x12000, s6  }
0x210: {  	s23 =	simm.s32 $0x8;
	s12 =	sand.u32 $0x1C00, s21;
	s9 =	sand.u32 $0x40, s18;
	[tilespmem:s19+$0x0] =	vst.add.f32.msk $0xffff, v0  }
0x211: {  	s26 =	sand.u32 $0x380, s23;
	s9 =	sor.u32 s9, s12;
	v0 =	vld [tilespmem:s6+$0x2010]  }
0x212: {  	s9 =	sor.u32 s26, s9  }
0x213: {  	v1 =	vld [tilespmem:s9+$0x2000];
	_ =	sdelay $0x1  }
0x214: {  	s12 =	sor.u32 $0x12010, s6  }
0x215: {  	[tilespmem:s12+$0x0] =	vst.add.f32.msk $0xffff, v0  }
0x216: {  	s13 =	simm.s32 $0x80;
	s17 =	simm.s32 $0x400;
	s15 =	sor.u32 $0x12000, s9;
	v0 =	vld [tilespmem:s6+$0x2020]  }
0x217: {  	s18 =	simm.s32 $0x10;
	s11 =	sand.u32 $0x40, s13;
	s13 =	sand.u32 $0x1C00, s17;
	[tilespmem:s15+$0x0] =	vst.add.f32.msk $0xffff, v1  }
0x218: {  	s11 =	sor.u32 s11, s13;
	s19 =	sand.u32 $0x380, s18;
	v1 =	vld [tilespmem:s9+$0x2010]  }
0x219: {  	s11 =	sor.u32 s19, s11  }
0x21a: {  	s21 =	sor.u32 $0x12020, s6;
	v2 =	vld [tilespmem:s11+$0x2000]  }
0x21b: {  	[tilespmem:s21+$0x0] =	vst.add.f32.msk $0xffff, v0  }
0x21c: {  	s23 =	sor.u32 $0x12010, s9;
	v0 =	vld [tilespmem:s6+$0x2030]  }
0x21d: {  	s17 =	simm.s32 $0x600;
	s26 =	simm.s32 $0x18;
	[tilespmem:s23+$0x0] =	vst.add.f32.msk $0xffff, v1  }
0x21e: {  	s15 =	sand.u32 $0x1C00, s17;
	s18 =	sor.u32 $0x12000, s11;
	s12 =	simm.s32 $0xC0;
	v1 =	vld [tilespmem:s9+$0x2020]  }
0x21f: {  	s19 =	simm.s32 $0x20;
	s13 =	sand.u32 $0x40, s12;
	[tilespmem:s18+$0x0] =	vst.add.f32.msk $0xffff, v2;
	s21 =	sand.u32 $0x380, s26  }
.LBB2_17:
0x220: {  	p1 =	sne.s32 s19, $0x3F8;
	s13 =	sor.u32 s13, s15;
	v2 =	vld [tilespmem:s11+$0x2010];
	s6 =	sor.u32 $0x12030, s6  }
0x221: {  	[tilespmem:s6+$0x0] =	vst.add.f32.msk $0xffff, v0;
	s6 =	smov.u32 s9;
	s9 =	smov.u32 s11;
	s11 =	sor.u32 s21, s13  }
0x222: {  	v3 =	vld [tilespmem:s11+$0x2000];
	s13 =	sor.u32 $0x12020, s6  }
.Ltmp9:
0x223: {  	[tilespmem:s13+$0x0] =	vst.add.f32.msk $0xffff, v1;
	(pc) =	sbr.rel @p1 .LBB2_17-.Ltmp9, $4  }
0x224: {  	s13 =	sor.u32 $0x12010, s9;
	v0 =	vld [tilespmem:s6+$0x2030]  }
0x225: {  	s12 =	sadd.s32 $0x40, s12;
	[tilespmem:s13+$0x0] =	vst.add.f32.msk $0xffff, v2  }
0x226: {  	s17 =	sadd.s32 $0x200, s17;
	s21 =	sand.u32 $0x380, s19;
	s18 =	sor.u32 $0x12000, s11;
	v1 =	vld [tilespmem:s9+$0x2020]  }
0x227: {  	s15 =	sand.u32 $0x1C00, s17;
	s19 =	sadd.s32 $0x8, s19;
	s13 =	sand.u32 $0x40, s12;
	[tilespmem:s18+$0x0] =	vst.add.f32.msk $0xffff, v3  }
0x228: {  	s12 =	sor.u32 s13, s15  }
0x229: {  	s12 =	sor.u32 s21, s12  }
0x22a: {  	v2 =	vld [tilespmem:s12+$0x2000];
	_ =	sdelay $0x3  }
0x22b: {  	v3 =	vld [tilespmem:s11+$0x2010];
	s21 =	sor.u32 $0x12000, s12  }
0x22c: {  	[tilespmem:s21+$0x0] =	vst.add.f32.msk $0xffff, v2  }
0x22d: {  	v2 =	vld [tilespmem:s12+$0x2010];
	_ =	sdelay $0x1  }
0x22e: {  	s23 =	sor.u32 $0x12010, s11  }
0x22f: {  	[tilespmem:s23+$0x0] =	vst.add.f32.msk $0xffff, v3  }
0x230: {  	s26 =	sor.u32 $0x12010, s12;
	v3 =	vld [tilespmem:s11+$0x2020]  }
0x231: {  	[tilespmem:s26+$0x0] =	vst.add.f32.msk $0xffff, v2  }
0x232: {  	s15 =	sor.u32 $0x12020, s9;
	v2 =	vld [tilespmem:s12+$0x2020]  }
0x233: {  	[tilespmem:s15+$0x0] =	vst.add.f32.msk $0xffff, v1  }
0x234: {  	s17 =	sor.u32 $0x12020, s11;
	v1 =	vld [tilespmem:s9+$0x2030]  }
0x235: {  	[tilespmem:s17+$0x0] =	vst.add.f32.msk $0xffff, v3  }
0x236: {  	s18 =	sor.u32 $0x12020, s12;
	v3 =	vld [tilespmem:s11+$0x2030]  }
0x237: {  	[tilespmem:s18+$0x0] =	vst.add.f32.msk $0xffff, v2  }
0x238: {  	v2 =	vld [tilespmem:s12+$0x2030]  }
0x239: {  	s6 =	sor.u32 $0x12030, s6  }
.Ltmp10:
0x23a: {  	s19 =	sor.u32 $0x12030, s9;
	[tilespmem:s6+$0x0] =	vst.add.f32.msk $0xffff, v0;
	(pc) =	sbr.rel @p0 .LBB2_20-.Ltmp10, $4  }
0x23b: {  	s21 =	sor.u32 $0x12030, s11;
	[tilespmem:s19+$0x0] =	vst.add.f32.msk $0xffff, v1  }
0x23c: {  	s23 =	sor.u32 $0x12030, s12;
	[tilespmem:s21+$0x0] =	vst.add.f32.msk $0xffff, v3  }
0x23d: {  	s26 =	sadd.s32 s4, s30;
	s30 =	simm.s32 $0x12000;
	[tilespmem:s23+$0x0] =	vst.add.f32.msk $0xffff, v2  }
0x23e: {  	[hbm4b:s26+s5] =	stream.linear.scatter [tilespmem:s30], [sflag:$0x12], $0x2000, $0x38;
	[tilespmem:$0x14000] =	vst v63  }
0x23f: {  	_ =	swait.ge [sflag:s10], $0x2000;
	s6 =	sadd.s32 s16, s14  }
0x240: {  	s18 =	simm.s32 $0xA000;
	[sflag:s10] =	ssyncset.done $0x0;
	s9 =	rddreg [dreg:$0xc]  }
0x241: {  	s6 =	sshll.u32 s6, $0xA;
	s23 =	rddreg [dreg:$0x1a];
	[sflag:s10] =	ssyncadd.s32 $0xFFFFE000  }
.Ltmp11:
0x242: {  	s6 =	sadd.s32 s6, s9;
	s3 =	sadd.s32 s3, s23;
	(pc) =	sbr.rel .LBB2_2-.Ltmp11, $4  }
0x243: {  	[tilespmem:s18], [sflag:$0x6] =	stream.linear.gather [hbm4b:s6+s5], $0x2000, $0x38;
	[tilespmem:$0x14000] =	vst v63  }
0x244: {  	s3 =	sshll.u32 s3, $0xA;
	s26 =	rddreg [dreg:$0x1]  }
0x245: {  	s30 =	simm.s32 $0x2000;
	s2 =	sadd.s32 $0x1, s2;
	s3 =	sadd.s32 s26, s3  }
0x246: {  	[tilespmem:s30], [sflag:$0x2] =	stream.linear.gather [hbm4b:s3+s5], $0x2000, $0x38;
	[tilespmem:$0x14000] =	vst v63  }
.LBB2_21:
0x247: {  	_ =	sfence.sel $0x180000  }
0x248: {  	[bflag:$0x0] =	sbarrier.arrive $0xFFFF  }
0x249: {  	_ =	strace $0x90000047  }
0x24a: {  	s0 =	stileid.u32;
	[bflag:$0x2] =	sbarrier.arrive $0xFFFF  }
0x24b: {  	p0 =	sne.s32 s0, $0x0;
	s0 =	rddreg [dreg:$0x3]  }
0x24c: {  	s0 =	sadd.s32 @!p0 $0x100000, s0  }
0x24d: {  	[sflag:s0] =	ssyncadd.tile.s32 @!p0 $0x1;
	_ =	shalt  }
.Lfunc_end2:
_tile_overlayer_lowered:
.L_overlay_start_2:
0x24e: {  	(tag) =	ssettag $0x2  }
0x24f: {  	s0 =	rddreg [dreg:$0x0];
	s2 =	stileid.u32  }
0x250: {  	s1 =	rddreg [dreg:$0x1];
	p0 =	sne.s32 s2, $0x0  }
0x251: {  	s3 =	rddreg [dreg:$0x2];
	[bflag:$0x3] =	sbarrier.arrive $0xFFFF;
	s2 =	simm.s32 @!p0 $0x1C13  }
0x252: {  	[timem:s3], [sflag:s2] =	dma.local @!p0 [hbm:s0], s1  }
0x253: {  	s0 =	simm.s32 @!p0 $0x13  }
0x254: {  	_ =	swait.ge @!p0 [sflag:s0], s1  }
0x255: {  	s1 =	ssub.s32 @!p0 $0x0, s1;
	[sflag:s0] =	ssyncset.done @!p0 $0x0  }
0x256: {  	[sflag:s0] =	ssyncadd.s32 @!p0 s1  }
0x257: {  	[bflag:$0x3] =	sbarrier.arrive $0xFFFF  }
0x258: {  	_ =	shalt  }

</sc_bundles>
